<compile_context>
chip_gen: v7x
topology: tpu7x:2x2x1
jax: 0.10.2.dev20260603
libtpu: 0.0.44.dev20260713+nightly
codegen_flags: <defaults>
</compile_context>

<pallas_src>
import functools

import jax
import jax.numpy as jnp
from jax import lax
from jax.experimental import pallas as pl
from jax.experimental.pallas import tpu as pltpu
from jax.experimental.pallas import tpu_sc as plsc

D_IN = 768
D_OUT = 768
E = 8
H = 1024
KTOP = 2
T = 2048
BLK = 512
NB = (KTOP * T) // BLK + E
P = NB * BLK
CHUNK = 128
NW = 32
TPW = T // NW
EPS_OUT = 2.220446049250313e-16


def _gating_body(x_ref, wg_ref, pos_ref, g0r_ref, g1r_ref, meta_ref, loss_ref):
    x = x_ref[...]
    logits = jnp.dot(x, wg_ref[...], preferred_element_type=jnp.float32)
    lane = jax.lax.broadcasted_iota(jnp.int32, (T, E), 1)
    m1 = jnp.max(logits, axis=1, keepdims=True)
    e1 = jnp.min(jnp.where(logits == m1, lane, E), axis=1, keepdims=True)
    masked = jnp.where(lane == e1, -jnp.inf, logits)
    m2 = jnp.max(masked, axis=1, keepdims=True)
    e2 = jnp.min(jnp.where(masked == m2, lane, E), axis=1, keepdims=True)
    u = jnp.exp(m2 - m1)
    g1 = 1.0 / (1.0 + u)
    g2 = u / (1.0 + u)
    g0r_ref[...] = jnp.broadcast_to(g1, (T, 16))
    g1r_ref[...] = jnp.broadcast_to(g2, (T, 16))
    oh1 = lane == e1
    oh2 = lane == e2

    m = jnp.where(oh1 | oh2, 1.0, 0.0)
    r = jax.lax.broadcasted_iota(jnp.int32, (CHUNK, CHUNK), 0)
    c = jax.lax.broadcasted_iota(jnp.int32, (CHUNK, CHUNK), 1)
    ltri = jnp.where(r > c, 1.0, 0.0)
    chunks = []
    carry = jnp.zeros((1, E), jnp.float32)
    for j in range(T // CHUNK):
        mj = m[j * CHUNK : (j + 1) * CHUNK]
        chunks.append(jnp.dot(ltri, mj, preferred_element_type=jnp.float32) + carry)
        carry = carry + jnp.sum(mj, axis=0, keepdims=True)
    excl = jnp.concatenate(chunks, axis=0)

    counts = carry.astype(jnp.int32)
    padded = ((counts + BLK - 1) // BLK) * BLK
    inc = padded
    for sh in (1, 2, 4):
        inc = inc + jnp.concatenate(
            [jnp.zeros((1, sh), jnp.int32), inc[:, :-sh]], axis=1
        )
    seg_start = (inc - padded).astype(jnp.float32)

    def pick(oh):
        return jnp.sum(jnp.where(oh, seg_start + excl, 0.0), axis=1, keepdims=True)

    pos_ref[...] = jnp.concatenate([pick(oh1), pick(oh2)], axis=1).astype(jnp.int32)

    rowb = jax.lax.broadcasted_iota(jnp.int32, (NB, E), 0) * BLK
    blk_e = jnp.minimum(
        jnp.sum((rowb >= inc).astype(jnp.int32), axis=1, keepdims=True), E - 1
    )
    nact = inc[:, E - 1 :] // BLK
    meta_ref[...] = jnp.concatenate([blk_e, nact], axis=0)

    importance = jnp.sum(jnp.where(oh1, g1, 0.0) + jnp.where(oh2, g2, 0.0), axis=0)
    load = jnp.sum(
        oh1.astype(jnp.float32) + jnp.where(oh2 & (g2 > 0.0), 1.0, 0.0), axis=0
    )

    def cv2(v):
        mean = jnp.sum(v) / E
        var = jnp.sum((v - mean) ** 2) / (E - 1)
        return var / (mean * mean + 1e-10)

    loss_ref[...] = ((cv2(importance) + cv2(load)) * 0.01).reshape(1, 1)


def _gating(x, w_gate):
    return pl.pallas_call(
        _gating_body,
        out_shape=[
            jax.ShapeDtypeStruct((T, KTOP), jnp.int32),
            jax.ShapeDtypeStruct((T, 16), jnp.float32),
            jax.ShapeDtypeStruct((T, 16), jnp.float32),
            jax.ShapeDtypeStruct((NB + 1, 1), jnp.int32),
            jax.ShapeDtypeStruct((1, 1), jnp.float32),
        ],
    )(x, w_gate)


_SC_MESH = plsc.VectorSubcoreMesh(core_axis_name="c", subcore_axis_name="s")


@functools.partial(
    pl.kernel,
    mesh=_SC_MESH,
    out_type=jax.ShapeDtypeStruct((P, D_IN), jnp.float32),
    scratch_types=[
        pltpu.VMEM((TPW, D_IN), jnp.float32),
        pltpu.VMEM((TPW,), jnp.int32),
        pltpu.VMEM((TPW,), jnp.int32),
        pltpu.SemaphoreType.DMA,
    ],
)
def _dispatch(x_hbm, p0_hbm, p1_hbm, xs_hbm, rows_v, i0_v, i1_v, sem):
    wid = lax.axis_index("s") * 2 + lax.axis_index("c")
    base = wid * TPW
    pltpu.sync_copy(x_hbm.at[pl.ds(base, TPW)], rows_v)
    pltpu.sync_copy(p0_hbm.at[pl.ds(base, TPW)], i0_v)
    pltpu.sync_copy(p1_hbm.at[pl.ds(base, TPW)], i1_v)
    c1 = pltpu.async_copy(rows_v, xs_hbm.at[i0_v], sem)
    c2 = pltpu.async_copy(rows_v, xs_hbm.at[i1_v], sem)
    c1.wait()
    c2.wait()


@functools.partial(
    pl.kernel,
    mesh=_SC_MESH,
    out_type=jax.ShapeDtypeStruct((T, D_OUT), jnp.float32),
    scratch_types=[
        pltpu.VMEM((TPW, D_OUT), jnp.float32),
        pltpu.VMEM((TPW, D_OUT), jnp.float32),
        pltpu.VMEM((TPW,), jnp.int32),
        pltpu.VMEM((TPW,), jnp.int32),
        pltpu.VMEM((TPW, 16), jnp.float32),
        pltpu.VMEM((TPW, 16), jnp.float32),
        pltpu.SemaphoreType.DMA,
    ],
)
def _combine(r_hbm, p0_hbm, p1_hbm, g0_hbm, g1_hbm, out_hbm,
             a_v, b_v, i0_v, i1_v, ga_v, gb_v, sem):
    wid = lax.axis_index("s") * 2 + lax.axis_index("c")
    base = wid * TPW
    pltpu.sync_copy(p0_hbm.at[pl.ds(base, TPW)], i0_v)
    pltpu.sync_copy(p1_hbm.at[pl.ds(base, TPW)], i1_v)
    pltpu.sync_copy(g0_hbm.at[pl.ds(base, TPW)], ga_v)
    pltpu.sync_copy(g1_hbm.at[pl.ds(base, TPW)], gb_v)
    c1 = pltpu.async_copy(r_hbm.at[i0_v], a_v, sem)
    c2 = pltpu.async_copy(r_hbm.at[i1_v], b_v, sem)
    c1.wait()
    c2.wait()
    eps = jnp.full((16,), EPS_OUT, jnp.float32)

    @plsc.parallel_loop(0, TPW, 1, unroll=4)
    def _row(t):
        ga = ga_v[t, :]
        gb = gb_v[t, :]
        for cidx in range(D_OUT // 16):
            sl = pl.ds(cidx * 16, 16)
            v = ga * a_v[t, sl] + gb * b_v[t, sl]
            a_v[t, sl] = jnp.where(v == 0.0, eps, v)
    pltpu.sync_copy(a_v, out_hbm.at[pl.ds(base, TPW)])


def _mlp_body(meta_ref, xs_ref, w1_ref, b1_ref, w2_ref, b2_ref, out_ref):
    b = pl.program_id(0)
    nact = meta_ref[NB, 0]

    @pl.when(b < nact)
    def _():
        xb = xs_ref[...].astype(jnp.bfloat16)
        h = jnp.maximum(
            jnp.dot(xb, w1_ref[0].astype(jnp.bfloat16),
                    preferred_element_type=jnp.float32) + b1_ref[0],
            0.0,
        )
        out_ref[...] = (
            jnp.dot(h.astype(jnp.bfloat16), w2_ref[0].astype(jnp.bfloat16),
                    preferred_element_type=jnp.float32) + b2_ref[0]
        )


def _grouped_mlp(meta, xs, W1, b1, W2, b2):
    grid_spec = pltpu.PrefetchScalarGridSpec(
        num_scalar_prefetch=1,
        grid=(NB,),
        in_specs=[
            pl.BlockSpec((BLK, D_IN), lambda b, m: (b, 0)),
            pl.BlockSpec((1, D_IN, H), lambda b, m: (m[b, 0], 0, 0)),
            pl.BlockSpec((1, 1, H), lambda b, m: (m[b, 0], 0, 0)),
            pl.BlockSpec((1, H, D_OUT), lambda b, m: (m[b, 0], 0, 0)),
            pl.BlockSpec((1, 1, D_OUT), lambda b, m: (m[b, 0], 0, 0)),
        ],
        out_specs=pl.BlockSpec((BLK, D_OUT), lambda b, m: (b, 0)),
    )
    return pl.pallas_call(
        _mlp_body,
        grid_spec=grid_spec,
        out_shape=jax.ShapeDtypeStruct((P, D_OUT), jnp.float32),
    )(meta, xs, W1, b1.reshape(E, 1, H), W2, b2.reshape(E, 1, D_OUT))


def kernel(x, w_gate, W1, b1, W2, b2):
    pos, g0r, g1r, meta, loss = _gating(x, w_gate)
    p0 = pos[:, 0]
    p1 = pos[:, 1]
    xs = _dispatch(x, p0, p1)
    out_sorted = _grouped_mlp(meta, xs, W1, b1, W2, b2)
    combined = _combine(out_sorted, p0, p1, g0r, g1r)
    return combined, loss.reshape(())

# --- scband reference (transcript-rebuilt; emitter-appended) ---
"""Pipeline reference for scband-mo-e-56753697849960 (READ-ONLY COPY).

The authoritative reference and input builder live on the scoring server;
editing this copy changes nothing except your own understanding.
"""

import jax, jax.numpy as jnp
import numpy as np

INPUT_SIZE = 768
OUTPUT_SIZE = 768
NUM_EXPERTS = 8
HIDDEN = 1024
K = 2
TOKENS = 2048


def setup_inputs(seed: int = 0) -> dict:
    key = jax.random.key(seed)
    ks = jax.random.split(key, 6)
    x = jax.random.normal(ks[0], (TOKENS, INPUT_SIZE), dtype=jnp.float32)
    w_gate = jax.random.normal(ks[1], (INPUT_SIZE, NUM_EXPERTS), dtype=jnp.float32) * 0.02
    W1 = jax.random.normal(ks[2], (NUM_EXPERTS, INPUT_SIZE, HIDDEN), dtype=jnp.float32) * 0.02
    b1 = jnp.zeros((NUM_EXPERTS, HIDDEN), dtype=jnp.float32)
    W2 = jax.random.normal(ks[3], (NUM_EXPERTS, HIDDEN, OUTPUT_SIZE), dtype=jnp.float32) * 0.02
    b2 = jnp.zeros((NUM_EXPERTS, OUTPUT_SIZE), dtype=jnp.float32)
    return {"x": x, "w_gate": w_gate, "W1": W1, "b1": b1, "W2": W2, "b2": b2}


def _cv_squared(v):
    # torch .var() is unbiased (ddof=1)
    eps = 1e-10
    if v.shape[0] == 1:
        return jnp.array(0.0, dtype=jnp.float32)
    return jnp.var(v, ddof=1) / (jnp.mean(v) ** 2 + eps)


def reference(x, w_gate, W1, b1, W2, b2):
    loss_coef = 0.01
    T = x.shape[0]
    # noisy_top_k_gating with noisy_gating=False
    clean_logits = x @ w_gate
    logits = clean_logits
    top_logits, top_indices = jax.lax.top_k(logits, min(K + 1, NUM_EXPERTS))
    top_k_logits = top_logits[:, :K]
    top_k_indices = top_indices[:, :K]
    top_k_gates = jax.nn.softmax(top_k_logits, axis=1)
    gates = jnp.zeros_like(logits).at[jnp.arange(T)[:, None], top_k_indices].set(top_k_gates)
    load = (gates > 0).sum(0).astype(jnp.float32)  # _gates_to_load
    importance = gates.sum(0)
    loss = (_cv_squared(importance) + _cv_squared(load)) * loss_coef
    # Expert MLPs + SparseDispatcher combine. Dense formulation is mathematically
    # identical to dispatch/split/index_add: tokens with gate==0 contribute 0.
    h = jnp.maximum(jnp.einsum('td,edh->eth', x, W1) + b1[:, None, :], 0.0)
    expert_out = jnp.einsum('eth,eho->eto', h, W2) + b2[:, None, :]
    combined = jnp.einsum('te,eto->to', gates, expert_out)
    eps = np.finfo(float).eps
    combined = jnp.where(combined == 0, jnp.asarray(eps, dtype=combined.dtype), combined)
    return combined, loss

if __name__ == "__main__":
    import jax
    _d = setup_inputs()
    print(jax.jit(kernel)(*tuple(_d.values())))

</pallas_src>

<mosaic_0001>
#map = affine_map<(d0, d1) -> (0, 0)>
#map1 = affine_map<(d0, d1) -> (0)>
module attributes {stable_mosaic.version = 14 : i64} {
  func.func @_combine(%arg0: i32, %arg1: i32, %arg2: memref<8192x768xf32, #tpu.memory_space<hbm>>, %arg3: memref<2048xi32, #tpu.memory_space<hbm>>, %arg4: memref<2048xi32, #tpu.memory_space<hbm>>, %arg5: memref<2048x16xf32, #tpu.memory_space<hbm>>, %arg6: memref<2048x16xf32, #tpu.memory_space<hbm>>, %arg7: memref<2048x768xf32, #tpu.memory_space<hbm>>, %arg8: memref<64x768xf32, #tpu.memory_space<vmem>>, %arg9: memref<64x768xf32, #tpu.memory_space<vmem>>, %arg10: memref<64xi32, #tpu.memory_space<vmem>>, %arg11: memref<64xi32, #tpu.memory_space<vmem>>, %arg12: memref<64x16xf32, #tpu.memory_space<vmem>>, %arg13: memref<64x16xf32, #tpu.memory_space<vmem>>, %arg14: memref<!tpu.dma_semaphore, #tpu.memory_space<semaphore_mem>>) attributes {dimension_semantics = [#tpu.dimension_semantics<core_parallel>, #tpu.dimension_semantics<subcore_parallel>], iteration_bounds = array<i64: 2, 16>, scalar_prefetch = 0 : i64, scratch_operands = 7 : i64, tpu.core_type = #tpu.core_type<sc_vector_subcore>, window_params = [{transform_indices = #map}, {transform_indices = #map1}, {transform_indices = #map1}, {transform_indices = #map}, {transform_indices = #map}, {transform_indices = #map}]} {
    %mul3A = arith.constant 2 : i32
    %mul3A_0 = arith.muli %arg1, %mul3A : i32
    %add3A = arith.addi %mul3A_0, %arg0 : i32
    %mul3A_1 = arith.constant 64 : i32
    %mul3A_2 = arith.muli %add3A, %mul3A_1 : i32
    "tpu.region"() ({
      %run_scoped3A = tpu.sem_alloc : memref<!tpu.dma_semaphore, #tpu.memory_space<semaphore_mem>>
      %dma_start3A_16 = tpu.memref_slice %arg3[%mul3A_2] : memref<2048xi32, #tpu.memory_space<hbm>> -> memref<64xi32, #tpu.memory_space<hbm>>
      %dma_start3A_17 = tpu.memref_slice %arg3[%mul3A_2] : memref<2048xi32, #tpu.memory_space<hbm>> -> memref<64xi32, #tpu.memory_space<hbm>>
      tpu.enqueue_dma source(%dma_start3A_17 : memref<64xi32, #tpu.memory_space<hbm>>) target(%arg10 : memref<64xi32, #tpu.memory_space<vmem>>) target_semaphore(%run_scoped3A : memref<!tpu.dma_semaphore, #tpu.memory_space<semaphore_mem>>)
      %dma_wait3A_18 = tpu.memref_slice %arg3[%mul3A_2] : memref<2048xi32, #tpu.memory_space<hbm>> -> memref<64xi32, #tpu.memory_space<hbm>>
      %dma_wait3A_19 = tpu.memref_slice %arg3[%mul3A_2] : memref<2048xi32, #tpu.memory_space<hbm>> -> memref<64xi32, #tpu.memory_space<hbm>>
      tpu.wait_dma2 semaphore(%run_scoped3A : memref<!tpu.dma_semaphore, #tpu.memory_space<semaphore_mem>>) src(%dma_wait3A_19 : memref<64xi32, #tpu.memory_space<hbm>>) dst(%arg10 : memref<64xi32, #tpu.memory_space<vmem>>)
      tpu.yield
    }) : () -> ()
    "tpu.region"() ({
      %run_scoped3A = tpu.sem_alloc : memref<!tpu.dma_semaphore, #tpu.memory_space<semaphore_mem>>
      %dma_start3A_16 = tpu.memref_slice %arg4[%mul3A_2] : memref<2048xi32, #tpu.memory_space<hbm>> -> memref<64xi32, #tpu.memory_space<hbm>>
      %dma_start3A_17 = tpu.memref_slice %arg4[%mul3A_2] : memref<2048xi32, #tpu.memory_space<hbm>> -> memref<64xi32, #tpu.memory_space<hbm>>
      tpu.enqueue_dma source(%dma_start3A_17 : memref<64xi32, #tpu.memory_space<hbm>>) target(%arg11 : memref<64xi32, #tpu.memory_space<vmem>>) target_semaphore(%run_scoped3A : memref<!tpu.dma_semaphore, #tpu.memory_space<semaphore_mem>>)
      %dma_wait3A_18 = tpu.memref_slice %arg4[%mul3A_2] : memref<2048xi32, #tpu.memory_space<hbm>> -> memref<64xi32, #tpu.memory_space<hbm>>
      %dma_wait3A_19 = tpu.memref_slice %arg4[%mul3A_2] : memref<2048xi32, #tpu.memory_space<hbm>> -> memref<64xi32, #tpu.memory_space<hbm>>
      tpu.wait_dma2 semaphore(%run_scoped3A : memref<!tpu.dma_semaphore, #tpu.memory_space<semaphore_mem>>) src(%dma_wait3A_19 : memref<64xi32, #tpu.memory_space<hbm>>) dst(%arg11 : memref<64xi32, #tpu.memory_space<vmem>>)
      tpu.yield
    }) : () -> ()
    "tpu.region"() ({
      %run_scoped3A = tpu.sem_alloc : memref<!tpu.dma_semaphore, #tpu.memory_space<semaphore_mem>>
      %dma_start3A_16 = arith.constant 0 : i32
      %dma_start3A_17 = tpu.memref_slice %arg5[%mul3A_2, %dma_start3A_16] : memref<2048x16xf32, #tpu.memory_space<hbm>> -> memref<64x16xf32, #tpu.memory_space<hbm>>
      %dma_start3A_18 = arith.constant 0 : i32
      %dma_start3A_19 = tpu.memref_slice %arg5[%mul3A_2, %dma_start3A_18] : memref<2048x16xf32, #tpu.memory_space<hbm>> -> memref<64x16xf32, #tpu.memory_space<hbm>>
      tpu.enqueue_dma source(%dma_start3A_19 : memref<64x16xf32, #tpu.memory_space<hbm>>) target(%arg12 : memref<64x16xf32, #tpu.memory_space<vmem>>) target_semaphore(%run_scoped3A : memref<!tpu.dma_semaphore, #tpu.memory_space<semaphore_mem>>)
      %dma_wait3A_20 = arith.constant 0 : i32
      %dma_wait3A_21 = tpu.memref_slice %arg5[%mul3A_2, %dma_wait3A_20] : memref<2048x16xf32, #tpu.memory_space<hbm>> -> memref<64x16xf32, #tpu.memory_space<hbm>>
      %dma_wait3A_22 = arith.constant 0 : i32
      %dma_wait3A_23 = tpu.memref_slice %arg5[%mul3A_2, %dma_wait3A_22] : memref<2048x16xf32, #tpu.memory_space<hbm>> -> memref<64x16xf32, #tpu.memory_space<hbm>>
      tpu.wait_dma2 semaphore(%run_scoped3A : memref<!tpu.dma_semaphore, #tpu.memory_space<semaphore_mem>>) src(%dma_wait3A_23 : memref<64x16xf32, #tpu.memory_space<hbm>>) dst(%arg12 : memref<64x16xf32, #tpu.memory_space<vmem>>)
      tpu.yield
    }) : () -> ()
    "tpu.region"() ({
      %run_scoped3A = tpu.sem_alloc : memref<!tpu.dma_semaphore, #tpu.memory_space<semaphore_mem>>
      %dma_start3A_16 = arith.constant 0 : i32
      %dma_start3A_17 = tpu.memref_slice %arg6[%mul3A_2, %dma_start3A_16] : memref<2048x16xf32, #tpu.memory_space<hbm>> -> memref<64x16xf32, #tpu.memory_space<hbm>>
      %dma_start3A_18 = arith.constant 0 : i32
      %dma_start3A_19 = tpu.memref_slice %arg6[%mul3A_2, %dma_start3A_18] : memref<2048x16xf32, #tpu.memory_space<hbm>> -> memref<64x16xf32, #tpu.memory_space<hbm>>
      tpu.enqueue_dma source(%dma_start3A_19 : memref<64x16xf32, #tpu.memory_space<hbm>>) target(%arg13 : memref<64x16xf32, #tpu.memory_space<vmem>>) target_semaphore(%run_scoped3A : memref<!tpu.dma_semaphore, #tpu.memory_space<semaphore_mem>>)
      %dma_wait3A_20 = arith.constant 0 : i32
      %dma_wait3A_21 = tpu.memref_slice %arg6[%mul3A_2, %dma_wait3A_20] : memref<2048x16xf32, #tpu.memory_space<hbm>> -> memref<64x16xf32, #tpu.memory_space<hbm>>
      %dma_wait3A_22 = arith.constant 0 : i32
      %dma_wait3A_23 = tpu.memref_slice %arg6[%mul3A_2, %dma_wait3A_22] : memref<2048x16xf32, #tpu.memory_space<hbm>> -> memref<64x16xf32, #tpu.memory_space<hbm>>
      tpu.wait_dma2 semaphore(%run_scoped3A : memref<!tpu.dma_semaphore, #tpu.memory_space<semaphore_mem>>) src(%dma_wait3A_23 : memref<64x16xf32, #tpu.memory_space<hbm>>) dst(%arg13 : memref<64x16xf32, #tpu.memory_space<vmem>>)
      tpu.yield
    }) : () -> ()
    %dma_start3A = arith.constant 0 : i32
    %dma_start3A_3 = arith.constant 0 : i32
    %dma_start3A_4 = tpu.memref_slice %arg2[%dma_start3A, %dma_start3A_3] : memref<8192x768xf32, #tpu.memory_space<hbm>> -> memref<8192x768xf32, #tpu.memory_space<hbm>>
    tpu.enqueue_indirect_dma source(%dma_start3A_4 : memref<8192x768xf32, #tpu.memory_space<hbm>>) target(%arg8 : memref<64x768xf32, #tpu.memory_space<vmem>>) offsets(%arg10 : memref<64xi32, #tpu.memory_space<vmem>>) semaphore(%arg14 : memref<!tpu.dma_semaphore, #tpu.memory_space<semaphore_mem>>)
    %dma_start3A_5 = arith.constant 0 : i32
    %dma_start3A_6 = arith.constant 0 : i32
    %dma_start3A_7 = tpu.memref_slice %arg2[%dma_start3A_5, %dma_start3A_6] : memref<8192x768xf32, #tpu.memory_space<hbm>> -> memref<8192x768xf32, #tpu.memory_space<hbm>>
    tpu.enqueue_indirect_dma source(%dma_start3A_7 : memref<8192x768xf32, #tpu.memory_space<hbm>>) target(%arg9 : memref<64x768xf32, #tpu.memory_space<vmem>>) offsets(%arg11 : memref<64xi32, #tpu.memory_space<vmem>>) semaphore(%arg14 : memref<!tpu.dma_semaphore, #tpu.memory_space<semaphore_mem>>)
    %dma_wait3A = arith.constant 0 : i32
    %dma_wait3A_8 = arith.constant 0 : i32
    %dma_wait3A_9 = tpu.memref_slice %arg2[%dma_wait3A, %dma_wait3A_8] : memref<8192x768xf32, #tpu.memory_space<hbm>> -> memref<8192x768xf32, #tpu.memory_space<hbm>>
    tpu.wait_indirect_dma semaphore(%arg14 : memref<!tpu.dma_semaphore, #tpu.memory_space<semaphore_mem>>) src(%dma_wait3A_9 : memref<8192x768xf32, #tpu.memory_space<hbm>>) dst(%arg8 : memref<64x768xf32, #tpu.memory_space<vmem>>)
    %dma_wait3A_10 = arith.constant 0 : i32
    %dma_wait3A_11 = arith.constant 0 : i32
    %dma_wait3A_12 = tpu.memref_slice %arg2[%dma_wait3A_10, %dma_wait3A_11] : memref<8192x768xf32, #tpu.memory_space<hbm>> -> memref<8192x768xf32, #tpu.memory_space<hbm>>
    tpu.wait_indirect_dma semaphore(%arg14 : memref<!tpu.dma_semaphore, #tpu.memory_space<semaphore_mem>>) src(%dma_wait3A_12 : memref<8192x768xf32, #tpu.memory_space<hbm>>) dst(%arg9 : memref<64x768xf32, #tpu.memory_space<vmem>>)
    %broadcast_in_dim3A = arith.constant 2.22044605E-16 : f32
    %broadcast_in_dim3A_13 = vector.broadcast %broadcast_in_dim3A : f32 to vector<16xf32>
    %parallel_loop3A = arith.constant 0 : i32
    %parallel_loop3A_14 = arith.constant 64 : i32
    %parallel_loop3A_15 = arith.constant 1 : i32
    scf.for %parallel_loop3A_16 = %parallel_loop3A to %parallel_loop3A_14 step %parallel_loop3A_15  : i32 {
      %parallel_loop3A_17 = arith.index_cast %parallel_loop3A_16 : i32 to index
      %parallel_loop3A_18 = arith.constant 0 : index
      %parallel_loop3A_19 = tpu.vector_load %arg12[%parallel_loop3A_17, %parallel_loop3A_18] {strides = array<i32>} : memref<64x16xf32, #tpu.memory_space<vmem>>, vector<1x16xf32>,
      %parallel_loop3A_20 = vector.shape_cast %parallel_loop3A_19 : vector<1x16xf32> to vector<16xf32>
      %parallel_loop3A_21 = arith.index_cast %parallel_loop3A_16 : i32 to index
      %parallel_loop3A_22 = arith.constant 0 : index
      %parallel_loop3A_23 = tpu.vector_load %arg13[%parallel_loop3A_21, %parallel_loop3A_22] {strides = array<i32>} : memref<64x16xf32, #tpu.memory_space<vmem>>, vector<1x16xf32>,
      %parallel_loop3A_24 = vector.shape_cast %parallel_loop3A_23 : vector<1x16xf32> to vector<16xf32>
      %parallel_loop3A_25 = arith.index_cast %parallel_loop3A_16 : i32 to index
      %parallel_loop3A_26 = arith.constant 0 : index
      %parallel_loop3A_27 = tpu.vector_load %arg8[%parallel_loop3A_25, %parallel_loop3A_26] {strides = array<i32>} : memref<64x768xf32, #tpu.memory_space<vmem>>, vector<1x16xf32>,
      %parallel_loop3A_28 = vector.shape_cast %parallel_loop3A_27 : vector<1x16xf32> to vector<16xf32>
      %parallel_loop3A_29 = arith.mulf %parallel_loop3A_20, %parallel_loop3A_28 : vector<16xf32>
      %parallel_loop3A_30 = arith.index_cast %parallel_loop3A_16 : i32 to index
      %parallel_loop3A_31 = arith.constant 0 : index
      %parallel_loop3A_32 = tpu.vector_load %arg9[%parallel_loop3A_30, %parallel_loop3A_31] {strides = array<i32>} : memref<64x768xf32, #tpu.memory_space<vmem>>, vector<1x16xf32>,
      %parallel_loop3A_33 = vector.shape_cast %parallel_loop3A_32 : vector<1x16xf32> to vector<16xf32>
      %parallel_loop3A_34 = arith.mulf %parallel_loop3A_24, %parallel_loop3A_33 : vector<16xf32>
      %parallel_loop3A_35 = arith.addf %parallel_loop3A_29, %parallel_loop3A_34 : vector<16xf32>
      %parallel_loop3A_36 = arith.constant 0.000000e+00 : f32
      %parallel_loop3A_37 = vector.broadcast %parallel_loop3A_36 : f32 to vector<16xf32>
      %parallel_loop3A_38 = arith.cmpf oeq, %parallel_loop3A_35, %parallel_loop3A_37 : vector<16xf32>
      %parallel_loop3A_39 = arith.select %parallel_loop3A_38, %broadcast_in_dim3A_13, %parallel_loop3A_35 : vector<16xi1>, vector<16xf32>
      %parallel_loop3A_40 = arith.index_cast %parallel_loop3A_16 : i32 to index
      %parallel_loop3A_41 = arith.constant 0 : index
      %parallel_loop3A_42 = tpu.vector_load %arg8[%parallel_loop3A_40, %parallel_loop3A_41] {strides = array<i32>} : memref<64x768xf32, #tpu.memory_space<vmem>>, vector<1x16xf32>,
      %parallel_loop3A_43 = vector.shape_cast %parallel_loop3A_42 : vector<1x16xf32> to vector<16xf32>
      %parallel_loop3A_44 = vector.shape_cast %parallel_loop3A_39 : vector<16xf32> to vector<1x16xf32>
      tpu.vector_store %arg8[%parallel_loop3A_40, %parallel_loop3A_41], %parallel_loop3A_44 {strides = array<i32>} : memref<64x768xf32, #tpu.memory_space<vmem>>, vector<1x16xf32>,
      %parallel_loop3A_45 = arith.index_cast %parallel_loop3A_16 : i32 to index
      %parallel_loop3A_46 = arith.constant 16 : index
      %parallel_loop3A_47 = tpu.vector_load %arg8[%parallel_loop3A_45, %parallel_loop3A_46] {strides = array<i32>} : memref<64x768xf32, #tpu.memory_space<vmem>>, vector<1x16xf32>,
      %parallel_loop3A_48 = vector.shape_cast %parallel_loop3A_47 : vector<1x16xf32> to vector<16xf32>
      %parallel_loop3A_49 = arith.mulf %parallel_loop3A_20, %parallel_loop3A_48 : vector<16xf32>
      %parallel_loop3A_50 = arith.index_cast %parallel_loop3A_16 : i32 to index
      %parallel_loop3A_51 = arith.constant 16 : index
      %parallel_loop3A_52 = tpu.vector_load %arg9[%parallel_loop3A_50, %parallel_loop3A_51] {strides = array<i32>} : memref<64x768xf32, #tpu.memory_space<vmem>>, vector<1x16xf32>,
      %parallel_loop3A_53 = vector.shape_cast %parallel_loop3A_52 : vector<1x16xf32> to vector<16xf32>
      %parallel_loop3A_54 = arith.mulf %parallel_loop3A_24, %parallel_loop3A_53 : vector<16xf32>
      %parallel_loop3A_55 = arith.addf %parallel_loop3A_49, %parallel_loop3A_54 : vector<16xf32>
      %parallel_loop3A_56 = arith.constant 0.000000e+00 : f32
      %parallel_loop3A_57 = vector.broadcast %parallel_loop3A_56 : f32 to vector<16xf32>
      %parallel_loop3A_58 = arith.cmpf oeq, %parallel_loop3A_55, %parallel_loop3A_57 : vector<16xf32>
      %parallel_loop3A_59 = arith.select %parallel_loop3A_58, %broadcast_in_dim3A_13, %parallel_loop3A_55 : vector<16xi1>, vector<16xf32>
      %parallel_loop3A_60 = arith.index_cast %parallel_loop3A_16 : i32 to index
      %parallel_loop3A_61 = arith.constant 16 : index
      %parallel_loop3A_62 = tpu.vector_load %arg8[%parallel_loop3A_60, %parallel_loop3A_61] {strides = array<i32>} : memref<64x768xf32, #tpu.memory_space<vmem>>, vector<1x16xf32>,
      %parallel_loop3A_63 = vector.shape_cast %parallel_loop3A_62 : vector<1x16xf32> to vector<16xf32>
      %parallel_loop3A_64 = vector.shape_cast %parallel_loop3A_59 : vector<16xf32> to vector<1x16xf32>
      tpu.vector_store %arg8[%parallel_loop3A_60, %parallel_loop3A_61], %parallel_loop3A_64 {strides = array<i32>} : memref<64x768xf32, #tpu.memory_space<vmem>>, vector<1x16xf32>,
      %parallel_loop3A_65 = arith.index_cast %parallel_loop3A_16 : i32 to index
      %parallel_loop3A_66 = arith.constant 32 : index
      %parallel_loop3A_67 = tpu.vector_load %arg8[%parallel_loop3A_65, %parallel_loop3A_66] {strides = array<i32>} : memref<64x768xf32, #tpu.memory_space<vmem>>, vector<1x16xf32>,
      %parallel_loop3A_68 = vector.shape_cast %parallel_loop3A_67 : vector<1x16xf32> to vector<16xf32>
      %parallel_loop3A_69 = arith.mulf %parallel_loop3A_20, %parallel_loop3A_68 : vector<16xf32>
      %parallel_loop3A_70 = arith.index_cast %parallel_loop3A_16 : i32 to index
      %parallel_loop3A_71 = arith.constant 32 : index
      %parallel_loop3A_72 = tpu.vector_load %arg9[%parallel_loop3A_70, %parallel_loop3A_71] {strides = array<i32>} : memref<64x768xf32, #tpu.memory_space<vmem>>, vector<1x16xf32>,
      %parallel_loop3A_73 = vector.shape_cast %parallel_loop3A_72 : vector<1x16xf32> to vector<16xf32>
      %parallel_loop3A_74 = arith.mulf %parallel_loop3A_24, %parallel_loop3A_73 : vector<16xf32>
      %parallel_loop3A_75 = arith.addf %parallel_loop3A_69, %parallel_loop3A_74 : vector<16xf32>
      %parallel_loop3A_76 = arith.constant 0.000000e+00 : f32
      %parallel_loop3A_77 = vector.broadcast %parallel_loop3A_76 : f32 to vector<16xf32>
      %parallel_loop3A_78 = arith.cmpf oeq, %parallel_loop3A_75, %parallel_loop3A_77 : vector<16xf32>
      %parallel_loop3A_79 = arith.select %parallel_loop3A_78, %broadcast_in_dim3A_13, %parallel_loop3A_75 : vector<16xi1>, vector<16xf32>
      %parallel_loop3A_80 = arith.index_cast %parallel_loop3A_16 : i32 to index
      %parallel_loop3A_81 = arith.constant 32 : index
      %parallel_loop3A_82 = tpu.vector_load %arg8[%parallel_loop3A_80, %parallel_loop3A_81] {strides = array<i32>} : memref<64x768xf32, #tpu.memory_space<vmem>>, vector<1x16xf32>,
      %parallel_loop3A_83 = vector.shape_cast %parallel_loop3A_82 : vector<1x16xf32> to vector<16xf32>
      %parallel_loop3A_84 = vector.shape_cast %parallel_loop3A_79 : vector<16xf32> to vector<1x16xf32>
      tpu.vector_store %arg8[%parallel_loop3A_80, %parallel_loop3A_81], %parallel_loop3A_84 {strides = array<i32>} : memref<64x768xf32, #tpu.memory_space<vmem>>, vector<1x16xf32>,
      %parallel_loop3A_85 = arith.index_cast %parallel_loop3A_16 : i32 to index
      %parallel_loop3A_86 = arith.constant 48 : index
      %parallel_loop3A_87 = tpu.vector_load %arg8[%parallel_loop3A_85, %parallel_loop3A_86] {strides = array<i32>} : memref<64x768xf32, #tpu.memory_space<vmem>>, vector<1x16xf32>,
      %parallel_loop3A_88 = vector.shape_cast %parallel_loop3A_87 : vector<1x16xf32> to vector<16xf32>
      %parallel_loop3A_89 = arith.mulf %parallel_loop3A_20, %parallel_loop3A_88 : vector<16xf32>
      %parallel_loop3A_90 = arith.index_cast %parallel_loop3A_16 : i32 to index
      %parallel_loop3A_91 = arith.constant 48 : index
      %parallel_loop3A_92 = tpu.vector_load %arg9[%parallel_loop3A_90, %parallel_loop3A_91] {strides = array<i32>} : memref<64x768xf32, #tpu.memory_space<vmem>>, vector<1x16xf32>,
      %parallel_loop3A_93 = vector.shape_cast %parallel_loop3A_92 : vector<1x16xf32> to vector<16xf32>
      %parallel_loop3A_94 = arith.mulf %parallel_loop3A_24, %parallel_loop3A_93 : vector<16xf32>
      %parallel_loop3A_95 = arith.addf %parallel_loop3A_89, %parallel_loop3A_94 : vector<16xf32>
      %parallel_loop3A_96 = arith.constant 0.000000e+00 : f32
      %parallel_loop3A_97 = vector.broadcast %parallel_loop3A_96 : f32 to vector<16xf32>
      %parallel_loop3A_98 = arith.cmpf oeq, %parallel_loop3A_95, %parallel_loop3A_97 : vector<16xf32>
      %parallel_loop3A_99 = arith.select %parallel_loop3A_98, %broadcast_in_dim3A_13, %parallel_loop3A_95 : vector<16xi1>, vector<16xf32>
      %parallel_loop3A_100 = arith.index_cast %parallel_loop3A_16 : i32 to index
      %parallel_loop3A_101 = arith.constant 48 : index
      %parallel_loop3A_102 = tpu.vector_load %arg8[%parallel_loop3A_100, %parallel_loop3A_101] {strides = array<i32>} : memref<64x768xf32, #tpu.memory_space<vmem>>, vector<1x16xf32>,
      %parallel_loop3A_103 = vector.shape_cast %parallel_loop3A_102 : vector<1x16xf32> to vector<16xf32>
      %parallel_loop3A_104 = vector.shape_cast %parallel_loop3A_99 : vector<16xf32> to vector<1x16xf32>
      tpu.vector_store %arg8[%parallel_loop3A_100, %parallel_loop3A_101], %parallel_loop3A_104 {strides = array<i32>} : memref<64x768xf32, #tpu.memory_space<vmem>>, vector<1x16xf32>,
      %parallel_loop3A_105 = arith.index_cast %parallel_loop3A_16 : i32 to index
      %parallel_loop3A_106 = arith.constant 64 : index
      %parallel_loop3A_107 = tpu.vector_load %arg8[%parallel_loop3A_105, %parallel_loop3A_106] {strides = array<i32>} : memref<64x768xf32, #tpu.memory_space<vmem>>, vector<1x16xf32>,
      %parallel_loop3A_108 = vector.shape_cast %parallel_loop3A_107 : vector<1x16xf32> to vector<16xf32>
      %parallel_loop3A_109 = arith.mulf %parallel_loop3A_20, %parallel_loop3A_108 : vector<16xf32>
      %parallel_loop3A_110 = arith.index_cast %parallel_loop3A_16 : i32 to index
      %parallel_loop3A_111 = arith.constant 64 : index
      %parallel_loop3A_112 = tpu.vector_load %arg9[%parallel_loop3A_110, %parallel_loop3A_111] {strides = array<i32>} : memref<64x768xf32, #tpu.memory_space<vmem>>, vector<1x16xf32>,
      %parallel_loop3A_113 = vector.shape_cast %parallel_loop3A_112 : vector<1x16xf32> to vector<16xf32>
      %parallel_loop3A_114 = arith.mulf %parallel_loop3A_24, %parallel_loop3A_113 : vector<16xf32>
      %parallel_loop3A_115 = arith.addf %parallel_loop3A_109, %parallel_loop3A_114 : vector<16xf32>
      %parallel_loop3A_116 = arith.constant 0.000000e+00 : f32
      %parallel_loop3A_117 = vector.broadcast %parallel_loop3A_116 : f32 to vector<16xf32>
      %parallel_loop3A_118 = arith.cmpf oeq, %parallel_loop3A_115, %parallel_loop3A_117 : vector<16xf32>
      %parallel_loop3A_119 = arith.select %parallel_loop3A_118, %broadcast_in_dim3A_13, %parallel_loop3A_115 : vector<16xi1>, vector<16xf32>
      %parallel_loop3A_120 = arith.index_cast %parallel_loop3A_16 : i32 to index
      %parallel_loop3A_121 = arith.constant 64 : index
      %parallel_loop3A_122 = tpu.vector_load %arg8[%parallel_loop3A_120, %parallel_loop3A_121] {strides = array<i32>} : memref<64x768xf32, #tpu.memory_space<vmem>>, vector<1x16xf32>,
      %parallel_loop3A_123 = vector.shape_cast %parallel_loop3A_122 : vector<1x16xf32> to vector<16xf32>
      %parallel_loop3A_124 = vector.shape_cast %parallel_loop3A_119 : vector<16xf32> to vector<1x16xf32>
      tpu.vector_store %arg8[%parallel_loop3A_120, %parallel_loop3A_121], %parallel_loop3A_124 {strides = array<i32>} : memref<64x768xf32, #tpu.memory_space<vmem>>, vector<1x16xf32>,
      %parallel_loop3A_125 = arith.index_cast %parallel_loop3A_16 : i32 to index
      %parallel_loop3A_126 = arith.constant 80 : index
      %parallel_loop3A_127 = tpu.vector_load %arg8[%parallel_loop3A_125, %parallel_loop3A_126] {strides = array<i32>} : memref<64x768xf32, #tpu.memory_space<vmem>>, vector<1x16xf32>,
      %parallel_loop3A_128 = vector.shape_cast %parallel_loop3A_127 : vector<1x16xf32> to vector<16xf32>
      %parallel_loop3A_129 = arith.mulf %parallel_loop3A_20, %parallel_loop3A_128 : vector<16xf32>
      %parallel_loop3A_130 = arith.index_cast %parallel_loop3A_16 : i32 to index
      %parallel_loop3A_131 = arith.constant 80 : index
      %parallel_loop3A_132 = tpu.vector_load %arg9[%parallel_loop3A_130, %parallel_loop3A_131] {strides = array<i32>} : memref<64x768xf32, #tpu.memory_space<vmem>>, vector<1x16xf32>,
      %parallel_loop3A_133 = vector.shape_cast %parallel_loop3A_132 : vector<1x16xf32> to vector<16xf32>
      %parallel_loop3A_134 = arith.mulf %parallel_loop3A_24, %parallel_loop3A_133 : vector<16xf32>
      %parallel_loop3A_135 = arith.addf %parallel_loop3A_129, %parallel_loop3A_134 : vector<16xf32>
      %parallel_loop3A_136 = arith.constant 0.000000e+00 : f32
      %parallel_loop3A_137 = vector.broadcast %parallel_loop3A_136 : f32 to vector<16xf32>
      %parallel_loop3A_138 = arith.cmpf oeq, %parallel_loop3A_135, %parallel_loop3A_137 : vector<16xf32>
      %parallel_loop3A_139 = arith.select %parallel_loop3A_138, %broadcast_in_dim3A_13, %parallel_loop3A_135 : vector<16xi1>, vector<16xf32>
      %parallel_loop3A_140 = arith.index_cast %parallel_loop3A_16 : i32 to index
      %parallel_loop3A_141 = arith.constant 80 : index
      %parallel_loop3A_142 = tpu.vector_load %arg8[%parallel_loop3A_140, %parallel_loop3A_141] {strides = array<i32>} : memref<64x768xf32, #tpu.memory_space<vmem>>, vector<1x16xf32>,
      %parallel_loop3A_143 = vector.shape_cast %parallel_loop3A_142 : vector<1x16xf32> to vector<16xf32>
      %parallel_loop3A_144 = vector.shape_cast %parallel_loop3A_139 : vector<16xf32> to vector<1x16xf32>
      tpu.vector_store %arg8[%parallel_loop3A_140, %parallel_loop3A_141], %parallel_loop3A_144 {strides = array<i32>} : memref<64x768xf32, #tpu.memory_space<vmem>>, vector<1x16xf32>,
      %parallel_loop3A_145 = arith.index_cast %parallel_loop3A_16 : i32 to index
      %parallel_loop3A_146 = arith.constant 96 : index
      %parallel_loop3A_147 = tpu.vector_load %arg8[%parallel_loop3A_145, %parallel_loop3A_146] {strides = array<i32>} : memref<64x768xf32, #tpu.memory_space<vmem>>, vector<1x16xf32>,
      %parallel_loop3A_148 = vector.shape_cast %parallel_loop3A_147 : vector<1x16xf32> to vector<16xf32>
      %parallel_loop3A_149 = arith.mulf %parallel_loop3A_20, %parallel_loop3A_148 : vector<16xf32>
      %parallel_loop3A_150 = arith.index_cast %parallel_loop3A_16 : i32 to index
      %parallel_loop3A_151 = arith.constant 96 : index
      %parallel_loop3A_152 = tpu.vector_load %arg9[%parallel_loop3A_150, %parallel_loop3A_151] {strides = array<i32>} : memref<64x768xf32, #tpu.memory_space<vmem>>, vector<1x16xf32>,
      %parallel_loop3A_153 = vector.shape_cast %parallel_loop3A_152 : vector<1x16xf32> to vector<16xf32>
      %parallel_loop3A_154 = arith.mulf %parallel_loop3A_24, %parallel_loop3A_153 : vector<16xf32>
      %parallel_loop3A_155 = arith.addf %parallel_loop3A_149, %parallel_loop3A_154 : vector<16xf32>
      %parallel_loop3A_156 = arith.constant 0.000000e+00 : f32
      %parallel_loop3A_157 = vector.broadcast %parallel_loop3A_156 : f32 to vector<16xf32>
      %parallel_loop3A_158 = arith.cmpf oeq, %parallel_loop3A_155, %parallel_loop3A_157 : vector<16xf32>
      %parallel_loop3A_159 = arith.select %parallel_loop3A_158, %broadcast_in_dim3A_13, %parallel_loop3A_155 : vector<16xi1>, vector<16xf32>
      %parallel_loop3A_160 = arith.index_cast %parallel_loop3A_16 : i32 to index
      %parallel_loop3A_161 = arith.constant 96 : index
      %parallel_loop3A_162 = tpu.vector_load %arg8[%parallel_loop3A_160, %parallel_loop3A_161] {strides = array<i32>} : memref<64x768xf32, #tpu.memory_space<vmem>>, vector<1x16xf32>,
      %parallel_loop3A_163 = vector.shape_cast %parallel_loop3A_162 : vector<1x16xf32> to vector<16xf32>
      %parallel_loop3A_164 = vector.shape_cast %parallel_loop3A_159 : vector<16xf32> to vector<1x16xf32>
      tpu.vector_store %arg8[%parallel_loop3A_160, %parallel_loop3A_161], %parallel_loop3A_164 {strides = array<i32>} : memref<64x768xf32, #tpu.memory_space<vmem>>, vector<1x16xf32>,
      %parallel_loop3A_165 = arith.index_cast %parallel_loop3A_16 : i32 to index
      %parallel_loop3A_166 = arith.constant 112 : index
      %parallel_loop3A_167 = tpu.vector_load %arg8[%parallel_loop3A_165, %parallel_loop3A_166] {strides = array<i32>} : memref<64x768xf32, #tpu.memory_space<vmem>>, vector<1x16xf32>,
      %parallel_loop3A_168 = vector.shape_cast %parallel_loop3A_167 : vector<1x16xf32> to vector<16xf32>
      %parallel_loop3A_169 = arith.mulf %parallel_loop3A_20, %parallel_loop3A_168 : vector<16xf32>
      %parallel_loop3A_170 = arith.index_cast %parallel_loop3A_16 : i32 to index
      %parallel_loop3A_171 = arith.constant 112 : index
      %parallel_loop3A_172 = tpu.vector_load %arg9[%parallel_loop3A_170, %parallel_loop3A_171] {strides = array<i32>} : memref<64x768xf32, #tpu.memory_space<vmem>>, vector<1x16xf32>,
      %parallel_loop3A_173 = vector.shape_cast %parallel_loop3A_172 : vector<1x16xf32> to vector<16xf32>
      %parallel_loop3A_174 = arith.mulf %parallel_loop3A_24, %parallel_loop3A_173 : vector<16xf32>
      %parallel_loop3A_175 = arith.addf %parallel_loop3A_169, %parallel_loop3A_174 : vector<16xf32>
      %parallel_loop3A_176 = arith.constant 0.000000e+00 : f32
      %parallel_loop3A_177 = vector.broadcast %parallel_loop3A_176 : f32 to vector<16xf32>
      %parallel_loop3A_178 = arith.cmpf oeq, %parallel_loop3A_175, %parallel_loop3A_177 : vector<16xf32>
      %parallel_loop3A_179 = arith.select %parallel_loop3A_178, %broadcast_in_dim3A_13, %parallel_loop3A_175 : vector<16xi1>, vector<16xf32>
      %parallel_loop3A_180 = arith.index_cast %parallel_loop3A_16 : i32 to index
      %parallel_loop3A_181 = arith.constant 112 : index
      %parallel_loop3A_182 = tpu.vector_load %arg8[%parallel_loop3A_180, %parallel_loop3A_181] {strides = array<i32>} : memref<64x768xf32, #tpu.memory_space<vmem>>, vector<1x16xf32>,
      %parallel_loop3A_183 = vector.shape_cast %parallel_loop3A_182 : vector<1x16xf32> to vector<16xf32>
      %parallel_loop3A_184 = vector.shape_cast %parallel_loop3A_179 : vector<16xf32> to vector<1x16xf32>
      tpu.vector_store %arg8[%parallel_loop3A_180, %parallel_loop3A_181], %parallel_loop3A_184 {strides = array<i32>} : memref<64x768xf32, #tpu.memory_space<vmem>>, vector<1x16xf32>,
      %parallel_loop3A_185 = arith.index_cast %parallel_loop3A_16 : i32 to index
      %parallel_loop3A_186 = arith.constant 128 : index
      %parallel_loop3A_187 = tpu.vector_load %arg8[%parallel_loop3A_185, %parallel_loop3A_186] {strides = array<i32>} : memref<64x768xf32, #tpu.memory_space<vmem>>, vector<1x16xf32>,
      %parallel_loop3A_188 = vector.shape_cast %parallel_loop3A_187 : vector<1x16xf32> to vector<16xf32>
      %parallel_loop3A_189 = arith.mulf %parallel_loop3A_20, %parallel_loop3A_188 : vector<16xf32>
      %parallel_loop3A_190 = arith.index_cast %parallel_loop3A_16 : i32 to index
      %parallel_loop3A_191 = arith.constant 128 : index
      %parallel_loop3A_192 = tpu.vector_load %arg9[%parallel_loop3A_190, %parallel_loop3A_191] {strides = array<i32>} : memref<64x768xf32, #tpu.memory_space<vmem>>, vector<1x16xf32>,
      %parallel_loop3A_193 = vector.shape_cast %parallel_loop3A_192 : vector<1x16xf32> to vector<16xf32>
      %parallel_loop3A_194 = arith.mulf %parallel_loop3A_24, %parallel_loop3A_193 : vector<16xf32>
      %parallel_loop3A_195 = arith.addf %parallel_loop3A_189, %parallel_loop3A_194 : vector<16xf32>
      %parallel_loop3A_196 = arith.constant 0.000000e+00 : f32
      %parallel_loop3A_197 = vector.broadcast %parallel_loop3A_196 : f32 to vector<16xf32>
      %parallel_loop3A_198 = arith.cmpf oeq, %parallel_loop3A_195, %parallel_loop3A_197 : vector<16xf32>
      %parallel_loop3A_199 = arith.select %parallel_loop3A_198, %broadcast_in_dim3A_13, %parallel_loop3A_195 : vector<16xi1>, vector<16xf32>
      %parallel_loop3A_200 = arith.index_cast %parallel_loop3A_16 : i32 to index
      %parallel_loop3A_201 = arith.constant 128 : index
      %parallel_loop3A_202 = tpu.vector_load %arg8[%parallel_loop3A_200, %parallel_loop3A_201] {strides = array<i32>} : memref<64x768xf32, #tpu.memory_space<vmem>>, vector<1x16xf32>,
      %parallel_loop3A_203 = vector.shape_cast %parallel_loop3A_202 : vector<1x16xf32> to vector<16xf32>
      %parallel_loop3A_204 = vector.shape_cast %parallel_loop3A_199 : vector<16xf32> to vector<1x16xf32>
      tpu.vector_store %arg8[%parallel_loop3A_200, %parallel_loop3A_201], %parallel_loop3A_204 {strides = array<i32>} : memref<64x768xf32, #tpu.memory_space<vmem>>, vector<1x16xf32>,
      %parallel_loop3A_205 = arith.index_cast %parallel_loop3A_16 : i32 to index
      %parallel_loop3A_206 = arith.constant 144 : index
      %parallel_loop3A_207 = tpu.vector_load %arg8[%parallel_loop3A_205, %parallel_loop3A_206] {strides = array<i32>} : memref<64x768xf32, #tpu.memory_space<vmem>>, vector<1x16xf32>,
      %parallel_loop3A_208 = vector.shape_cast %parallel_loop3A_207 : vector<1x16xf32> to vector<16xf32>
      %parallel_loop3A_209 = arith.mulf %parallel_loop3A_20, %parallel_loop3A_208 : vector<16xf32>
      %parallel_loop3A_210 = arith.index_cast %parallel_loop3A_16 : i32 to index
      %parallel_loop3A_211 = arith.constant 144 : index
      %parallel_loop3A_212 = tpu.vector_load %arg9[%parallel_loop3A_210, %parallel_loop3A_211] {strides = array<i32>} : memref<64x768xf32, #tpu.memory_space<vmem>>, vector<1x16xf32>,
      %parallel_loop3A_213 = vector.shape_cast %parallel_loop3A_212 : vector<1x16xf32> to vector<16xf32>
      %parallel_loop3A_214 = arith.mulf %parallel_loop3A_24, %parallel_loop3A_213 : vector<16xf32>
      %parallel_loop3A_215 = arith.addf %parallel_loop3A_209, %parallel_loop3A_214 : vector<16xf32>
      %parallel_loop3A_216 = arith.constant 0.000000e+00 : f32
      %parallel_loop3A_217 = vector.broadcast %parallel_loop3A_216 : f32 to vector<16xf32>
      %parallel_loop3A_218 = arith.cmpf oeq, %parallel_loop3A_215, %parallel_loop3A_217 : vector<16xf32>
      %parallel_loop3A_219 = arith.select %parallel_loop3A_218, %broadcast_in_dim3A_13, %parallel_loop3A_215 : vector<16xi1>, vector<16xf32>
      %parallel_loop3A_220 = arith.index_cast %parallel_loop3A_16 : i32 to index
      %parallel_loop3A_221 = arith.constant 144 : index
      %parallel_loop3A_222 = tpu.vector_load %arg8[%parallel_loop3A_220, %parallel_loop3A_221] {strides = array<i32>} : memref<64x768xf32, #tpu.memory_space<vmem>>, vector<1x16xf32>,
      %parallel_loop3A_223 = vector.shape_cast %parallel_loop3A_222 : vector<1x16xf32> to vector<16xf32>
      %parallel_loop3A_224 = vector.shape_cast %parallel_loop3A_219 : vector<16xf32> to vector<1x16xf32>
      tpu.vector_store %arg8[%parallel_loop3A_220, %parallel_loop3A_221], %parallel_loop3A_224 {strides = array<i32>} : memref<64x768xf32, #tpu.memory_space<vmem>>, vector<1x16xf32>,
      %parallel_loop3A_225 = arith.index_cast %parallel_loop3A_16 : i32 to index
      %parallel_loop3A_226 = arith.constant 160 : index
      %parallel_loop3A_227 = tpu.vector_load %arg8[%parallel_loop3A_225, %parallel_loop3A_226] {strides = array<i32>} : memref<64x768xf32, #tpu.memory_space<vmem>>, vector<1x16xf32>,
      %parallel_loop3A_228 = vector.shape_cast %parallel_loop3A_227 : vector<1x16xf32> to vector<16xf32>
      %parallel_loop3A_229 = arith.mulf %parallel_loop3A_20, %parallel_loop3A_228 : vector<16xf32>
      %parallel_loop3A_230 = arith.index_cast %parallel_loop3A_16 : i32 to index
      %parallel_loop3A_231 = arith.constant 160 : index
      %parallel_loop3A_232 = tpu.vector_load %arg9[%parallel_loop3A_230, %parallel_loop3A_231] {strides = array<i32>} : memref<64x768xf32, #tpu.memory_space<vmem>>, vector<1x16xf32>,
      %parallel_loop3A_233 = vector.shape_cast %parallel_loop3A_232 : vector<1x16xf32> to vector<16xf32>
      %parallel_loop3A_234 = arith.mulf %parallel_loop3A_24, %parallel_loop3A_233 : vector<16xf32>
      %parallel_loop3A_235 = arith.addf %parallel_loop3A_229, %parallel_loop3A_234 : vector<16xf32>
      %parallel_loop3A_236 = arith.constant 0.000000e+00 : f32
      %parallel_loop3A_237 = vector.broadcast %parallel_loop3A_236 : f32 to vector<16xf32>
      %parallel_loop3A_238 = arith.cmpf oeq, %parallel_loop3A_235, %parallel_loop3A_237 : vector<16xf32>
      %parallel_loop3A_239 = arith.select %parallel_loop3A_238, %broadcast_in_dim3A_13, %parallel_loop3A_235 : vector<16xi1>, vector<16xf32>
      %parallel_loop3A_240 = arith.index_cast %parallel_loop3A_16 : i32 to index
      %parallel_loop3A_241 = arith.constant 160 : index
      %parallel_loop3A_242 = tpu.vector_load %arg8[%parallel_loop3A_240, %parallel_loop3A_241] {strides = array<i32>} : memref<64x768xf32, #tpu.memory_space<vmem>>, vector<1x16xf32>,
      %parallel_loop3A_243 = vector.shape_cast %parallel_loop3A_242 : vector<1x16xf32> to vector<16xf32>
      %parallel_loop3A_244 = vector.shape_cast %parallel_loop3A_239 : vector<16xf32> to vector<1x16xf32>
      tpu.vector_store %arg8[%parallel_loop3A_240, %parallel_loop3A_241], %parallel_loop3A_244 {strides = array<i32>} : memref<64x768xf32, #tpu.memory_space<vmem>>, vector<1x16xf32>,
      %parallel_loop3A_245 = arith.index_cast %parallel_loop3A_16 : i32 to index
      %parallel_loop3A_246 = arith.constant 176 : index
      %parallel_loop3A_247 = tpu.vector_load %arg8[%parallel_loop3A_245, %parallel_loop3A_246] {strides = array<i32>} : memref<64x768xf32, #tpu.memory_space<vmem>>, vector<1x16xf32>,
      %parallel_loop3A_248 = vector.shape_cast %parallel_loop3A_247 : vector<1x16xf32> to vector<16xf32>
      %parallel_loop3A_249 = arith.mulf %parallel_loop3A_20, %parallel_loop3A_248 : vector<16xf32>
      %parallel_loop3A_250 = arith.index_cast %parallel_loop3A_16 : i32 to index
      %parallel_loop3A_251 = arith.constant 176 : index
      %parallel_loop3A_252 = tpu.vector_load %arg9[%parallel_loop3A_250, %parallel_loop3A_251] {strides = array<i32>} : memref<64x768xf32, #tpu.memory_space<vmem>>, vector<1x16xf32>,
      %parallel_loop3A_253 = vector.shape_cast %parallel_loop3A_252 : vector<1x16xf32> to vector<16xf32>
      %parallel_loop3A_254 = arith.mulf %parallel_loop3A_24, %parallel_loop3A_253 : vector<16xf32>
      %parallel_loop3A_255 = arith.addf %parallel_loop3A_249, %parallel_loop3A_254 : vector<16xf32>
      %parallel_loop3A_256 = arith.constant 0.000000e+00 : f32
      %parallel_loop3A_257 = vector.broadcast %parallel_loop3A_256 : f32 to vector<16xf32>
      %parallel_loop3A_258 = arith.cmpf oeq, %parallel_loop3A_255, %parallel_loop3A_257 : vector<16xf32>
      %parallel_loop3A_259 = arith.select %parallel_loop3A_258, %broadcast_in_dim3A_13, %parallel_loop3A_255 : vector<16xi1>, vector<16xf32>
      %parallel_loop3A_260 = arith.index_cast %parallel_loop3A_16 : i32 to index
      %parallel_loop3A_261 = arith.constant 176 : index
      %parallel_loop3A_262 = tpu.vector_load %arg8[%parallel_loop3A_260, %parallel_loop3A_261] {strides = array<i32>} : memref<64x768xf32, #tpu.memory_space<vmem>>, vector<1x16xf32>,
      %parallel_loop3A_263 = vector.shape_cast %parallel_loop3A_262 : vector<1x16xf32> to vector<16xf32>
      %parallel_loop3A_264 = vector.shape_cast %parallel_loop3A_259 : vector<16xf32> to vector<1x16xf32>
      tpu.vector_store %arg8[%parallel_loop3A_260, %parallel_loop3A_261], %parallel_loop3A_264 {strides = array<i32>} : memref<64x768xf32, #tpu.memory_space<vmem>>, vector<1x16xf32>,
      %parallel_loop3A_265 = arith.index_cast %parallel_loop3A_16 : i32 to index
      %parallel_loop3A_266 = arith.constant 192 : index
      %parallel_loop3A_267 = tpu.vector_load %arg8[%parallel_loop3A_265, %parallel_loop3A_266] {strides = array<i32>} : memref<64x768xf32, #tpu.memory_space<vmem>>, vector<1x16xf32>,
      %parallel_loop3A_268 = vector.shape_cast %parallel_loop3A_267 : vector<1x16xf32> to vector<16xf32>
      %parallel_loop3A_269 = arith.mulf %parallel_loop3A_20, %parallel_loop3A_268 : vector<16xf32>
      %parallel_loop3A_270 = arith.index_cast %parallel_loop3A_16 : i32 to index
      %parallel_loop3A_271 = arith.constant 192 : index
      %parallel_loop3A_272 = tpu.vector_load %arg9[%parallel_loop3A_270, %parallel_loop3A_271] {strides = array<i32>} : memref<64x768xf32, #tpu.memory_space<vmem>>, vector<1x16xf32>,
      %parallel_loop3A_273 = vector.shape_cast %parallel_loop3A_272 : vector<1x16xf32> to vector<16xf32>
      %parallel_loop3A_274 = arith.mulf %parallel_loop3A_24, %parallel_loop3A_273 : vector<16xf32>
      %parallel_loop3A_275 = arith.addf %parallel_loop3A_269, %parallel_loop3A_274 : vector<16xf32>
      %parallel_loop3A_276 = arith.constant 0.000000e+00 : f32
      %parallel_loop3A_277 = vector.broadcast %parallel_loop3A_276 : f32 to vector<16xf32>
      %parallel_loop3A_278 = arith.cmpf oeq, %parallel_loop3A_275, %parallel_loop3A_277 : vector<16xf32>
      %parallel_loop3A_279 = arith.select %parallel_loop3A_278, %broadcast_in_dim3A_13, %parallel_loop3A_275 : vector<16xi1>, vector<16xf32>
      %parallel_loop3A_280 = arith.index_cast %parallel_loop3A_16 : i32 to index
      %parallel_loop3A_281 = arith.constant 192 : index
      %parallel_loop3A_282 = tpu.vector_load %arg8[%parallel_loop3A_280, %parallel_loop3A_281] {strides = array<i32>} : memref<64x768xf32, #tpu.memory_space<vmem>>, vector<1x16xf32>,
      %parallel_loop3A_283 = vector.shape_cast %parallel_loop3A_282 : vector<1x16xf32> to vector<16xf32>
      %parallel_loop3A_284 = vector.shape_cast %parallel_loop3A_279 : vector<16xf32> to vector<1x16xf32>
      tpu.vector_store %arg8[%parallel_loop3A_280, %parallel_loop3A_281], %parallel_loop3A_284 {strides = array<i32>} : memref<64x768xf32, #tpu.memory_space<vmem>>, vector<1x16xf32>,
      %parallel_loop3A_285 = arith.index_cast %parallel_loop3A_16 : i32 to index
      %parallel_loop3A_286 = arith.constant 208 : index
      %parallel_loop3A_287 = tpu.vector_load %arg8[%parallel_loop3A_285, %parallel_loop3A_286] {strides = array<i32>} : memref<64x768xf32, #tpu.memory_space<vmem>>, vector<1x16xf32>,
      %parallel_loop3A_288 = vector.shape_cast %parallel_loop3A_287 : vector<1x16xf32> to vector<16xf32>
      %parallel_loop3A_289 = arith.mulf %parallel_loop3A_20, %parallel_loop3A_288 : vector<16xf32>
      %parallel_loop3A_290 = arith.index_cast %parallel_loop3A_16 : i32 to index
      %parallel_loop3A_291 = arith.constant 208 : index
      %parallel_loop3A_292 = tpu.vector_load %arg9[%parallel_loop3A_290, %parallel_loop3A_291] {strides = array<i32>} : memref<64x768xf32, #tpu.memory_space<vmem>>, vector<1x16xf32>,
      %parallel_loop3A_293 = vector.shape_cast %parallel_loop3A_292 : vector<1x16xf32> to vector<16xf32>
      %parallel_loop3A_294 = arith.mulf %parallel_loop3A_24, %parallel_loop3A_293 : vector<16xf32>
      %parallel_loop3A_295 = arith.addf %parallel_loop3A_289, %parallel_loop3A_294 : vector<16xf32>
      %parallel_loop3A_296 = arith.constant 0.000000e+00 : f32
      %parallel_loop3A_297 = vector.broadcast %parallel_loop3A_296 : f32 to vector<16xf32>
      %parallel_loop3A_298 = arith.cmpf oeq, %parallel_loop3A_295, %parallel_loop3A_297 : vector<16xf32>
      %parallel_loop3A_299 = arith.select %parallel_loop3A_298, %broadcast_in_dim3A_13, %parallel_loop3A_295 : vector<16xi1>, vector<16xf32>
      %parallel_loop3A_300 = arith.index_cast %parallel_loop3A_16 : i32 to index
      %parallel_loop3A_301 = arith.constant 208 : index
      %parallel_loop3A_302 = tpu.vector_load %arg8[%parallel_loop3A_300, %parallel_loop3A_301] {strides = array<i32>} : memref<64x768xf32, #tpu.memory_space<vmem>>, vector<1x16xf32>,
      %parallel_loop3A_303 = vector.shape_cast %parallel_loop3A_302 : vector<1x16xf32> to vector<16xf32>
      %parallel_loop3A_304 = vector.shape_cast %parallel_loop3A_299 : vector<16xf32> to vector<1x16xf32>
      tpu.vector_store %arg8[%parallel_loop3A_300, %parallel_loop3A_301], %parallel_loop3A_304 {strides = array<i32>} : memref<64x768xf32, #tpu.memory_space<vmem>>, vector<1x16xf32>,
      %parallel_loop3A_305 = arith.index_cast %parallel_loop3A_16 : i32 to index
      %parallel_loop3A_306 = arith.constant 224 : index
      %parallel_loop3A_307 = tpu.vector_load %arg8[%parallel_loop3A_305, %parallel_loop3A_306] {strides = array<i32>} : memref<64x768xf32, #tpu.memory_space<vmem>>, vector<1x16xf32>,
      %parallel_loop3A_308 = vector.shape_cast %parallel_loop3A_307 : vector<1x16xf32> to vector<16xf32>
      %parallel_loop3A_309 = arith.mulf %parallel_loop3A_20, %parallel_loop3A_308 : vector<16xf32>
      %parallel_loop3A_310 = arith.index_cast %parallel_loop3A_16 : i32 to index
      %parallel_loop3A_311 = arith.constant 224 : index
      %parallel_loop3A_312 = tpu.vector_load %arg9[%parallel_loop3A_310, %parallel_loop3A_311] {strides = array<i32>} : memref<64x768xf32, #tpu.memory_space<vmem>>, vector<1x16xf32>,
      %parallel_loop3A_313 = vector.shape_cast %parallel_loop3A_312 : vector<1x16xf32> to vector<16xf32>
      %parallel_loop3A_314 = arith.mulf %parallel_loop3A_24, %parallel_loop3A_313 : vector<16xf32>
      %parallel_loop3A_315 = arith.addf %parallel_loop3A_309, %parallel_loop3A_314 : vector<16xf32>
      %parallel_loop3A_316 = arith.constant 0.000000e+00 : f32
      %parallel_loop3A_317 = vector.broadcast %parallel_loop3A_316 : f32 to vector<16xf32>
      %parallel_loop3A_318 = arith.cmpf oeq, %parallel_loop3A_315, %parallel_loop3A_317 : vector<16xf32>
      %parallel_loop3A_319 = arith.select %parallel_loop3A_318, %broadcast_in_dim3A_13, %parallel_loop3A_315 : vector<16xi1>, vector<16xf32>
      %parallel_loop3A_320 = arith.index_cast %parallel_loop3A_16 : i32 to index
      %parallel_loop3A_321 = arith.constant 224 : index
      %parallel_loop3A_322 = tpu.vector_load %arg8[%parallel_loop3A_320, %parallel_loop3A_321] {strides = array<i32>} : memref<64x768xf32, #tpu.memory_space<vmem>>, vector<1x16xf32>,
      %parallel_loop3A_323 = vector.shape_cast %parallel_loop3A_322 : vector<1x16xf32> to vector<16xf32>
      %parallel_loop3A_324 = vector.shape_cast %parallel_loop3A_319 : vector<16xf32> to vector<1x16xf32>
      tpu.vector_store %arg8[%parallel_loop3A_320, %parallel_loop3A_321], %parallel_loop3A_324 {strides = array<i32>} : memref<64x768xf32, #tpu.memory_space<vmem>>, vector<1x16xf32>,
      %parallel_loop3A_325 = arith.index_cast %parallel_loop3A_16 : i32 to index
      %parallel_loop3A_326 = arith.constant 240 : index
      %parallel_loop3A_327 = tpu.vector_load %arg8[%parallel_loop3A_325, %parallel_loop3A_326] {strides = array<i32>} : memref<64x768xf32, #tpu.memory_space<vmem>>, vector<1x16xf32>,
      %parallel_loop3A_328 = vector.shape_cast %parallel_loop3A_327 : vector<1x16xf32> to vector<16xf32>
      %parallel_loop3A_329 = arith.mulf %parallel_loop3A_20, %parallel_loop3A_328 : vector<16xf32>
      %parallel_loop3A_330 = arith.index_cast %parallel_loop3A_16 : i32 to index
      %parallel_loop3A_331 = arith.constant 240 : index
      %parallel_loop3A_332 = tpu.vector_load %arg9[%parallel_loop3A_330, %parallel_loop3A_331] {strides = array<i32>} : memref<64x768xf32, #tpu.memory_space<vmem>>, vector<1x16xf32>,
      %parallel_loop3A_333 = vector.shape_cast %parallel_loop3A_332 : vector<1x16xf32> to vector<16xf32>
      %parallel_loop3A_334 = arith.mulf %parallel_loop3A_24, %parallel_loop3A_333 : vector<16xf32>
      %parallel_loop3A_335 = arith.addf %parallel_loop3A_329, %parallel_loop3A_334 : vector<16xf32>
      %parallel_loop3A_336 = arith.constant 0.000000e+00 : f32
      %parallel_loop3A_337 = vector.broadcast %parallel_loop3A_336 : f32 to vector<16xf32>
      %parallel_loop3A_338 = arith.cmpf oeq, %parallel_loop3A_335, %parallel_loop3A_337 : vector<16xf32>
      %parallel_loop3A_339 = arith.select %parallel_loop3A_338, %broadcast_in_dim3A_13, %parallel_loop3A_335 : vector<16xi1>, vector<16xf32>
      %parallel_loop3A_340 = arith.index_cast %parallel_loop3A_16 : i32 to index
      %parallel_loop3A_341 = arith.constant 240 : index
      %parallel_loop3A_342 = tpu.vector_load %arg8[%parallel_loop3A_340, %parallel_loop3A_341] {strides = array<i32>} : memref<64x768xf32, #tpu.memory_space<vmem>>, vector<1x16xf32>,
      %parallel_loop3A_343 = vector.shape_cast %parallel_loop3A_342 : vector<1x16xf32> to vector<16xf32>
      %parallel_loop3A_344 = vector.shape_cast %parallel_loop3A_339 : vector<16xf32> to vector<1x16xf32>
      tpu.vector_store %arg8[%parallel_loop3A_340, %parallel_loop3A_341], %parallel_loop3A_344 {strides = array<i32>} : memref<64x768xf32, #tpu.memory_space<vmem>>, vector<1x16xf32>,
      %parallel_loop3A_345 = arith.index_cast %parallel_loop3A_16 : i32 to index
      %parallel_loop3A_346 = arith.constant 256 : index
      %parallel_loop3A_347 = tpu.vector_load %arg8[%parallel_loop3A_345, %parallel_loop3A_346] {strides = array<i32>} : memref<64x768xf32, #tpu.memory_space<vmem>>, vector<1x16xf32>,
      %parallel_loop3A_348 = vector.shape_cast %parallel_loop3A_347 : vector<1x16xf32> to vector<16xf32>
      %parallel_loop3A_349 = arith.mulf %parallel_loop3A_20, %parallel_loop3A_348 : vector<16xf32>
      %parallel_loop3A_350 = arith.index_cast %parallel_loop3A_16 : i32 to index
      %parallel_loop3A_351 = arith.constant 256 : index
      %parallel_loop3A_352 = tpu.vector_load %arg9[%parallel_loop3A_350, %parallel_loop3A_351] {strides = array<i32>} : memref<64x768xf32, #tpu.memory_space<vmem>>, vector<1x16xf32>,
      %parallel_loop3A_353 = vector.shape_cast %parallel_loop3A_352 : vector<1x16xf32> to vector<16xf32>
      %parallel_loop3A_354 = arith.mulf %parallel_loop3A_24, %parallel_loop3A_353 : vector<16xf32>
      %parallel_loop3A_355 = arith.addf %parallel_loop3A_349, %parallel_loop3A_354 : vector<16xf32>
      %parallel_loop3A_356 = arith.constant 0.000000e+00 : f32
      %parallel_loop3A_357 = vector.broadcast %parallel_loop3A_356 : f32 to vector<16xf32>
      %parallel_loop3A_358 = arith.cmpf oeq, %parallel_loop3A_355, %parallel_loop3A_357 : vector<16xf32>
      %parallel_loop3A_359 = arith.select %parallel_loop3A_358, %broadcast_in_dim3A_13, %parallel_loop3A_355 : vector<16xi1>, vector<16xf32>
      %parallel_loop3A_360 = arith.index_cast %parallel_loop3A_16 : i32 to index
      %parallel_loop3A_361 = arith.constant 256 : index
      %parallel_loop3A_362 = tpu.vector_load %arg8[%parallel_loop3A_360, %parallel_loop3A_361] {strides = array<i32>} : memref<64x768xf32, #tpu.memory_space<vmem>>, vector<1x16xf32>,
      %parallel_loop3A_363 = vector.shape_cast %parallel_loop3A_362 : vector<1x16xf32> to vector<16xf32>
      %parallel_loop3A_364 = vector.shape_cast %parallel_loop3A_359 : vector<16xf32> to vector<1x16xf32>
      tpu.vector_store %arg8[%parallel_loop3A_360, %parallel_loop3A_361], %parallel_loop3A_364 {strides = array<i32>} : memref<64x768xf32, #tpu.memory_space<vmem>>, vector<1x16xf32>,
      %parallel_loop3A_365 = arith.index_cast %parallel_loop3A_16 : i32 to index
      %parallel_loop3A_366 = arith.constant 272 : index
      %parallel_loop3A_367 = tpu.vector_load %arg8[%parallel_loop3A_365, %parallel_loop3A_366] {strides = array<i32>} : memref<64x768xf32, #tpu.memory_space<vmem>>, vector<1x16xf32>,
      %parallel_loop3A_368 = vector.shape_cast %parallel_loop3A_367 : vector<1x16xf32> to vector<16xf32>
      %parallel_loop3A_369 = arith.mulf %parallel_loop3A_20, %parallel_loop3A_368 : vector<16xf32>
      %parallel_loop3A_370 = arith.index_cast %parallel_loop3A_16 : i32 to index
      %parallel_loop3A_371 = arith.constant 272 : index
      %parallel_loop3A_372 = tpu.vector_load %arg9[%parallel_loop3A_370, %parallel_loop3A_371] {strides = array<i32>} : memref<64x768xf32, #tpu.memory_space<vmem>>, vector<1x16xf32>,
      %parallel_loop3A_373 = vector.shape_cast %parallel_loop3A_372 : vector<1x16xf32> to vector<16xf32>
      %parallel_loop3A_374 = arith.mulf %parallel_loop3A_24, %parallel_loop3A_373 : vector<16xf32>
      %parallel_loop3A_375 = arith.addf %parallel_loop3A_369, %parallel_loop3A_374 : vector<16xf32>
      %parallel_loop3A_376 = arith.constant 0.000000e+00 : f32
      %parallel_loop3A_377 = vector.broadcast %parallel_loop3A_376 : f32 to vector<16xf32>
      %parallel_loop3A_378 = arith.cmpf oeq, %parallel_loop3A_375, %parallel_loop3A_377 : vector<16xf32>
      %parallel_loop3A_379 = arith.select %parallel_loop3A_378, %broadcast_in_dim3A_13, %parallel_loop3A_375 : vector<16xi1>, vector<16xf32>
      %parallel_loop3A_380 = arith.index_cast %parallel_loop3A_16 : i32 to index
      %parallel_loop3A_381 = arith.constant 272 : index
      %parallel_loop3A_382 = tpu.vector_load %arg8[%parallel_loop3A_380, %parallel_loop3A_381] {strides = array<i32>} : memref<64x768xf32, #tpu.memory_space<vmem>>, vector<1x16xf32>,
      %parallel_loop3A_383 = vector.shape_cast %parallel_loop3A_382 : vector<1x16xf32> to vector<16xf32>
      %parallel_loop3A_384 = vector.shape_cast %parallel_loop3A_379 : vector<16xf32> to vector<1x16xf32>
      tpu.vector_store %arg8[%parallel_loop3A_380, %parallel_loop3A_381], %parallel_loop3A_384 {strides = array<i32>} : memref<64x768xf32, #tpu.memory_space<vmem>>, vector<1x16xf32>,
      %parallel_loop3A_385 = arith.index_cast %parallel_loop3A_16 : i32 to index
      %parallel_loop3A_386 = arith.constant 288 : index
      %parallel_loop3A_387 = tpu.vector_load %arg8[%parallel_loop3A_385, %parallel_loop3A_386] {strides = array<i32>} : memref<64x768xf32, #tpu.memory_space<vmem>>, vector<1x16xf32>,
      %parallel_loop3A_388 = vector.shape_cast %parallel_loop3A_387 : vector<1x16xf32> to vector<16xf32>
      %parallel_loop3A_389 = arith.mulf %parallel_loop3A_20, %parallel_loop3A_388 : vector<16xf32>
      %parallel_loop3A_390 = arith.index_cast %parallel_loop3A_16 : i32 to index
      %parallel_loop3A_391 = arith.constant 288 : index
      %parallel_loop3A_392 = tpu.vector_load %arg9[%parallel_loop3A_390, %parallel_loop3A_391] {strides = array<i32>} : memref<64x768xf32, #tpu.memory_space<vmem>>, vector<1x16xf32>,
      %parallel_loop3A_393 = vector.shape_cast %parallel_loop3A_392 : vector<1x16xf32> to vector<16xf32>
      %parallel_loop3A_394 = arith.mulf %parallel_loop3A_24, %parallel_loop3A_393 : vector<16xf32>
      %parallel_loop3A_395 = arith.addf %parallel_loop3A_389, %parallel_loop3A_394 : vector<16xf32>
      %parallel_loop3A_396 = arith.constant 0.000000e+00 : f32
      %parallel_loop3A_397 = vector.broadcast %parallel_loop3A_396 : f32 to vector<16xf32>
      %parallel_loop3A_398 = arith.cmpf oeq, %parallel_loop3A_395, %parallel_loop3A_397 : vector<16xf32>
      %parallel_loop3A_399 = arith.select %parallel_loop3A_398, %broadcast_in_dim3A_13, %parallel_loop3A_395 : vector<16xi1>, vector<16xf32>
      %parallel_loop3A_400 = arith.index_cast %parallel_loop3A_16 : i32 to index
      %parallel_loop3A_401 = arith.constant 288 : index
      %parallel_loop3A_402 = tpu.vector_load %arg8[%parallel_loop3A_400, %parallel_loop3A_401] {strides = array<i32>} : memref<64x768xf32, #tpu.memory_space<vmem>>, vector<1x16xf32>,
      %parallel_loop3A_403 = vector.shape_cast %parallel_loop3A_402 : vector<1x16xf32> to vector<16xf32>
      %parallel_loop3A_404 = vector.shape_cast %parallel_loop3A_399 : vector<16xf32> to vector<1x16xf32>
      tpu.vector_store %arg8[%parallel_loop3A_400, %parallel_loop3A_401], %parallel_loop3A_404 {strides = array<i32>} : memref<64x768xf32, #tpu.memory_space<vmem>>, vector<1x16xf32>,
      %parallel_loop3A_405 = arith.index_cast %parallel_loop3A_16 : i32 to index
      %parallel_loop3A_406 = arith.constant 304 : index
      %parallel_loop3A_407 = tpu.vector_load %arg8[%parallel_loop3A_405, %parallel_loop3A_406] {strides = array<i32>} : memref<64x768xf32, #tpu.memory_space<vmem>>, vector<1x16xf32>,
      %parallel_loop3A_408 = vector.shape_cast %parallel_loop3A_407 : vector<1x16xf32> to vector<16xf32>
      %parallel_loop3A_409 = arith.mulf %parallel_loop3A_20, %parallel_loop3A_408 : vector<16xf32>
      %parallel_loop3A_410 = arith.index_cast %parallel_loop3A_16 : i32 to index
      %parallel_loop3A_411 = arith.constant 304 : index
      %parallel_loop3A_412 = tpu.vector_load %arg9[%parallel_loop3A_410, %parallel_loop3A_411] {strides = array<i32>} : memref<64x768xf32, #tpu.memory_space<vmem>>, vector<1x16xf32>,
      %parallel_loop3A_413 = vector.shape_cast %parallel_loop3A_412 : vector<1x16xf32> to vector<16xf32>
      %parallel_loop3A_414 = arith.mulf %parallel_loop3A_24, %parallel_loop3A_413 : vector<16xf32>
      %parallel_loop3A_415 = arith.addf %parallel_loop3A_409, %parallel_loop3A_414 : vector<16xf32>
      %parallel_loop3A_416 = arith.constant 0.000000e+00 : f32
      %parallel_loop3A_417 = vector.broadcast %parallel_loop3A_416 : f32 to vector<16xf32>
      %parallel_loop3A_418 = arith.cmpf oeq, %parallel_loop3A_415, %parallel_loop3A_417 : vector<16xf32>
      %parallel_loop3A_419 = arith.select %parallel_loop3A_418, %broadcast_in_dim3A_13, %parallel_loop3A_415 : vector<16xi1>, vector<16xf32>
      %parallel_loop3A_420 = arith.index_cast %parallel_loop3A_16 : i32 to index
      %parallel_loop3A_421 = arith.constant 304 : index
      %parallel_loop3A_422 = tpu.vector_load %arg8[%parallel_loop3A_420, %parallel_loop3A_421] {strides = array<i32>} : memref<64x768xf32, #tpu.memory_space<vmem>>, vector<1x16xf32>,
      %parallel_loop3A_423 = vector.shape_cast %parallel_loop3A_422 : vector<1x16xf32> to vector<16xf32>
      %parallel_loop3A_424 = vector.shape_cast %parallel_loop3A_419 : vector<16xf32> to vector<1x16xf32>
      tpu.vector_store %arg8[%parallel_loop3A_420, %parallel_loop3A_421], %parallel_loop3A_424 {strides = array<i32>} : memref<64x768xf32, #tpu.memory_space<vmem>>, vector<1x16xf32>,
      %parallel_loop3A_425 = arith.index_cast %parallel_loop3A_16 : i32 to index
      %parallel_loop3A_426 = arith.constant 320 : index
      %parallel_loop3A_427 = tpu.vector_load %arg8[%parallel_loop3A_425, %parallel_loop3A_426] {strides = array<i32>} : memref<64x768xf32, #tpu.memory_space<vmem>>, vector<1x16xf32>,
      %parallel_loop3A_428 = vector.shape_cast %parallel_loop3A_427 : vector<1x16xf32> to vector<16xf32>
      %parallel_loop3A_429 = arith.mulf %parallel_loop3A_20, %parallel_loop3A_428 : vector<16xf32>
      %parallel_loop3A_430 = arith.index_cast %parallel_loop3A_16 : i32 to index
      %parallel_loop3A_431 = arith.constant 320 : index
      %parallel_loop3A_432 = tpu.vector_load %arg9[%parallel_loop3A_430, %parallel_loop3A_431] {strides = array<i32>} : memref<64x768xf32, #tpu.memory_space<vmem>>, vector<1x16xf32>,
      %parallel_loop3A_433 = vector.shape_cast %parallel_loop3A_432 : vector<1x16xf32> to vector<16xf32>
      %parallel_loop3A_434 = arith.mulf %parallel_loop3A_24, %parallel_loop3A_433 : vector<16xf32>
      %parallel_loop3A_435 = arith.addf %parallel_loop3A_429, %parallel_loop3A_434 : vector<16xf32>
      %parallel_loop3A_436 = arith.constant 0.000000e+00 : f32
      %parallel_loop3A_437 = vector.broadcast %parallel_loop3A_436 : f32 to vector<16xf32>
      %parallel_loop3A_438 = arith.cmpf oeq, %parallel_loop3A_435, %parallel_loop3A_437 : vector<16xf32>
      %parallel_loop3A_439 = arith.select %parallel_loop3A_438, %broadcast_in_dim3A_13, %parallel_loop3A_435 : vector<16xi1>, vector<16xf32>
      %parallel_loop3A_440 = arith.index_cast %parallel_loop3A_16 : i32 to index
      %parallel_loop3A_441 = arith.constant 320 : index
      %parallel_loop3A_442 = tpu.vector_load %arg8[%parallel_loop3A_440, %parallel_loop3A_441] {strides = array<i32>} : memref<64x768xf32, #tpu.memory_space<vmem>>, vector<1x16xf32>,
      %parallel_loop3A_443 = vector.shape_cast %parallel_loop3A_442 : vector<1x16xf32> to vector<16xf32>
      %parallel_loop3A_444 = vector.shape_cast %parallel_loop3A_439 : vector<16xf32> to vector<1x16xf32>
      tpu.vector_store %arg8[%parallel_loop3A_440, %parallel_loop3A_441], %parallel_loop3A_444 {strides = array<i32>} : memref<64x768xf32, #tpu.memory_space<vmem>>, vector<1x16xf32>,
      %parallel_loop3A_445 = arith.index_cast %parallel_loop3A_16 : i32 to index
      %parallel_loop3A_446 = arith.constant 336 : index
      %parallel_loop3A_447 = tpu.vector_load %arg8[%parallel_loop3A_445, %parallel_loop3A_446] {strides = array<i32>} : memref<64x768xf32, #tpu.memory_space<vmem>>, vector<1x16xf32>,
      %parallel_loop3A_448 = vector.shape_cast %parallel_loop3A_447 : vector<1x16xf32> to vector<16xf32>
      %parallel_loop3A_449 = arith.mulf %parallel_loop3A_20, %parallel_loop3A_448 : vector<16xf32>
      %parallel_loop3A_450 = arith.index_cast %parallel_loop3A_16 : i32 to index
      %parallel_loop3A_451 = arith.constant 336 : index
      %parallel_loop3A_452 = tpu.vector_load %arg9[%parallel_loop3A_450, %parallel_loop3A_451] {strides = array<i32>} : memref<64x768xf32, #tpu.memory_space<vmem>>, vector<1x16xf32>,
      %parallel_loop3A_453 = vector.shape_cast %parallel_loop3A_452 : vector<1x16xf32> to vector<16xf32>
      %parallel_loop3A_454 = arith.mulf %parallel_loop3A_24, %parallel_loop3A_453 : vector<16xf32>
      %parallel_loop3A_455 = arith.addf %parallel_loop3A_449, %parallel_loop3A_454 : vector<16xf32>
      %parallel_loop3A_456 = arith.constant 0.000000e+00 : f32
      %parallel_loop3A_457 = vector.broadcast %parallel_loop3A_456 : f32 to vector<16xf32>
      %parallel_loop3A_458 = arith.cmpf oeq, %parallel_loop3A_455, %parallel_loop3A_457 : vector<16xf32>
      %parallel_loop3A_459 = arith.select %parallel_loop3A_458, %broadcast_in_dim3A_13, %parallel_loop3A_455 : vector<16xi1>, vector<16xf32>
      %parallel_loop3A_460 = arith.index_cast %parallel_loop3A_16 : i32 to index
      %parallel_loop3A_461 = arith.constant 336 : index
      %parallel_loop3A_462 = tpu.vector_load %arg8[%parallel_loop3A_460, %parallel_loop3A_461] {strides = array<i32>} : memref<64x768xf32, #tpu.memory_space<vmem>>, vector<1x16xf32>,
      %parallel_loop3A_463 = vector.shape_cast %parallel_loop3A_462 : vector<1x16xf32> to vector<16xf32>
      %parallel_loop3A_464 = vector.shape_cast %parallel_loop3A_459 : vector<16xf32> to vector<1x16xf32>
      tpu.vector_store %arg8[%parallel_loop3A_460, %parallel_loop3A_461], %parallel_loop3A_464 {strides = array<i32>} : memref<64x768xf32, #tpu.memory_space<vmem>>, vector<1x16xf32>,
      %parallel_loop3A_465 = arith.index_cast %parallel_loop3A_16 : i32 to index
      %parallel_loop3A_466 = arith.constant 352 : index
      %parallel_loop3A_467 = tpu.vector_load %arg8[%parallel_loop3A_465, %parallel_loop3A_466] {strides = array<i32>} : memref<64x768xf32, #tpu.memory_space<vmem>>, vector<1x16xf32>,
      %parallel_loop3A_468 = vector.shape_cast %parallel_loop3A_467 : vector<1x16xf32> to vector<16xf32>
      %parallel_loop3A_469 = arith.mulf %parallel_loop3A_20, %parallel_loop3A_468 : vector<16xf32>
      %parallel_loop3A_470 = arith.index_cast %parallel_loop3A_16 : i32 to index
      %parallel_loop3A_471 = arith.constant 352 : index
      %parallel_loop3A_472 = tpu.vector_load %arg9[%parallel_loop3A_470, %parallel_loop3A_471] {strides = array<i32>} : memref<64x768xf32, #tpu.memory_space<vmem>>, vector<1x16xf32>,
      %parallel_loop3A_473 = vector.shape_cast %parallel_loop3A_472 : vector<1x16xf32> to vector<16xf32>
      %parallel_loop3A_474 = arith.mulf %parallel_loop3A_24, %parallel_loop3A_473 : vector<16xf32>
      %parallel_loop3A_475 = arith.addf %parallel_loop3A_469, %parallel_loop3A_474 : vector<16xf32>
      %parallel_loop3A_476 = arith.constant 0.000000e+00 : f32
      %parallel_loop3A_477 = vector.broadcast %parallel_loop3A_476 : f32 to vector<16xf32>
      %parallel_loop3A_478 = arith.cmpf oeq, %parallel_loop3A_475, %parallel_loop3A_477 : vector<16xf32>
      %parallel_loop3A_479 = arith.select %parallel_loop3A_478, %broadcast_in_dim3A_13, %parallel_loop3A_475 : vector<16xi1>, vector<16xf32>
      %parallel_loop3A_480 = arith.index_cast %parallel_loop3A_16 : i32 to index
      %parallel_loop3A_481 = arith.constant 352 : index
      %parallel_loop3A_482 = tpu.vector_load %arg8[%parallel_loop3A_480, %parallel_loop3A_481] {strides = array<i32>} : memref<64x768xf32, #tpu.memory_space<vmem>>, vector<1x16xf32>,
      %parallel_loop3A_483 = vector.shape_cast %parallel_loop3A_482 : vector<1x16xf32> to vector<16xf32>
      %parallel_loop3A_484 = vector.shape_cast %parallel_loop3A_479 : vector<16xf32> to vector<1x16xf32>
      tpu.vector_store %arg8[%parallel_loop3A_480, %parallel_loop3A_481], %parallel_loop3A_484 {strides = array<i32>} : memref<64x768xf32, #tpu.memory_space<vmem>>, vector<1x16xf32>,
      %parallel_loop3A_485 = arith.index_cast %parallel_loop3A_16 : i32 to index
      %parallel_loop3A_486 = arith.constant 368 : index
      %parallel_loop3A_487 = tpu.vector_load %arg8[%parallel_loop3A_485, %parallel_loop3A_486] {strides = array<i32>} : memref<64x768xf32, #tpu.memory_space<vmem>>, vector<1x16xf32>,
      %parallel_loop3A_488 = vector.shape_cast %parallel_loop3A_487 : vector<1x16xf32> to vector<16xf32>
      %parallel_loop3A_489 = arith.mulf %parallel_loop3A_20, %parallel_loop3A_488 : vector<16xf32>
      %parallel_loop3A_490 = arith.index_cast %parallel_loop3A_16 : i32 to index
      %parallel_loop3A_491 = arith.constant 368 : index
      %parallel_loop3A_492 = tpu.vector_load %arg9[%parallel_loop3A_490, %parallel_loop3A_491] {strides = array<i32>} : memref<64x768xf32, #tpu.memory_space<vmem>>, vector<1x16xf32>,
      %parallel_loop3A_493 = vector.shape_cast %parallel_loop3A_492 : vector<1x16xf32> to vector<16xf32>
      %parallel_loop3A_494 = arith.mulf %parallel_loop3A_24, %parallel_loop3A_493 : vector<16xf32>
      %parallel_loop3A_495 = arith.addf %parallel_loop3A_489, %parallel_loop3A_494 : vector<16xf32>
      %parallel_loop3A_496 = arith.constant 0.000000e+00 : f32
      %parallel_loop3A_497 = vector.broadcast %parallel_loop3A_496 : f32 to vector<16xf32>
      %parallel_loop3A_498 = arith.cmpf oeq, %parallel_loop3A_495, %parallel_loop3A_497 : vector<16xf32>
      %parallel_loop3A_499 = arith.select %parallel_loop3A_498, %broadcast_in_dim3A_13, %parallel_loop3A_495 : vector<16xi1>, vector<16xf32>
      %parallel_loop3A_500 = arith.index_cast %parallel_loop3A_16 : i32 to index
      %parallel_loop3A_501 = arith.constant 368 : index
      %parallel_loop3A_502 = tpu.vector_load %arg8[%parallel_loop3A_500, %parallel_loop3A_501] {strides = array<i32>} : memref<64x768xf32, #tpu.memory_space<vmem>>, vector<1x16xf32>,
      %parallel_loop3A_503 = vector.shape_cast %parallel_loop3A_502 : vector<1x16xf32> to vector<16xf32>
      %parallel_loop3A_504 = vector.shape_cast %parallel_loop3A_499 : vector<16xf32> to vector<1x16xf32>
      tpu.vector_store %arg8[%parallel_loop3A_500, %parallel_loop3A_501], %parallel_loop3A_504 {strides = array<i32>} : memref<64x768xf32, #tpu.memory_space<vmem>>, vector<1x16xf32>,
      %parallel_loop3A_505 = arith.index_cast %parallel_loop3A_16 : i32 to index
      %parallel_loop3A_506 = arith.constant 384 : index
      %parallel_loop3A_507 = tpu.vector_load %arg8[%parallel_loop3A_505, %parallel_loop3A_506] {strides = array<i32>} : memref<64x768xf32, #tpu.memory_space<vmem>>, vector<1x16xf32>,
      %parallel_loop3A_508 = vector.shape_cast %parallel_loop3A_507 : vector<1x16xf32> to vector<16xf32>
      %parallel_loop3A_509 = arith.mulf %parallel_loop3A_20, %parallel_loop3A_508 : vector<16xf32>
      %parallel_loop3A_510 = arith.index_cast %parallel_loop3A_16 : i32 to index
      %parallel_loop3A_511 = arith.constant 384 : index
      %parallel_loop3A_512 = tpu.vector_load %arg9[%parallel_loop3A_510, %parallel_loop3A_511] {strides = array<i32>} : memref<64x768xf32, #tpu.memory_space<vmem>>, vector<1x16xf32>,
      %parallel_loop3A_513 = vector.shape_cast %parallel_loop3A_512 : vector<1x16xf32> to vector<16xf32>
      %parallel_loop3A_514 = arith.mulf %parallel_loop3A_24, %parallel_loop3A_513 : vector<16xf32>
      %parallel_loop3A_515 = arith.addf %parallel_loop3A_509, %parallel_loop3A_514 : vector<16xf32>
      %parallel_loop3A_516 = arith.constant 0.000000e+00 : f32
      %parallel_loop3A_517 = vector.broadcast %parallel_loop3A_516 : f32 to vector<16xf32>
      %parallel_loop3A_518 = arith.cmpf oeq, %parallel_loop3A_515, %parallel_loop3A_517 : vector<16xf32>
      %parallel_loop3A_519 = arith.select %parallel_loop3A_518, %broadcast_in_dim3A_13, %parallel_loop3A_515 : vector<16xi1>, vector<16xf32>
      %parallel_loop3A_520 = arith.index_cast %parallel_loop3A_16 : i32 to index
      %parallel_loop3A_521 = arith.constant 384 : index
      %parallel_loop3A_522 = tpu.vector_load %arg8[%parallel_loop3A_520, %parallel_loop3A_521] {strides = array<i32>} : memref<64x768xf32, #tpu.memory_space<vmem>>, vector<1x16xf32>,
      %parallel_loop3A_523 = vector.shape_cast %parallel_loop3A_522 : vector<1x16xf32> to vector<16xf32>
      %parallel_loop3A_524 = vector.shape_cast %parallel_loop3A_519 : vector<16xf32> to vector<1x16xf32>
      tpu.vector_store %arg8[%parallel_loop3A_520, %parallel_loop3A_521], %parallel_loop3A_524 {strides = array<i32>} : memref<64x768xf32, #tpu.memory_space<vmem>>, vector<1x16xf32>,
      %parallel_loop3A_525 = arith.index_cast %parallel_loop3A_16 : i32 to index
      %parallel_loop3A_526 = arith.constant 400 : index
      %parallel_loop3A_527 = tpu.vector_load %arg8[%parallel_loop3A_525, %parallel_loop3A_526] {strides = array<i32>} : memref<64x768xf32, #tpu.memory_space<vmem>>, vector<1x16xf32>,
      %parallel_loop3A_528 = vector.shape_cast %parallel_loop3A_527 : vector<1x16xf32> to vector<16xf32>
      %parallel_loop3A_529 = arith.mulf %parallel_loop3A_20, %parallel_loop3A_528 : vector<16xf32>
      %parallel_loop3A_530 = arith.index_cast %parallel_loop3A_16 : i32 to index
      %parallel_loop3A_531 = arith.constant 400 : index
      %parallel_loop3A_532 = tpu.vector_load %arg9[%parallel_loop3A_530, %parallel_loop3A_531] {strides = array<i32>} : memref<64x768xf32, #tpu.memory_space<vmem>>, vector<1x16xf32>,
      %parallel_loop3A_533 = vector.shape_cast %parallel_loop3A_532 : vector<1x16xf32> to vector<16xf32>
      %parallel_loop3A_534 = arith.mulf %parallel_loop3A_24, %parallel_loop3A_533 : vector<16xf32>
      %parallel_loop3A_535 = arith.addf %parallel_loop3A_529, %parallel_loop3A_534 : vector<16xf32>
      %parallel_loop3A_536 = arith.constant 0.000000e+00 : f32
      %parallel_loop3A_537 = vector.broadcast %parallel_loop3A_536 : f32 to vector<16xf32>
      %parallel_loop3A_538 = arith.cmpf oeq, %parallel_loop3A_535, %parallel_loop3A_537 : vector<16xf32>
      %parallel_loop3A_539 = arith.select %parallel_loop3A_538, %broadcast_in_dim3A_13, %parallel_loop3A_535 : vector<16xi1>, vector<16xf32>
      %parallel_loop3A_540 = arith.index_cast %parallel_loop3A_16 : i32 to index
      %parallel_loop3A_541 = arith.constant 400 : index
      %parallel_loop3A_542 = tpu.vector_load %arg8[%parallel_loop3A_540, %parallel_loop3A_541] {strides = array<i32>} : memref<64x768xf32, #tpu.memory_space<vmem>>, vector<1x16xf32>,
      %parallel_loop3A_543 = vector.shape_cast %parallel_loop3A_542 : vector<1x16xf32> to vector<16xf32>
      %parallel_loop3A_544 = vector.shape_cast %parallel_loop3A_539 : vector<16xf32> to vector<1x16xf32>
      tpu.vector_store %arg8[%parallel_loop3A_540, %parallel_loop3A_541], %parallel_loop3A_544 {strides = array<i32>} : memref<64x768xf32, #tpu.memory_space<vmem>>, vector<1x16xf32>,
      %parallel_loop3A_545 = arith.index_cast %parallel_loop3A_16 : i32 to index
      %parallel_loop3A_546 = arith.constant 416 : index
      %parallel_loop3A_547 = tpu.vector_load %arg8[%parallel_loop3A_545, %parallel_loop3A_546] {strides = array<i32>} : memref<64x768xf32, #tpu.memory_space<vmem>>, vector<1x16xf32>,
      %parallel_loop3A_548 = vector.shape_cast %parallel_loop3A_547 : vector<1x16xf32> to vector<16xf32>
      %parallel_loop3A_549 = arith.mulf %parallel_loop3A_20, %parallel_loop3A_548 : vector<16xf32>
      %parallel_loop3A_550 = arith.index_cast %parallel_loop3A_16 : i32 to index
      %parallel_loop3A_551 = arith.constant 416 : index
      %parallel_loop3A_552 = tpu.vector_load %arg9[%parallel_loop3A_550, %parallel_loop3A_551] {strides = array<i32>} : memref<64x768xf32, #tpu.memory_space<vmem>>, vector<1x16xf32>,
      %parallel_loop3A_553 = vector.shape_cast %parallel_loop3A_552 : vector<1x16xf32> to vector<16xf32>
      %parallel_loop3A_554 = arith.mulf %parallel_loop3A_24, %parallel_loop3A_553 : vector<16xf32>
      %parallel_loop3A_555 = arith.addf %parallel_loop3A_549, %parallel_loop3A_554 : vector<16xf32>
      %parallel_loop3A_556 = arith.constant 0.000000e+00 : f32
      %parallel_loop3A_557 = vector.broadcast %parallel_loop3A_556 : f32 to vector<16xf32>
      %parallel_loop3A_558 = arith.cmpf oeq, %parallel_loop3A_555, %parallel_loop3A_557 : vector<16xf32>
      %parallel_loop3A_559 = arith.select %parallel_loop3A_558, %broadcast_in_dim3A_13, %parallel_loop3A_555 : vector<16xi1>, vector<16xf32>
      %parallel_loop3A_560 = arith.index_cast %parallel_loop3A_16 : i32 to index
      %parallel_loop3A_561 = arith.constant 416 : index
      %parallel_loop3A_562 = tpu.vector_load %arg8[%parallel_loop3A_560, %parallel_loop3A_561] {strides = array<i32>} : memref<64x768xf32, #tpu.memory_space<vmem>>, vector<1x16xf32>,
      %parallel_loop3A_563 = vector.shape_cast %parallel_loop3A_562 : vector<1x16xf32> to vector<16xf32>
      %parallel_loop3A_564 = vector.shape_cast %parallel_loop3A_559 : vector<16xf32> to vector<1x16xf32>
      tpu.vector_store %arg8[%parallel_loop3A_560, %parallel_loop3A_561], %parallel_loop3A_564 {strides = array<i32>} : memref<64x768xf32, #tpu.memory_space<vmem>>, vector<1x16xf32>,
      %parallel_loop3A_565 = arith.index_cast %parallel_loop3A_16 : i32 to index
      %parallel_loop3A_566 = arith.constant 432 : index
      %parallel_loop3A_567 = tpu.vector_load %arg8[%parallel_loop3A_565, %parallel_loop3A_566] {strides = array<i32>} : memref<64x768xf32, #tpu.memory_space<vmem>>, vector<1x16xf32>,
      %parallel_loop3A_568 = vector.shape_cast %parallel_loop3A_567 : vector<1x16xf32> to vector<16xf32>
      %parallel_loop3A_569 = arith.mulf %parallel_loop3A_20, %parallel_loop3A_568 : vector<16xf32>
      %parallel_loop3A_570 = arith.index_cast %parallel_loop3A_16 : i32 to index
      %parallel_loop3A_571 = arith.constant 432 : index
      %parallel_loop3A_572 = tpu.vector_load %arg9[%parallel_loop3A_570, %parallel_loop3A_571] {strides = array<i32>} : memref<64x768xf32, #tpu.memory_space<vmem>>, vector<1x16xf32>,
      %parallel_loop3A_573 = vector.shape_cast %parallel_loop3A_572 : vector<1x16xf32> to vector<16xf32>
      %parallel_loop3A_574 = arith.mulf %parallel_loop3A_24, %parallel_loop3A_573 : vector<16xf32>
      %parallel_loop3A_575 = arith.addf %parallel_loop3A_569, %parallel_loop3A_574 : vector<16xf32>
      %parallel_loop3A_576 = arith.constant 0.000000e+00 : f32
      %parallel_loop3A_577 = vector.broadcast %parallel_loop3A_576 : f32 to vector<16xf32>
      %parallel_loop3A_578 = arith.cmpf oeq, %parallel_loop3A_575, %parallel_loop3A_577 : vector<16xf32>
      %parallel_loop3A_579 = arith.select %parallel_loop3A_578, %broadcast_in_dim3A_13, %parallel_loop3A_575 : vector<16xi1>, vector<16xf32>
      %parallel_loop3A_580 = arith.index_cast %parallel_loop3A_16 : i32 to index
      %parallel_loop3A_581 = arith.constant 432 : index
      %parallel_loop3A_582 = tpu.vector_load %arg8[%parallel_loop3A_580, %parallel_loop3A_581] {strides = array<i32>} : memref<64x768xf32, #tpu.memory_space<vmem>>, vector<1x16xf32>,
      %parallel_loop3A_583 = vector.shape_cast %parallel_loop3A_582 : vector<1x16xf32> to vector<16xf32>
      %parallel_loop3A_584 = vector.shape_cast %parallel_loop3A_579 : vector<16xf32> to vector<1x16xf32>
      tpu.vector_store %arg8[%parallel_loop3A_580, %parallel_loop3A_581], %parallel_loop3A_584 {strides = array<i32>} : memref<64x768xf32, #tpu.memory_space<vmem>>, vector<1x16xf32>,
      %parallel_loop3A_585 = arith.index_cast %parallel_loop3A_16 : i32 to index
      %parallel_loop3A_586 = arith.constant 448 : index
      %parallel_loop3A_587 = tpu.vector_load %arg8[%parallel_loop3A_585, %parallel_loop3A_586] {strides = array<i32>} : memref<64x768xf32, #tpu.memory_space<vmem>>, vector<1x16xf32>,
      %parallel_loop3A_588 = vector.shape_cast %parallel_loop3A_587 : vector<1x16xf32> to vector<16xf32>
      %parallel_loop3A_589 = arith.mulf %parallel_loop3A_20, %parallel_loop3A_588 : vector<16xf32>
      %parallel_loop3A_590 = arith.index_cast %parallel_loop3A_16 : i32 to index
      %parallel_loop3A_591 = arith.constant 448 : index
      %parallel_loop3A_592 = tpu.vector_load %arg9[%parallel_loop3A_590, %parallel_loop3A_591] {strides = array<i32>} : memref<64x768xf32, #tpu.memory_space<vmem>>, vector<1x16xf32>,
      %parallel_loop3A_593 = vector.shape_cast %parallel_loop3A_592 : vector<1x16xf32> to vector<16xf32>
      %parallel_loop3A_594 = arith.mulf %parallel_loop3A_24, %parallel_loop3A_593 : vector<16xf32>
      %parallel_loop3A_595 = arith.addf %parallel_loop3A_589, %parallel_loop3A_594 : vector<16xf32>
      %parallel_loop3A_596 = arith.constant 0.000000e+00 : f32
      %parallel_loop3A_597 = vector.broadcast %parallel_loop3A_596 : f32 to vector<16xf32>
      %parallel_loop3A_598 = arith.cmpf oeq, %parallel_loop3A_595, %parallel_loop3A_597 : vector<16xf32>
      %parallel_loop3A_599 = arith.select %parallel_loop3A_598, %broadcast_in_dim3A_13, %parallel_loop3A_595 : vector<16xi1>, vector<16xf32>
      %parallel_loop3A_600 = arith.index_cast %parallel_loop3A_16 : i32 to index
      %parallel_loop3A_601 = arith.constant 448 : index
      %parallel_loop3A_602 = tpu.vector_load %arg8[%parallel_loop3A_600, %parallel_loop3A_601] {strides = array<i32>} : memref<64x768xf32, #tpu.memory_space<vmem>>, vector<1x16xf32>,
      %parallel_loop3A_603 = vector.shape_cast %parallel_loop3A_602 : vector<1x16xf32> to vector<16xf32>
      %parallel_loop3A_604 = vector.shape_cast %parallel_loop3A_599 : vector<16xf32> to vector<1x16xf32>
      tpu.vector_store %arg8[%parallel_loop3A_600, %parallel_loop3A_601], %parallel_loop3A_604 {strides = array<i32>} : memref<64x768xf32, #tpu.memory_space<vmem>>, vector<1x16xf32>,
      %parallel_loop3A_605 = arith.index_cast %parallel_loop3A_16 : i32 to index
      %parallel_loop3A_606 = arith.constant 464 : index
      %parallel_loop3A_607 = tpu.vector_load %arg8[%parallel_loop3A_605, %parallel_loop3A_606] {strides = array<i32>} : memref<64x768xf32, #tpu.memory_space<vmem>>, vector<1x16xf32>,
      %parallel_loop3A_608 = vector.shape_cast %parallel_loop3A_607 : vector<1x16xf32> to vector<16xf32>
      %parallel_loop3A_609 = arith.mulf %parallel_loop3A_20, %parallel_loop3A_608 : vector<16xf32>
      %parallel_loop3A_610 = arith.index_cast %parallel_loop3A_16 : i32 to index
      %parallel_loop3A_611 = arith.constant 464 : index
      %parallel_loop3A_612 = tpu.vector_load %arg9[%parallel_loop3A_610, %parallel_loop3A_611] {strides = array<i32>} : memref<64x768xf32, #tpu.memory_space<vmem>>, vector<1x16xf32>,
      %parallel_loop3A_613 = vector.shape_cast %parallel_loop3A_612 : vector<1x16xf32> to vector<16xf32>
      %parallel_loop3A_614 = arith.mulf %parallel_loop3A_24, %parallel_loop3A_613 : vector<16xf32>
      %parallel_loop3A_615 = arith.addf %parallel_loop3A_609, %parallel_loop3A_614 : vector<16xf32>
      %parallel_loop3A_616 = arith.constant 0.000000e+00 : f32
      %parallel_loop3A_617 = vector.broadcast %parallel_loop3A_616 : f32 to vector<16xf32>
      %parallel_loop3A_618 = arith.cmpf oeq, %parallel_loop3A_615, %parallel_loop3A_617 : vector<16xf32>
      %parallel_loop3A_619 = arith.select %parallel_loop3A_618, %broadcast_in_dim3A_13, %parallel_loop3A_615 : vector<16xi1>, vector<16xf32>
      %parallel_loop3A_620 = arith.index_cast %parallel_loop3A_16 : i32 to index
      %parallel_loop3A_621 = arith.constant 464 : index
      %parallel_loop3A_622 = tpu.vector_load %arg8[%parallel_loop3A_620, %parallel_loop3A_621] {strides = array<i32>} : memref<64x768xf32, #tpu.memory_space<vmem>>, vector<1x16xf32>,
      %parallel_loop3A_623 = vector.shape_cast %parallel_loop3A_622 : vector<1x16xf32> to vector<16xf32>
      %parallel_loop3A_624 = vector.shape_cast %parallel_loop3A_619 : vector<16xf32> to vector<1x16xf32>
      tpu.vector_store %arg8[%parallel_loop3A_620, %parallel_loop3A_621], %parallel_loop3A_624 {strides = array<i32>} : memref<64x768xf32, #tpu.memory_space<vmem>>, vector<1x16xf32>,
      %parallel_loop3A_625 = arith.index_cast %parallel_loop3A_16 : i32 to index
      %parallel_loop3A_626 = arith.constant 480 : index
      %parallel_loop3A_627 = tpu.vector_load %arg8[%parallel_loop3A_625, %parallel_loop3A_626] {strides = array<i32>} : memref<64x768xf32, #tpu.memory_space<vmem>>, vector<1x16xf32>,
      %parallel_loop3A_628 = vector.shape_cast %parallel_loop3A_627 : vector<1x16xf32> to vector<16xf32>
      %parallel_loop3A_629 = arith.mulf %parallel_loop3A_20, %parallel_loop3A_628 : vector<16xf32>
      %parallel_loop3A_630 = arith.index_cast %parallel_loop3A_16 : i32 to index
      %parallel_loop3A_631 = arith.constant 480 : index
      %parallel_loop3A_632 = tpu.vector_load %arg9[%parallel_loop3A_630, %parallel_loop3A_631] {strides = array<i32>} : memref<64x768xf32, #tpu.memory_space<vmem>>, vector<1x16xf32>,
      %parallel_loop3A_633 = vector.shape_cast %parallel_loop3A_632 : vector<1x16xf32> to vector<16xf32>
      %parallel_loop3A_634 = arith.mulf %parallel_loop3A_24, %parallel_loop3A_633 : vector<16xf32>
      %parallel_loop3A_635 = arith.addf %parallel_loop3A_629, %parallel_loop3A_634 : vector<16xf32>
      %parallel_loop3A_636 = arith.constant 0.000000e+00 : f32
      %parallel_loop3A_637 = vector.broadcast %parallel_loop3A_636 : f32 to vector<16xf32>
      %parallel_loop3A_638 = arith.cmpf oeq, %parallel_loop3A_635, %parallel_loop3A_637 : vector<16xf32>
      %parallel_loop3A_639 = arith.select %parallel_loop3A_638, %broadcast_in_dim3A_13, %parallel_loop3A_635 : vector<16xi1>, vector<16xf32>
      %parallel_loop3A_640 = arith.index_cast %parallel_loop3A_16 : i32 to index
      %parallel_loop3A_641 = arith.constant 480 : index
      %parallel_loop3A_642 = tpu.vector_load %arg8[%parallel_loop3A_640, %parallel_loop3A_641] {strides = array<i32>} : memref<64x768xf32, #tpu.memory_space<vmem>>, vector<1x16xf32>,
      %parallel_loop3A_643 = vector.shape_cast %parallel_loop3A_642 : vector<1x16xf32> to vector<16xf32>
      %parallel_loop3A_644 = vector.shape_cast %parallel_loop3A_639 : vector<16xf32> to vector<1x16xf32>
      tpu.vector_store %arg8[%parallel_loop3A_640, %parallel_loop3A_641], %parallel_loop3A_644 {strides = array<i32>} : memref<64x768xf32, #tpu.memory_space<vmem>>, vector<1x16xf32>,
      %parallel_loop3A_645 = arith.index_cast %parallel_loop3A_16 : i32 to index
      %parallel_loop3A_646 = arith.constant 496 : index
      %parallel_loop3A_647 = tpu.vector_load %arg8[%parallel_loop3A_645, %parallel_loop3A_646] {strides = array<i32>} : memref<64x768xf32, #tpu.memory_space<vmem>>, vector<1x16xf32>,
      %parallel_loop3A_648 = vector.shape_cast %parallel_loop3A_647 : vector<1x16xf32> to vector<16xf32>
      %parallel_loop3A_649 = arith.mulf %parallel_loop3A_20, %parallel_loop3A_648 : vector<16xf32>
      %parallel_loop3A_650 = arith.index_cast %parallel_loop3A_16 : i32 to index
      %parallel_loop3A_651 = arith.constant 496 : index
      %parallel_loop3A_652 = tpu.vector_load %arg9[%parallel_loop3A_650, %parallel_loop3A_651] {strides = array<i32>} : memref<64x768xf32, #tpu.memory_space<vmem>>, vector<1x16xf32>,
      %parallel_loop3A_653 = vector.shape_cast %parallel_loop3A_652 : vector<1x16xf32> to vector<16xf32>
      %parallel_loop3A_654 = arith.mulf %parallel_loop3A_24, %parallel_loop3A_653 : vector<16xf32>
      %parallel_loop3A_655 = arith.addf %parallel_loop3A_649, %parallel_loop3A_654 : vector<16xf32>
      %parallel_loop3A_656 = arith.constant 0.000000e+00 : f32
      %parallel_loop3A_657 = vector.broadcast %parallel_loop3A_656 : f32 to vector<16xf32>
      %parallel_loop3A_658 = arith.cmpf oeq, %parallel_loop3A_655, %parallel_loop3A_657 : vector<16xf32>
      %parallel_loop3A_659 = arith.select %parallel_loop3A_658, %broadcast_in_dim3A_13, %parallel_loop3A_655 : vector<16xi1>, vector<16xf32>
      %parallel_loop3A_660 = arith.index_cast %parallel_loop3A_16 : i32 to index
      %parallel_loop3A_661 = arith.constant 496 : index
      %parallel_loop3A_662 = tpu.vector_load %arg8[%parallel_loop3A_660, %parallel_loop3A_661] {strides = array<i32>} : memref<64x768xf32, #tpu.memory_space<vmem>>, vector<1x16xf32>,
      %parallel_loop3A_663 = vector.shape_cast %parallel_loop3A_662 : vector<1x16xf32> to vector<16xf32>
      %parallel_loop3A_664 = vector.shape_cast %parallel_loop3A_659 : vector<16xf32> to vector<1x16xf32>
      tpu.vector_store %arg8[%parallel_loop3A_660, %parallel_loop3A_661], %parallel_loop3A_664 {strides = array<i32>} : memref<64x768xf32, #tpu.memory_space<vmem>>, vector<1x16xf32>,
      %parallel_loop3A_665 = arith.index_cast %parallel_loop3A_16 : i32 to index
      %parallel_loop3A_666 = arith.constant 512 : index
      %parallel_loop3A_667 = tpu.vector_load %arg8[%parallel_loop3A_665, %parallel_loop3A_666] {strides = array<i32>} : memref<64x768xf32, #tpu.memory_space<vmem>>, vector<1x16xf32>,
      %parallel_loop3A_668 = vector.shape_cast %parallel_loop3A_667 : vector<1x16xf32> to vector<16xf32>
      %parallel_loop3A_669 = arith.mulf %parallel_loop3A_20, %parallel_loop3A_668 : vector<16xf32>
      %parallel_loop3A_670 = arith.index_cast %parallel_loop3A_16 : i32 to index
      %parallel_loop3A_671 = arith.constant 512 : index
      %parallel_loop3A_672 = tpu.vector_load %arg9[%parallel_loop3A_670, %parallel_loop3A_671] {strides = array<i32>} : memref<64x768xf32, #tpu.memory_space<vmem>>, vector<1x16xf32>,
      %parallel_loop3A_673 = vector.shape_cast %parallel_loop3A_672 : vector<1x16xf32> to vector<16xf32>
      %parallel_loop3A_674 = arith.mulf %parallel_loop3A_24, %parallel_loop3A_673 : vector<16xf32>
      %parallel_loop3A_675 = arith.addf %parallel_loop3A_669, %parallel_loop3A_674 : vector<16xf32>
      %parallel_loop3A_676 = arith.constant 0.000000e+00 : f32
      %parallel_loop3A_677 = vector.broadcast %parallel_loop3A_676 : f32 to vector<16xf32>
      %parallel_loop3A_678 = arith.cmpf oeq, %parallel_loop3A_675, %parallel_loop3A_677 : vector<16xf32>
      %parallel_loop3A_679 = arith.select %parallel_loop3A_678, %broadcast_in_dim3A_13, %parallel_loop3A_675 : vector<16xi1>, vector<16xf32>
      %parallel_loop3A_680 = arith.index_cast %parallel_loop3A_16 : i32 to index
      %parallel_loop3A_681 = arith.constant 512 : index
      %parallel_loop3A_682 = tpu.vector_load %arg8[%parallel_loop3A_680, %parallel_loop3A_681] {strides = array<i32>} : memref<64x768xf32, #tpu.memory_space<vmem>>, vector<1x16xf32>,
      %parallel_loop3A_683 = vector.shape_cast %parallel_loop3A_682 : vector<1x16xf32> to vector<16xf32>
      %parallel_loop3A_684 = vector.shape_cast %parallel_loop3A_679 : vector<16xf32> to vector<1x16xf32>
      tpu.vector_store %arg8[%parallel_loop3A_680, %parallel_loop3A_681], %parallel_loop3A_684 {strides = array<i32>} : memref<64x768xf32, #tpu.memory_space<vmem>>, vector<1x16xf32>,
      %parallel_loop3A_685 = arith.index_cast %parallel_loop3A_16 : i32 to index
      %parallel_loop3A_686 = arith.constant 528 : index
      %parallel_loop3A_687 = tpu.vector_load %arg8[%parallel_loop3A_685, %parallel_loop3A_686] {strides = array<i32>} : memref<64x768xf32, #tpu.memory_space<vmem>>, vector<1x16xf32>,
      %parallel_loop3A_688 = vector.shape_cast %parallel_loop3A_687 : vector<1x16xf32> to vector<16xf32>
      %parallel_loop3A_689 = arith.mulf %parallel_loop3A_20, %parallel_loop3A_688 : vector<16xf32>
      %parallel_loop3A_690 = arith.index_cast %parallel_loop3A_16 : i32 to index
      %parallel_loop3A_691 = arith.constant 528 : index
      %parallel_loop3A_692 = tpu.vector_load %arg9[%parallel_loop3A_690, %parallel_loop3A_691] {strides = array<i32>} : memref<64x768xf32, #tpu.memory_space<vmem>>, vector<1x16xf32>,
      %parallel_loop3A_693 = vector.shape_cast %parallel_loop3A_692 : vector<1x16xf32> to vector<16xf32>
      %parallel_loop3A_694 = arith.mulf %parallel_loop3A_24, %parallel_loop3A_693 : vector<16xf32>
      %parallel_loop3A_695 = arith.addf %parallel_loop3A_689, %parallel_loop3A_694 : vector<16xf32>
      %parallel_loop3A_696 = arith.constant 0.000000e+00 : f32
      %parallel_loop3A_697 = vector.broadcast %parallel_loop3A_696 : f32 to vector<16xf32>
      %parallel_loop3A_698 = arith.cmpf oeq, %parallel_loop3A_695, %parallel_loop3A_697 : vector<16xf32>
      %parallel_loop3A_699 = arith.select %parallel_loop3A_698, %broadcast_in_dim3A_13, %parallel_loop3A_695 : vector<16xi1>, vector<16xf32>
      %parallel_loop3A_700 = arith.index_cast %parallel_loop3A_16 : i32 to index
      %parallel_loop3A_701 = arith.constant 528 : index
      %parallel_loop3A_702 = tpu.vector_load %arg8[%parallel_loop3A_700, %parallel_loop3A_701] {strides = array<i32>} : memref<64x768xf32, #tpu.memory_space<vmem>>, vector<1x16xf32>,
      %parallel_loop3A_703 = vector.shape_cast %parallel_loop3A_702 : vector<1x16xf32> to vector<16xf32>
      %parallel_loop3A_704 = vector.shape_cast %parallel_loop3A_699 : vector<16xf32> to vector<1x16xf32>
      tpu.vector_store %arg8[%parallel_loop3A_700, %parallel_loop3A_701], %parallel_loop3A_704 {strides = array<i32>} : memref<64x768xf32, #tpu.memory_space<vmem>>, vector<1x16xf32>,
      %parallel_loop3A_705 = arith.index_cast %parallel_loop3A_16 : i32 to index
      %parallel_loop3A_706 = arith.constant 544 : index
      %parallel_loop3A_707 = tpu.vector_load %arg8[%parallel_loop3A_705, %parallel_loop3A_706] {strides = array<i32>} : memref<64x768xf32, #tpu.memory_space<vmem>>, vector<1x16xf32>,
      %parallel_loop3A_708 = vector.shape_cast %parallel_loop3A_707 : vector<1x16xf32> to vector<16xf32>
      %parallel_loop3A_709 = arith.mulf %parallel_loop3A_20, %parallel_loop3A_708 : vector<16xf32>
      %parallel_loop3A_710 = arith.index_cast %parallel_loop3A_16 : i32 to index
      %parallel_loop3A_711 = arith.constant 544 : index
      %parallel_loop3A_712 = tpu.vector_load %arg9[%parallel_loop3A_710, %parallel_loop3A_711] {strides = array<i32>} : memref<64x768xf32, #tpu.memory_space<vmem>>, vector<1x16xf32>,
      %parallel_loop3A_713 = vector.shape_cast %parallel_loop3A_712 : vector<1x16xf32> to vector<16xf32>
      %parallel_loop3A_714 = arith.mulf %parallel_loop3A_24, %parallel_loop3A_713 : vector<16xf32>
      %parallel_loop3A_715 = arith.addf %parallel_loop3A_709, %parallel_loop3A_714 : vector<16xf32>
      %parallel_loop3A_716 = arith.constant 0.000000e+00 : f32
      %parallel_loop3A_717 = vector.broadcast %parallel_loop3A_716 : f32 to vector<16xf32>
      %parallel_loop3A_718 = arith.cmpf oeq, %parallel_loop3A_715, %parallel_loop3A_717 : vector<16xf32>
      %parallel_loop3A_719 = arith.select %parallel_loop3A_718, %broadcast_in_dim3A_13, %parallel_loop3A_715 : vector<16xi1>, vector<16xf32>
      %parallel_loop3A_720 = arith.index_cast %parallel_loop3A_16 : i32 to index
      %parallel_loop3A_721 = arith.constant 544 : index
      %parallel_loop3A_722 = tpu.vector_load %arg8[%parallel_loop3A_720, %parallel_loop3A_721] {strides = array<i32>} : memref<64x768xf32, #tpu.memory_space<vmem>>, vector<1x16xf32>,
      %parallel_loop3A_723 = vector.shape_cast %parallel_loop3A_722 : vector<1x16xf32> to vector<16xf32>
      %parallel_loop3A_724 = vector.shape_cast %parallel_loop3A_719 : vector<16xf32> to vector<1x16xf32>
      tpu.vector_store %arg8[%parallel_loop3A_720, %parallel_loop3A_721], %parallel_loop3A_724 {strides = array<i32>} : memref<64x768xf32, #tpu.memory_space<vmem>>, vector<1x16xf32>,
      %parallel_loop3A_725 = arith.index_cast %parallel_loop3A_16 : i32 to index
      %parallel_loop3A_726 = arith.constant 560 : index
      %parallel_loop3A_727 = tpu.vector_load %arg8[%parallel_loop3A_725, %parallel_loop3A_726] {strides = array<i32>} : memref<64x768xf32, #tpu.memory_space<vmem>>, vector<1x16xf32>,
      %parallel_loop3A_728 = vector.shape_cast %parallel_loop3A_727 : vector<1x16xf32> to vector<16xf32>
      %parallel_loop3A_729 = arith.mulf %parallel_loop3A_20, %parallel_loop3A_728 : vector<16xf32>
      %parallel_loop3A_730 = arith.index_cast %parallel_loop3A_16 : i32 to index
      %parallel_loop3A_731 = arith.constant 560 : index
      %parallel_loop3A_732 = tpu.vector_load %arg9[%parallel_loop3A_730, %parallel_loop3A_731] {strides = array<i32>} : memref<64x768xf32, #tpu.memory_space<vmem>>, vector<1x16xf32>,
      %parallel_loop3A_733 = vector.shape_cast %parallel_loop3A_732 : vector<1x16xf32> to vector<16xf32>
      %parallel_loop3A_734 = arith.mulf %parallel_loop3A_24, %parallel_loop3A_733 : vector<16xf32>
      %parallel_loop3A_735 = arith.addf %parallel_loop3A_729, %parallel_loop3A_734 : vector<16xf32>
      %parallel_loop3A_736 = arith.constant 0.000000e+00 : f32
      %parallel_loop3A_737 = vector.broadcast %parallel_loop3A_736 : f32 to vector<16xf32>
      %parallel_loop3A_738 = arith.cmpf oeq, %parallel_loop3A_735, %parallel_loop3A_737 : vector<16xf32>
      %parallel_loop3A_739 = arith.select %parallel_loop3A_738, %broadcast_in_dim3A_13, %parallel_loop3A_735 : vector<16xi1>, vector<16xf32>
      %parallel_loop3A_740 = arith.index_cast %parallel_loop3A_16 : i32 to index
      %parallel_loop3A_741 = arith.constant 560 : index
      %parallel_loop3A_742 = tpu.vector_load %arg8[%parallel_loop3A_740, %parallel_loop3A_741] {strides = array<i32>} : memref<64x768xf32, #tpu.memory_space<vmem>>, vector<1x16xf32>,
      %parallel_loop3A_743 = vector.shape_cast %parallel_loop3A_742 : vector<1x16xf32> to vector<16xf32>
      %parallel_loop3A_744 = vector.shape_cast %parallel_loop3A_739 : vector<16xf32> to vector<1x16xf32>
      tpu.vector_store %arg8[%parallel_loop3A_740, %parallel_loop3A_741], %parallel_loop3A_744 {strides = array<i32>} : memref<64x768xf32, #tpu.memory_space<vmem>>, vector<1x16xf32>,
      %parallel_loop3A_745 = arith.index_cast %parallel_loop3A_16 : i32 to index
      %parallel_loop3A_746 = arith.constant 576 : index
      %parallel_loop3A_747 = tpu.vector_load %arg8[%parallel_loop3A_745, %parallel_loop3A_746] {strides = array<i32>} : memref<64x768xf32, #tpu.memory_space<vmem>>, vector<1x16xf32>,
      %parallel_loop3A_748 = vector.shape_cast %parallel_loop3A_747 : vector<1x16xf32> to vector<16xf32>
      %parallel_loop3A_749 = arith.mulf %parallel_loop3A_20, %parallel_loop3A_748 : vector<16xf32>
      %parallel_loop3A_750 = arith.index_cast %parallel_loop3A_16 : i32 to index
      %parallel_loop3A_751 = arith.constant 576 : index
      %parallel_loop3A_752 = tpu.vector_load %arg9[%parallel_loop3A_750, %parallel_loop3A_751] {strides = array<i32>} : memref<64x768xf32, #tpu.memory_space<vmem>>, vector<1x16xf32>,
      %parallel_loop3A_753 = vector.shape_cast %parallel_loop3A_752 : vector<1x16xf32> to vector<16xf32>
      %parallel_loop3A_754 = arith.mulf %parallel_loop3A_24, %parallel_loop3A_753 : vector<16xf32>
      %parallel_loop3A_755 = arith.addf %parallel_loop3A_749, %parallel_loop3A_754 : vector<16xf32>
      %parallel_loop3A_756 = arith.constant 0.000000e+00 : f32
      %parallel_loop3A_757 = vector.broadcast %parallel_loop3A_756 : f32 to vector<16xf32>
      %parallel_loop3A_758 = arith.cmpf oeq, %parallel_loop3A_755, %parallel_loop3A_757 : vector<16xf32>
      %parallel_loop3A_759 = arith.select %parallel_loop3A_758, %broadcast_in_dim3A_13, %parallel_loop3A_755 : vector<16xi1>, vector<16xf32>
      %parallel_loop3A_760 = arith.index_cast %parallel_loop3A_16 : i32 to index
      %parallel_loop3A_761 = arith.constant 576 : index
      %parallel_loop3A_762 = tpu.vector_load %arg8[%parallel_loop3A_760, %parallel_loop3A_761] {strides = array<i32>} : memref<64x768xf32, #tpu.memory_space<vmem>>, vector<1x16xf32>,
      %parallel_loop3A_763 = vector.shape_cast %parallel_loop3A_762 : vector<1x16xf32> to vector<16xf32>
      %parallel_loop3A_764 = vector.shape_cast %parallel_loop3A_759 : vector<16xf32> to vector<1x16xf32>
      tpu.vector_store %arg8[%parallel_loop3A_760, %parallel_loop3A_761], %parallel_loop3A_764 {strides = array<i32>} : memref<64x768xf32, #tpu.memory_space<vmem>>, vector<1x16xf32>,
      %parallel_loop3A_765 = arith.index_cast %parallel_loop3A_16 : i32 to index
      %parallel_loop3A_766 = arith.constant 592 : index
      %parallel_loop3A_767 = tpu.vector_load %arg8[%parallel_loop3A_765, %parallel_loop3A_766] {strides = array<i32>} : memref<64x768xf32, #tpu.memory_space<vmem>>, vector<1x16xf32>,
      %parallel_loop3A_768 = vector.shape_cast %parallel_loop3A_767 : vector<1x16xf32> to vector<16xf32>
      %parallel_loop3A_769 = arith.mulf %parallel_loop3A_20, %parallel_loop3A_768 : vector<16xf32>
      %parallel_loop3A_770 = arith.index_cast %parallel_loop3A_16 : i32 to index
      %parallel_loop3A_771 = arith.constant 592 : index
      %parallel_loop3A_772 = tpu.vector_load %arg9[%parallel_loop3A_770, %parallel_loop3A_771] {strides = array<i32>} : memref<64x768xf32, #tpu.memory_space<vmem>>, vector<1x16xf32>,
      %parallel_loop3A_773 = vector.shape_cast %parallel_loop3A_772 : vector<1x16xf32> to vector<16xf32>
      %parallel_loop3A_774 = arith.mulf %parallel_loop3A_24, %parallel_loop3A_773 : vector<16xf32>
      %parallel_loop3A_775 = arith.addf %parallel_loop3A_769, %parallel_loop3A_774 : vector<16xf32>
      %parallel_loop3A_776 = arith.constant 0.000000e+00 : f32
      %parallel_loop3A_777 = vector.broadcast %parallel_loop3A_776 : f32 to vector<16xf32>
      %parallel_loop3A_778 = arith.cmpf oeq, %parallel_loop3A_775, %parallel_loop3A_777 : vector<16xf32>
      %parallel_loop3A_779 = arith.select %parallel_loop3A_778, %broadcast_in_dim3A_13, %parallel_loop3A_775 : vector<16xi1>, vector<16xf32>
      %parallel_loop3A_780 = arith.index_cast %parallel_loop3A_16 : i32 to index
      %parallel_loop3A_781 = arith.constant 592 : index
      %parallel_loop3A_782 = tpu.vector_load %arg8[%parallel_loop3A_780, %parallel_loop3A_781] {strides = array<i32>} : memref<64x768xf32, #tpu.memory_space<vmem>>, vector<1x16xf32>,
      %parallel_loop3A_783 = vector.shape_cast %parallel_loop3A_782 : vector<1x16xf32> to vector<16xf32>
      %parallel_loop3A_784 = vector.shape_cast %parallel_loop3A_779 : vector<16xf32> to vector<1x16xf32>
      tpu.vector_store %arg8[%parallel_loop3A_780, %parallel_loop3A_781], %parallel_loop3A_784 {strides = array<i32>} : memref<64x768xf32, #tpu.memory_space<vmem>>, vector<1x16xf32>,
      %parallel_loop3A_785 = arith.index_cast %parallel_loop3A_16 : i32 to index
      %parallel_loop3A_786 = arith.constant 608 : index
      %parallel_loop3A_787 = tpu.vector_load %arg8[%parallel_loop3A_785, %parallel_loop3A_786] {strides = array<i32>} : memref<64x768xf32, #tpu.memory_space<vmem>>, vector<1x16xf32>,
      %parallel_loop3A_788 = vector.shape_cast %parallel_loop3A_787 : vector<1x16xf32> to vector<16xf32>
      %parallel_loop3A_789 = arith.mulf %parallel_loop3A_20, %parallel_loop3A_788 : vector<16xf32>
      %parallel_loop3A_790 = arith.index_cast %parallel_loop3A_16 : i32 to index
      %parallel_loop3A_791 = arith.constant 608 : index
      %parallel_loop3A_792 = tpu.vector_load %arg9[%parallel_loop3A_790, %parallel_loop3A_791] {strides = array<i32>} : memref<64x768xf32, #tpu.memory_space<vmem>>, vector<1x16xf32>,
      %parallel_loop3A_793 = vector.shape_cast %parallel_loop3A_792 : vector<1x16xf32> to vector<16xf32>
      %parallel_loop3A_794 = arith.mulf %parallel_loop3A_24, %parallel_loop3A_793 : vector<16xf32>
      %parallel_loop3A_795 = arith.addf %parallel_loop3A_789, %parallel_loop3A_794 : vector<16xf32>
      %parallel_loop3A_796 = arith.constant 0.000000e+00 : f32
      %parallel_loop3A_797 = vector.broadcast %parallel_loop3A_796 : f32 to vector<16xf32>
      %parallel_loop3A_798 = arith.cmpf oeq, %parallel_loop3A_795, %parallel_loop3A_797 : vector<16xf32>
      %parallel_loop3A_799 = arith.select %parallel_loop3A_798, %broadcast_in_dim3A_13, %parallel_loop3A_795 : vector<16xi1>, vector<16xf32>
      %parallel_loop3A_800 = arith.index_cast %parallel_loop3A_16 : i32 to index
      %parallel_loop3A_801 = arith.constant 608 : index
      %parallel_loop3A_802 = tpu.vector_load %arg8[%parallel_loop3A_800, %parallel_loop3A_801] {strides = array<i32>} : memref<64x768xf32, #tpu.memory_space<vmem>>, vector<1x16xf32>,
      %parallel_loop3A_803 = vector.shape_cast %parallel_loop3A_802 : vector<1x16xf32> to vector<16xf32>
      %parallel_loop3A_804 = vector.shape_cast %parallel_loop3A_799 : vector<16xf32> to vector<1x16xf32>
      tpu.vector_store %arg8[%parallel_loop3A_800, %parallel_loop3A_801], %parallel_loop3A_804 {strides = array<i32>} : memref<64x768xf32, #tpu.memory_space<vmem>>, vector<1x16xf32>,
      %parallel_loop3A_805 = arith.index_cast %parallel_loop3A_16 : i32 to index
      %parallel_loop3A_806 = arith.constant 624 : index
      %parallel_loop3A_807 = tpu.vector_load %arg8[%parallel_loop3A_805, %parallel_loop3A_806] {strides = array<i32>} : memref<64x768xf32, #tpu.memory_space<vmem>>, vector<1x16xf32>,
      %parallel_loop3A_808 = vector.shape_cast %parallel_loop3A_807 : vector<1x16xf32> to vector<16xf32>
      %parallel_loop3A_809 = arith.mulf %parallel_loop3A_20, %parallel_loop3A_808 : vector<16xf32>
      %parallel_loop3A_810 = arith.index_cast %parallel_loop3A_16 : i32 to index
      %parallel_loop3A_811 = arith.constant 624 : index
      %parallel_loop3A_812 = tpu.vector_load %arg9[%parallel_loop3A_810, %parallel_loop3A_811] {strides = array<i32>} : memref<64x768xf32, #tpu.memory_space<vmem>>, vector<1x16xf32>,
      %parallel_loop3A_813 = vector.shape_cast %parallel_loop3A_812 : vector<1x16xf32> to vector<16xf32>
      %parallel_loop3A_814 = arith.mulf %parallel_loop3A_24, %parallel_loop3A_813 : vector<16xf32>
      %parallel_loop3A_815 = arith.addf %parallel_loop3A_809, %parallel_loop3A_814 : vector<16xf32>
      %parallel_loop3A_816 = arith.constant 0.000000e+00 : f32
      %parallel_loop3A_817 = vector.broadcast %parallel_loop3A_816 : f32 to vector<16xf32>
      %parallel_loop3A_818 = arith.cmpf oeq, %parallel_loop3A_815, %parallel_loop3A_817 : vector<16xf32>
      %parallel_loop3A_819 = arith.select %parallel_loop3A_818, %broadcast_in_dim3A_13, %parallel_loop3A_815 : vector<16xi1>, vector<16xf32>
      %parallel_loop3A_820 = arith.index_cast %parallel_loop3A_16 : i32 to index
      %parallel_loop3A_821 = arith.constant 624 : index
      %parallel_loop3A_822 = tpu.vector_load %arg8[%parallel_loop3A_820, %parallel_loop3A_821] {strides = array<i32>} : memref<64x768xf32, #tpu.memory_space<vmem>>, vector<1x16xf32>,
      %parallel_loop3A_823 = vector.shape_cast %parallel_loop3A_822 : vector<1x16xf32> to vector<16xf32>
      %parallel_loop3A_824 = vector.shape_cast %parallel_loop3A_819 : vector<16xf32> to vector<1x16xf32>
      tpu.vector_store %arg8[%parallel_loop3A_820, %parallel_loop3A_821], %parallel_loop3A_824 {strides = array<i32>} : memref<64x768xf32, #tpu.memory_space<vmem>>, vector<1x16xf32>,
      %parallel_loop3A_825 = arith.index_cast %parallel_loop3A_16 : i32 to index
      %parallel_loop3A_826 = arith.constant 640 : index
      %parallel_loop3A_827 = tpu.vector_load %arg8[%parallel_loop3A_825, %parallel_loop3A_826] {strides = array<i32>} : memref<64x768xf32, #tpu.memory_space<vmem>>, vector<1x16xf32>,
      %parallel_loop3A_828 = vector.shape_cast %parallel_loop3A_827 : vector<1x16xf32> to vector<16xf32>
      %parallel_loop3A_829 = arith.mulf %parallel_loop3A_20, %parallel_loop3A_828 : vector<16xf32>
      %parallel_loop3A_830 = arith.index_cast %parallel_loop3A_16 : i32 to index
      %parallel_loop3A_831 = arith.constant 640 : index
      %parallel_loop3A_832 = tpu.vector_load %arg9[%parallel_loop3A_830, %parallel_loop3A_831] {strides = array<i32>} : memref<64x768xf32, #tpu.memory_space<vmem>>, vector<1x16xf32>,
      %parallel_loop3A_833 = vector.shape_cast %parallel_loop3A_832 : vector<1x16xf32> to vector<16xf32>
      %parallel_loop3A_834 = arith.mulf %parallel_loop3A_24, %parallel_loop3A_833 : vector<16xf32>
      %parallel_loop3A_835 = arith.addf %parallel_loop3A_829, %parallel_loop3A_834 : vector<16xf32>
      %parallel_loop3A_836 = arith.constant 0.000000e+00 : f32
      %parallel_loop3A_837 = vector.broadcast %parallel_loop3A_836 : f32 to vector<16xf32>
      %parallel_loop3A_838 = arith.cmpf oeq, %parallel_loop3A_835, %parallel_loop3A_837 : vector<16xf32>
      %parallel_loop3A_839 = arith.select %parallel_loop3A_838, %broadcast_in_dim3A_13, %parallel_loop3A_835 : vector<16xi1>, vector<16xf32>
      %parallel_loop3A_840 = arith.index_cast %parallel_loop3A_16 : i32 to index
      %parallel_loop3A_841 = arith.constant 640 : index
      %parallel_loop3A_842 = tpu.vector_load %arg8[%parallel_loop3A_840, %parallel_loop3A_841] {strides = array<i32>} : memref<64x768xf32, #tpu.memory_space<vmem>>, vector<1x16xf32>,
      %parallel_loop3A_843 = vector.shape_cast %parallel_loop3A_842 : vector<1x16xf32> to vector<16xf32>
      %parallel_loop3A_844 = vector.shape_cast %parallel_loop3A_839 : vector<16xf32> to vector<1x16xf32>
      tpu.vector_store %arg8[%parallel_loop3A_840, %parallel_loop3A_841], %parallel_loop3A_844 {strides = array<i32>} : memref<64x768xf32, #tpu.memory_space<vmem>>, vector<1x16xf32>,
      %parallel_loop3A_845 = arith.index_cast %parallel_loop3A_16 : i32 to index
      %parallel_loop3A_846 = arith.constant 656 : index
      %parallel_loop3A_847 = tpu.vector_load %arg8[%parallel_loop3A_845, %parallel_loop3A_846] {strides = array<i32>} : memref<64x768xf32, #tpu.memory_space<vmem>>, vector<1x16xf32>,
      %parallel_loop3A_848 = vector.shape_cast %parallel_loop3A_847 : vector<1x16xf32> to vector<16xf32>
      %parallel_loop3A_849 = arith.mulf %parallel_loop3A_20, %parallel_loop3A_848 : vector<16xf32>
      %parallel_loop3A_850 = arith.index_cast %parallel_loop3A_16 : i32 to index
      %parallel_loop3A_851 = arith.constant 656 : index
      %parallel_loop3A_852 = tpu.vector_load %arg9[%parallel_loop3A_850, %parallel_loop3A_851] {strides = array<i32>} : memref<64x768xf32, #tpu.memory_space<vmem>>, vector<1x16xf32>,
      %parallel_loop3A_853 = vector.shape_cast %parallel_loop3A_852 : vector<1x16xf32> to vector<16xf32>
      %parallel_loop3A_854 = arith.mulf %parallel_loop3A_24, %parallel_loop3A_853 : vector<16xf32>
      %parallel_loop3A_855 = arith.addf %parallel_loop3A_849, %parallel_loop3A_854 : vector<16xf32>
      %parallel_loop3A_856 = arith.constant 0.000000e+00 : f32
      %parallel_loop3A_857 = vector.broadcast %parallel_loop3A_856 : f32 to vector<16xf32>
      %parallel_loop3A_858 = arith.cmpf oeq, %parallel_loop3A_855, %parallel_loop3A_857 : vector<16xf32>
      %parallel_loop3A_859 = arith.select %parallel_loop3A_858, %broadcast_in_dim3A_13, %parallel_loop3A_855 : vector<16xi1>, vector<16xf32>
      %parallel_loop3A_860 = arith.index_cast %parallel_loop3A_16 : i32 to index
      %parallel_loop3A_861 = arith.constant 656 : index
      %parallel_loop3A_862 = tpu.vector_load %arg8[%parallel_loop3A_860, %parallel_loop3A_861] {strides = array<i32>} : memref<64x768xf32, #tpu.memory_space<vmem>>, vector<1x16xf32>,
      %parallel_loop3A_863 = vector.shape_cast %parallel_loop3A_862 : vector<1x16xf32> to vector<16xf32>
      %parallel_loop3A_864 = vector.shape_cast %parallel_loop3A_859 : vector<16xf32> to vector<1x16xf32>
      tpu.vector_store %arg8[%parallel_loop3A_860, %parallel_loop3A_861], %parallel_loop3A_864 {strides = array<i32>} : memref<64x768xf32, #tpu.memory_space<vmem>>, vector<1x16xf32>,
      %parallel_loop3A_865 = arith.index_cast %parallel_loop3A_16 : i32 to index
      %parallel_loop3A_866 = arith.constant 672 : index
      %parallel_loop3A_867 = tpu.vector_load %arg8[%parallel_loop3A_865, %parallel_loop3A_866] {strides = array<i32>} : memref<64x768xf32, #tpu.memory_space<vmem>>, vector<1x16xf32>,
      %parallel_loop3A_868 = vector.shape_cast %parallel_loop3A_867 : vector<1x16xf32> to vector<16xf32>
      %parallel_loop3A_869 = arith.mulf %parallel_loop3A_20, %parallel_loop3A_868 : vector<16xf32>
      %parallel_loop3A_870 = arith.index_cast %parallel_loop3A_16 : i32 to index
      %parallel_loop3A_871 = arith.constant 672 : index
      %parallel_loop3A_872 = tpu.vector_load %arg9[%parallel_loop3A_870, %parallel_loop3A_871] {strides = array<i32>} : memref<64x768xf32, #tpu.memory_space<vmem>>, vector<1x16xf32>,
      %parallel_loop3A_873 = vector.shape_cast %parallel_loop3A_872 : vector<1x16xf32> to vector<16xf32>
      %parallel_loop3A_874 = arith.mulf %parallel_loop3A_24, %parallel_loop3A_873 : vector<16xf32>
      %parallel_loop3A_875 = arith.addf %parallel_loop3A_869, %parallel_loop3A_874 : vector<16xf32>
      %parallel_loop3A_876 = arith.constant 0.000000e+00 : f32
      %parallel_loop3A_877 = vector.broadcast %parallel_loop3A_876 : f32 to vector<16xf32>
      %parallel_loop3A_878 = arith.cmpf oeq, %parallel_loop3A_875, %parallel_loop3A_877 : vector<16xf32>
      %parallel_loop3A_879 = arith.select %parallel_loop3A_878, %broadcast_in_dim3A_13, %parallel_loop3A_875 : vector<16xi1>, vector<16xf32>
      %parallel_loop3A_880 = arith.index_cast %parallel_loop3A_16 : i32 to index
      %parallel_loop3A_881 = arith.constant 672 : index
      %parallel_loop3A_882 = tpu.vector_load %arg8[%parallel_loop3A_880, %parallel_loop3A_881] {strides = array<i32>} : memref<64x768xf32, #tpu.memory_space<vmem>>, vector<1x16xf32>,
      %parallel_loop3A_883 = vector.shape_cast %parallel_loop3A_882 : vector<1x16xf32> to vector<16xf32>
      %parallel_loop3A_884 = vector.shape_cast %parallel_loop3A_879 : vector<16xf32> to vector<1x16xf32>
      tpu.vector_store %arg8[%parallel_loop3A_880, %parallel_loop3A_881], %parallel_loop3A_884 {strides = array<i32>} : memref<64x768xf32, #tpu.memory_space<vmem>>, vector<1x16xf32>,
      %parallel_loop3A_885 = arith.index_cast %parallel_loop3A_16 : i32 to index
      %parallel_loop3A_886 = arith.constant 688 : index
      %parallel_loop3A_887 = tpu.vector_load %arg8[%parallel_loop3A_885, %parallel_loop3A_886] {strides = array<i32>} : memref<64x768xf32, #tpu.memory_space<vmem>>, vector<1x16xf32>,
      %parallel_loop3A_888 = vector.shape_cast %parallel_loop3A_887 : vector<1x16xf32> to vector<16xf32>
      %parallel_loop3A_889 = arith.mulf %parallel_loop3A_20, %parallel_loop3A_888 : vector<16xf32>
      %parallel_loop3A_890 = arith.index_cast %parallel_loop3A_16 : i32 to index
      %parallel_loop3A_891 = arith.constant 688 : index
      %parallel_loop3A_892 = tpu.vector_load %arg9[%parallel_loop3A_890, %parallel_loop3A_891] {strides = array<i32>} : memref<64x768xf32, #tpu.memory_space<vmem>>, vector<1x16xf32>,
      %parallel_loop3A_893 = vector.shape_cast %parallel_loop3A_892 : vector<1x16xf32> to vector<16xf32>
      %parallel_loop3A_894 = arith.mulf %parallel_loop3A_24, %parallel_loop3A_893 : vector<16xf32>
      %parallel_loop3A_895 = arith.addf %parallel_loop3A_889, %parallel_loop3A_894 : vector<16xf32>
      %parallel_loop3A_896 = arith.constant 0.000000e+00 : f32
      %parallel_loop3A_897 = vector.broadcast %parallel_loop3A_896 : f32 to vector<16xf32>
      %parallel_loop3A_898 = arith.cmpf oeq, %parallel_loop3A_895, %parallel_loop3A_897 : vector<16xf32>
      %parallel_loop3A_899 = arith.select %parallel_loop3A_898, %broadcast_in_dim3A_13, %parallel_loop3A_895 : vector<16xi1>, vector<16xf32>
      %parallel_loop3A_900 = arith.index_cast %parallel_loop3A_16 : i32 to index
      %parallel_loop3A_901 = arith.constant 688 : index
      %parallel_loop3A_902 = tpu.vector_load %arg8[%parallel_loop3A_900, %parallel_loop3A_901] {strides = array<i32>} : memref<64x768xf32, #tpu.memory_space<vmem>>, vector<1x16xf32>,
      %parallel_loop3A_903 = vector.shape_cast %parallel_loop3A_902 : vector<1x16xf32> to vector<16xf32>
      %parallel_loop3A_904 = vector.shape_cast %parallel_loop3A_899 : vector<16xf32> to vector<1x16xf32>
      tpu.vector_store %arg8[%parallel_loop3A_900, %parallel_loop3A_901], %parallel_loop3A_904 {strides = array<i32>} : memref<64x768xf32, #tpu.memory_space<vmem>>, vector<1x16xf32>,
      %parallel_loop3A_905 = arith.index_cast %parallel_loop3A_16 : i32 to index
      %parallel_loop3A_906 = arith.constant 704 : index
      %parallel_loop3A_907 = tpu.vector_load %arg8[%parallel_loop3A_905, %parallel_loop3A_906] {strides = array<i32>} : memref<64x768xf32, #tpu.memory_space<vmem>>, vector<1x16xf32>,
      %parallel_loop3A_908 = vector.shape_cast %parallel_loop3A_907 : vector<1x16xf32> to vector<16xf32>
      %parallel_loop3A_909 = arith.mulf %parallel_loop3A_20, %parallel_loop3A_908 : vector<16xf32>
      %parallel_loop3A_910 = arith.index_cast %parallel_loop3A_16 : i32 to index
      %parallel_loop3A_911 = arith.constant 704 : index
      %parallel_loop3A_912 = tpu.vector_load %arg9[%parallel_loop3A_910, %parallel_loop3A_911] {strides = array<i32>} : memref<64x768xf32, #tpu.memory_space<vmem>>, vector<1x16xf32>,
      %parallel_loop3A_913 = vector.shape_cast %parallel_loop3A_912 : vector<1x16xf32> to vector<16xf32>
      %parallel_loop3A_914 = arith.mulf %parallel_loop3A_24, %parallel_loop3A_913 : vector<16xf32>
      %parallel_loop3A_915 = arith.addf %parallel_loop3A_909, %parallel_loop3A_914 : vector<16xf32>
      %parallel_loop3A_916 = arith.constant 0.000000e+00 : f32
      %parallel_loop3A_917 = vector.broadcast %parallel_loop3A_916 : f32 to vector<16xf32>
      %parallel_loop3A_918 = arith.cmpf oeq, %parallel_loop3A_915, %parallel_loop3A_917 : vector<16xf32>
      %parallel_loop3A_919 = arith.select %parallel_loop3A_918, %broadcast_in_dim3A_13, %parallel_loop3A_915 : vector<16xi1>, vector<16xf32>
      %parallel_loop3A_920 = arith.index_cast %parallel_loop3A_16 : i32 to index
      %parallel_loop3A_921 = arith.constant 704 : index
      %parallel_loop3A_922 = tpu.vector_load %arg8[%parallel_loop3A_920, %parallel_loop3A_921] {strides = array<i32>} : memref<64x768xf32, #tpu.memory_space<vmem>>, vector<1x16xf32>,
      %parallel_loop3A_923 = vector.shape_cast %parallel_loop3A_922 : vector<1x16xf32> to vector<16xf32>
      %parallel_loop3A_924 = vector.shape_cast %parallel_loop3A_919 : vector<16xf32> to vector<1x16xf32>
      tpu.vector_store %arg8[%parallel_loop3A_920, %parallel_loop3A_921], %parallel_loop3A_924 {strides = array<i32>} : memref<64x768xf32, #tpu.memory_space<vmem>>, vector<1x16xf32>,
      %parallel_loop3A_925 = arith.index_cast %parallel_loop3A_16 : i32 to index
      %parallel_loop3A_926 = arith.constant 720 : index
      %parallel_loop3A_927 = tpu.vector_load %arg8[%parallel_loop3A_925, %parallel_loop3A_926] {strides = array<i32>} : memref<64x768xf32, #tpu.memory_space<vmem>>, vector<1x16xf32>,
      %parallel_loop3A_928 = vector.shape_cast %parallel_loop3A_927 : vector<1x16xf32> to vector<16xf32>
      %parallel_loop3A_929 = arith.mulf %parallel_loop3A_20, %parallel_loop3A_928 : vector<16xf32>
      %parallel_loop3A_930 = arith.index_cast %parallel_loop3A_16 : i32 to index
      %parallel_loop3A_931 = arith.constant 720 : index
      %parallel_loop3A_932 = tpu.vector_load %arg9[%parallel_loop3A_930, %parallel_loop3A_931] {strides = array<i32>} : memref<64x768xf32, #tpu.memory_space<vmem>>, vector<1x16xf32>,
      %parallel_loop3A_933 = vector.shape_cast %parallel_loop3A_932 : vector<1x16xf32> to vector<16xf32>
      %parallel_loop3A_934 = arith.mulf %parallel_loop3A_24, %parallel_loop3A_933 : vector<16xf32>
      %parallel_loop3A_935 = arith.addf %parallel_loop3A_929, %parallel_loop3A_934 : vector<16xf32>
      %parallel_loop3A_936 = arith.constant 0.000000e+00 : f32
      %parallel_loop3A_937 = vector.broadcast %parallel_loop3A_936 : f32 to vector<16xf32>
      %parallel_loop3A_938 = arith.cmpf oeq, %parallel_loop3A_935, %parallel_loop3A_937 : vector<16xf32>
      %parallel_loop3A_939 = arith.select %parallel_loop3A_938, %broadcast_in_dim3A_13, %parallel_loop3A_935 : vector<16xi1>, vector<16xf32>
      %parallel_loop3A_940 = arith.index_cast %parallel_loop3A_16 : i32 to index
      %parallel_loop3A_941 = arith.constant 720 : index
      %parallel_loop3A_942 = tpu.vector_load %arg8[%parallel_loop3A_940, %parallel_loop3A_941] {strides = array<i32>} : memref<64x768xf32, #tpu.memory_space<vmem>>, vector<1x16xf32>,
      %parallel_loop3A_943 = vector.shape_cast %parallel_loop3A_942 : vector<1x16xf32> to vector<16xf32>
      %parallel_loop3A_944 = vector.shape_cast %parallel_loop3A_939 : vector<16xf32> to vector<1x16xf32>
      tpu.vector_store %arg8[%parallel_loop3A_940, %parallel_loop3A_941], %parallel_loop3A_944 {strides = array<i32>} : memref<64x768xf32, #tpu.memory_space<vmem>>, vector<1x16xf32>,
      %parallel_loop3A_945 = arith.index_cast %parallel_loop3A_16 : i32 to index
      %parallel_loop3A_946 = arith.constant 736 : index
      %parallel_loop3A_947 = tpu.vector_load %arg8[%parallel_loop3A_945, %parallel_loop3A_946] {strides = array<i32>} : memref<64x768xf32, #tpu.memory_space<vmem>>, vector<1x16xf32>,
      %parallel_loop3A_948 = vector.shape_cast %parallel_loop3A_947 : vector<1x16xf32> to vector<16xf32>
      %parallel_loop3A_949 = arith.mulf %parallel_loop3A_20, %parallel_loop3A_948 : vector<16xf32>
      %parallel_loop3A_950 = arith.index_cast %parallel_loop3A_16 : i32 to index
      %parallel_loop3A_951 = arith.constant 736 : index
      %parallel_loop3A_952 = tpu.vector_load %arg9[%parallel_loop3A_950, %parallel_loop3A_951] {strides = array<i32>} : memref<64x768xf32, #tpu.memory_space<vmem>>, vector<1x16xf32>,
      %parallel_loop3A_953 = vector.shape_cast %parallel_loop3A_952 : vector<1x16xf32> to vector<16xf32>
      %parallel_loop3A_954 = arith.mulf %parallel_loop3A_24, %parallel_loop3A_953 : vector<16xf32>
      %parallel_loop3A_955 = arith.addf %parallel_loop3A_949, %parallel_loop3A_954 : vector<16xf32>
      %parallel_loop3A_956 = arith.constant 0.000000e+00 : f32
      %parallel_loop3A_957 = vector.broadcast %parallel_loop3A_956 : f32 to vector<16xf32>
      %parallel_loop3A_958 = arith.cmpf oeq, %parallel_loop3A_955, %parallel_loop3A_957 : vector<16xf32>
      %parallel_loop3A_959 = arith.select %parallel_loop3A_958, %broadcast_in_dim3A_13, %parallel_loop3A_955 : vector<16xi1>, vector<16xf32>
      %parallel_loop3A_960 = arith.index_cast %parallel_loop3A_16 : i32 to index
      %parallel_loop3A_961 = arith.constant 736 : index
      %parallel_loop3A_962 = tpu.vector_load %arg8[%parallel_loop3A_960, %parallel_loop3A_961] {strides = array<i32>} : memref<64x768xf32, #tpu.memory_space<vmem>>, vector<1x16xf32>,
      %parallel_loop3A_963 = vector.shape_cast %parallel_loop3A_962 : vector<1x16xf32> to vector<16xf32>
      %parallel_loop3A_964 = vector.shape_cast %parallel_loop3A_959 : vector<16xf32> to vector<1x16xf32>
      tpu.vector_store %arg8[%parallel_loop3A_960, %parallel_loop3A_961], %parallel_loop3A_964 {strides = array<i32>} : memref<64x768xf32, #tpu.memory_space<vmem>>, vector<1x16xf32>,
      %parallel_loop3A_965 = arith.index_cast %parallel_loop3A_16 : i32 to index
      %parallel_loop3A_966 = arith.constant 752 : index
      %parallel_loop3A_967 = tpu.vector_load %arg8[%parallel_loop3A_965, %parallel_loop3A_966] {strides = array<i32>} : memref<64x768xf32, #tpu.memory_space<vmem>>, vector<1x16xf32>,
      %parallel_loop3A_968 = vector.shape_cast %parallel_loop3A_967 : vector<1x16xf32> to vector<16xf32>
      %parallel_loop3A_969 = arith.mulf %parallel_loop3A_20, %parallel_loop3A_968 : vector<16xf32>
      %parallel_loop3A_970 = arith.index_cast %parallel_loop3A_16 : i32 to index
      %parallel_loop3A_971 = arith.constant 752 : index
      %parallel_loop3A_972 = tpu.vector_load %arg9[%parallel_loop3A_970, %parallel_loop3A_971] {strides = array<i32>} : memref<64x768xf32, #tpu.memory_space<vmem>>, vector<1x16xf32>,
      %parallel_loop3A_973 = vector.shape_cast %parallel_loop3A_972 : vector<1x16xf32> to vector<16xf32>
      %parallel_loop3A_974 = arith.mulf %parallel_loop3A_24, %parallel_loop3A_973 : vector<16xf32>
      %parallel_loop3A_975 = arith.addf %parallel_loop3A_969, %parallel_loop3A_974 : vector<16xf32>
      %parallel_loop3A_976 = arith.constant 0.000000e+00 : f32
      %parallel_loop3A_977 = vector.broadcast %parallel_loop3A_976 : f32 to vector<16xf32>
      %parallel_loop3A_978 = arith.cmpf oeq, %parallel_loop3A_975, %parallel_loop3A_977 : vector<16xf32>
      %parallel_loop3A_979 = arith.select %parallel_loop3A_978, %broadcast_in_dim3A_13, %parallel_loop3A_975 : vector<16xi1>, vector<16xf32>
      %parallel_loop3A_980 = arith.index_cast %parallel_loop3A_16 : i32 to index
      %parallel_loop3A_981 = arith.constant 752 : index
      %parallel_loop3A_982 = tpu.vector_load %arg8[%parallel_loop3A_980, %parallel_loop3A_981] {strides = array<i32>} : memref<64x768xf32, #tpu.memory_space<vmem>>, vector<1x16xf32>,
      %parallel_loop3A_983 = vector.shape_cast %parallel_loop3A_982 : vector<1x16xf32> to vector<16xf32>
      %parallel_loop3A_984 = vector.shape_cast %parallel_loop3A_979 : vector<16xf32> to vector<1x16xf32>
      tpu.vector_store %arg8[%parallel_loop3A_980, %parallel_loop3A_981], %parallel_loop3A_984 {strides = array<i32>} : memref<64x768xf32, #tpu.memory_space<vmem>>, vector<1x16xf32>,
    } {sc.loop_unroll_factor = 4 : i64, sc.parallel_access}
    "tpu.region"() ({
      %run_scoped3A = tpu.sem_alloc : memref<!tpu.dma_semaphore, #tpu.memory_space<semaphore_mem>>
      %dma_start3A_16 = arith.constant 0 : i32
      %dma_start3A_17 = tpu.memref_slice %arg7[%mul3A_2, %dma_start3A_16] : memref<2048x768xf32, #tpu.memory_space<hbm>> -> memref<64x768xf32, #tpu.memory_space<hbm>>
      %dma_start3A_18 = arith.constant 0 : i32
      %dma_start3A_19 = tpu.memref_slice %arg7[%mul3A_2, %dma_start3A_18] : memref<2048x768xf32, #tpu.memory_space<hbm>> -> memref<64x768xf32, #tpu.memory_space<hbm>>
      tpu.enqueue_dma source(%arg8 : memref<64x768xf32, #tpu.memory_space<vmem>>) target(%dma_start3A_19 : memref<64x768xf32, #tpu.memory_space<hbm>>) target_semaphore(%run_scoped3A : memref<!tpu.dma_semaphore, #tpu.memory_space<semaphore_mem>>)
      %dma_wait3A_20 = arith.constant 0 : i32
      %dma_wait3A_21 = tpu.memref_slice %arg7[%mul3A_2, %dma_wait3A_20] : memref<2048x768xf32, #tpu.memory_space<hbm>> -> memref<64x768xf32, #tpu.memory_space<hbm>>
      %dma_wait3A_22 = arith.constant 0 : i32
      %dma_wait3A_23 = tpu.memref_slice %arg7[%mul3A_2, %dma_wait3A_22] : memref<2048x768xf32, #tpu.memory_space<hbm>> -> memref<64x768xf32, #tpu.memory_space<hbm>>
      tpu.wait_dma2 semaphore(%run_scoped3A : memref<!tpu.dma_semaphore, #tpu.memory_space<semaphore_mem>>) src(%arg8 : memref<64x768xf32, #tpu.memory_space<vmem>>) dst(%dma_wait3A_23 : memref<64x768xf32, #tpu.memory_space<hbm>>)
      tpu.yield
    }) : () -> ()
    return
  }
}

#map = affine_map<(d0, d1) -> (0, 0)>
#map1 = affine_map<(d0, d1) -> (0)>
module attributes {stable_mosaic.version = 14 : i64} {
  func.func @_dispatch(%arg0: i32, %arg1: i32, %arg2: memref<2048x768xf32, #tpu.memory_space<hbm>>, %arg3: memref<2048xi32, #tpu.memory_space<hbm>>, %arg4: memref<2048xi32, #tpu.memory_space<hbm>>, %arg5: memref<8192x768xf32, #tpu.memory_space<hbm>>, %arg6: memref<64x768xf32, #tpu.memory_space<vmem>>, %arg7: memref<64xi32, #tpu.memory_space<vmem>>, %arg8: memref<64xi32, #tpu.memory_space<vmem>>, %arg9: memref<!tpu.dma_semaphore, #tpu.memory_space<semaphore_mem>>) attributes {dimension_semantics = [#tpu.dimension_semantics<core_parallel>, #tpu.dimension_semantics<subcore_parallel>], iteration_bounds = array<i64: 2, 16>, scalar_prefetch = 0 : i64, scratch_operands = 4 : i64, tpu.core_type = #tpu.core_type<sc_vector_subcore>, window_params = [{transform_indices = #map}, {transform_indices = #map1}, {transform_indices = #map1}, {transform_indices = #map}]} {
    %mul3A = arith.constant 2 : i32
    %mul3A_0 = arith.muli %arg1, %mul3A : i32
    %add3A = arith.addi %mul3A_0, %arg0 : i32
    %mul3A_1 = arith.constant 64 : i32
    %mul3A_2 = arith.muli %add3A, %mul3A_1 : i32
    "tpu.region"() ({
      %run_scoped3A = tpu.sem_alloc : memref<!tpu.dma_semaphore, #tpu.memory_space<semaphore_mem>>
      %dma_start3A_13 = arith.constant 0 : i32
      %dma_start3A_14 = tpu.memref_slice %arg2[%mul3A_2, %dma_start3A_13] : memref<2048x768xf32, #tpu.memory_space<hbm>> -> memref<64x768xf32, #tpu.memory_space<hbm>>
      %dma_start3A_15 = arith.constant 0 : i32
      %dma_start3A_16 = tpu.memref_slice %arg2[%mul3A_2, %dma_start3A_15] : memref<2048x768xf32, #tpu.memory_space<hbm>> -> memref<64x768xf32, #tpu.memory_space<hbm>>
      tpu.enqueue_dma source(%dma_start3A_16 : memref<64x768xf32, #tpu.memory_space<hbm>>) target(%arg6 : memref<64x768xf32, #tpu.memory_space<vmem>>) target_semaphore(%run_scoped3A : memref<!tpu.dma_semaphore, #tpu.memory_space<semaphore_mem>>)
      %dma_wait3A_17 = arith.constant 0 : i32
      %dma_wait3A_18 = tpu.memref_slice %arg2[%mul3A_2, %dma_wait3A_17] : memref<2048x768xf32, #tpu.memory_space<hbm>> -> memref<64x768xf32, #tpu.memory_space<hbm>>
      %dma_wait3A_19 = arith.constant 0 : i32
      %dma_wait3A_20 = tpu.memref_slice %arg2[%mul3A_2, %dma_wait3A_19] : memref<2048x768xf32, #tpu.memory_space<hbm>> -> memref<64x768xf32, #tpu.memory_space<hbm>>
      tpu.wait_dma2 semaphore(%run_scoped3A : memref<!tpu.dma_semaphore, #tpu.memory_space<semaphore_mem>>) src(%dma_wait3A_20 : memref<64x768xf32, #tpu.memory_space<hbm>>) dst(%arg6 : memref<64x768xf32, #tpu.memory_space<vmem>>)
      tpu.yield
    }) : () -> ()
    "tpu.region"() ({
      %run_scoped3A = tpu.sem_alloc : memref<!tpu.dma_semaphore, #tpu.memory_space<semaphore_mem>>
      %dma_start3A_13 = tpu.memref_slice %arg3[%mul3A_2] : memref<2048xi32, #tpu.memory_space<hbm>> -> memref<64xi32, #tpu.memory_space<hbm>>
      %dma_start3A_14 = tpu.memref_slice %arg3[%mul3A_2] : memref<2048xi32, #tpu.memory_space<hbm>> -> memref<64xi32, #tpu.memory_space<hbm>>
      tpu.enqueue_dma source(%dma_start3A_14 : memref<64xi32, #tpu.memory_space<hbm>>) target(%arg7 : memref<64xi32, #tpu.memory_space<vmem>>) target_semaphore(%run_scoped3A : memref<!tpu.dma_semaphore, #tpu.memory_space<semaphore_mem>>)
      %dma_wait3A_15 = tpu.memref_slice %arg3[%mul3A_2] : memref<2048xi32, #tpu.memory_space<hbm>> -> memref<64xi32, #tpu.memory_space<hbm>>
      %dma_wait3A_16 = tpu.memref_slice %arg3[%mul3A_2] : memref<2048xi32, #tpu.memory_space<hbm>> -> memref<64xi32, #tpu.memory_space<hbm>>
      tpu.wait_dma2 semaphore(%run_scoped3A : memref<!tpu.dma_semaphore, #tpu.memory_space<semaphore_mem>>) src(%dma_wait3A_16 : memref<64xi32, #tpu.memory_space<hbm>>) dst(%arg7 : memref<64xi32, #tpu.memory_space<vmem>>)
      tpu.yield
    }) : () -> ()
    "tpu.region"() ({
      %run_scoped3A = tpu.sem_alloc : memref<!tpu.dma_semaphore, #tpu.memory_space<semaphore_mem>>
      %dma_start3A_13 = tpu.memref_slice %arg4[%mul3A_2] : memref<2048xi32, #tpu.memory_space<hbm>> -> memref<64xi32, #tpu.memory_space<hbm>>
      %dma_start3A_14 = tpu.memref_slice %arg4[%mul3A_2] : memref<2048xi32, #tpu.memory_space<hbm>> -> memref<64xi32, #tpu.memory_space<hbm>>
      tpu.enqueue_dma source(%dma_start3A_14 : memref<64xi32, #tpu.memory_space<hbm>>) target(%arg8 : memref<64xi32, #tpu.memory_space<vmem>>) target_semaphore(%run_scoped3A : memref<!tpu.dma_semaphore, #tpu.memory_space<semaphore_mem>>)
      %dma_wait3A_15 = tpu.memref_slice %arg4[%mul3A_2] : memref<2048xi32, #tpu.memory_space<hbm>> -> memref<64xi32, #tpu.memory_space<hbm>>
      %dma_wait3A_16 = tpu.memref_slice %arg4[%mul3A_2] : memref<2048xi32, #tpu.memory_space<hbm>> -> memref<64xi32, #tpu.memory_space<hbm>>
      tpu.wait_dma2 semaphore(%run_scoped3A : memref<!tpu.dma_semaphore, #tpu.memory_space<semaphore_mem>>) src(%dma_wait3A_16 : memref<64xi32, #tpu.memory_space<hbm>>) dst(%arg8 : memref<64xi32, #tpu.memory_space<vmem>>)
      tpu.yield
    }) : () -> ()
    %dma_start3A = arith.constant 0 : i32
    %dma_start3A_3 = arith.constant 0 : i32
    %dma_start3A_4 = tpu.memref_slice %arg5[%dma_start3A, %dma_start3A_3] : memref<8192x768xf32, #tpu.memory_space<hbm>> -> memref<8192x768xf32, #tpu.memory_space<hbm>>
    tpu.enqueue_indirect_dma source(%arg6 : memref<64x768xf32, #tpu.memory_space<vmem>>) target(%dma_start3A_4 : memref<8192x768xf32, #tpu.memory_space<hbm>>) offsets(%arg7 : memref<64xi32, #tpu.memory_space<vmem>>) semaphore(%arg9 : memref<!tpu.dma_semaphore, #tpu.memory_space<semaphore_mem>>)
    %dma_start3A_5 = arith.constant 0 : i32
    %dma_start3A_6 = arith.constant 0 : i32
    %dma_start3A_7 = tpu.memref_slice %arg5[%dma_start3A_5, %dma_start3A_6] : memref<8192x768xf32, #tpu.memory_space<hbm>> -> memref<8192x768xf32, #tpu.memory_space<hbm>>
    tpu.enqueue_indirect_dma source(%arg6 : memref<64x768xf32, #tpu.memory_space<vmem>>) target(%dma_start3A_7 : memref<8192x768xf32, #tpu.memory_space<hbm>>) offsets(%arg8 : memref<64xi32, #tpu.memory_space<vmem>>) semaphore(%arg9 : memref<!tpu.dma_semaphore, #tpu.memory_space<semaphore_mem>>)
    %dma_wait3A = arith.constant 0 : i32
    %dma_wait3A_8 = arith.constant 0 : i32
    %dma_wait3A_9 = tpu.memref_slice %arg5[%dma_wait3A, %dma_wait3A_8] : memref<8192x768xf32, #tpu.memory_space<hbm>> -> memref<8192x768xf32, #tpu.memory_space<hbm>>
    tpu.wait_indirect_dma semaphore(%arg9 : memref<!tpu.dma_semaphore, #tpu.memory_space<semaphore_mem>>) src(%arg6 : memref<64x768xf32, #tpu.memory_space<vmem>>) dst(%dma_wait3A_9 : memref<8192x768xf32, #tpu.memory_space<hbm>>)
    %dma_wait3A_10 = arith.constant 0 : i32
    %dma_wait3A_11 = arith.constant 0 : i32
    %dma_wait3A_12 = tpu.memref_slice %arg5[%dma_wait3A_10, %dma_wait3A_11] : memref<8192x768xf32, #tpu.memory_space<hbm>> -> memref<8192x768xf32, #tpu.memory_space<hbm>>
    tpu.wait_indirect_dma semaphore(%arg9 : memref<!tpu.dma_semaphore, #tpu.memory_space<semaphore_mem>>) src(%arg6 : memref<64x768xf32, #tpu.memory_space<vmem>>) dst(%dma_wait3A_12 : memref<8192x768xf32, #tpu.memory_space<hbm>>)
    return
  }
}

module attributes {stable_mosaic.version = 14 : i64} {
  func.func @_gating_body(%arg0: memref<2048x768xf32, #tpu.memory_space<vmem>>, %arg1: memref<768x8xf32, #tpu.memory_space<vmem>>, %arg2: memref<2048x2xi32, #tpu.memory_space<vmem>>, %arg3: memref<2048x16xf32, #tpu.memory_space<vmem>>, %arg4: memref<2048x16xf32, #tpu.memory_space<vmem>>, %arg5: memref<17x1xi32, #tpu.memory_space<vmem>>, %arg6: memref<1x1xf32, #tpu.memory_space<vmem>>) attributes {dimension_semantics = [], scalar_prefetch = 0 : i64, scratch_operands = 0 : i64, tpu.core_type = #tpu.core_type<tc>} {
    %get3A = arith.constant 0 : index
    %get3A_0 = arith.constant 0 : index
    %get3A_1 = vector.load %arg0[%get3A, %get3A_0] : memref<2048x768xf32, #tpu.memory_space<vmem>>, vector<2048x768xf32>
    %get3A_2 = arith.constant 0 : index
    %get3A_3 = arith.constant 0 : index
    %get3A_4 = vector.load %arg1[%get3A_2, %get3A_3] : memref<768x8xf32, #tpu.memory_space<vmem>>, vector<768x8xf32>
    %dot_general3A = arith.constant dense<0.000000e+00> : vector<2048x8xf32>
    %dot_general3A_5 = tpu.matmul %get3A_1, %get3A_4, %dot_general3A {dimension_numbers = #tpu.dot_dimension_numbers<[1], [0], [0], [1], [0, 0, 1, 1], [], []>, transpose_lhs_hint = false} : vector<2048x768xf32>, vector<768x8xf32>, vector<2048x8xf32> -> vector<2048x8xf32>
    %iota3A = tpu.iota {dimensions = array<i32: 1>} : vector<2048x8xi32>
    %reduce_max3A = arith.constant dense<0xFF800000> : vector<2048xf32>
    %reduce_max3A_6 = vector.multi_reduction <maximumf>, %dot_general3A_5, %reduce_max3A [1] : vector<2048x8xf32> to vector<2048xf32>
    %broadcast_in_dim3A = vector.shape_cast %reduce_max3A_6 : vector<2048xf32> to vector<2048x1xf32>
    %eq3A = vector.broadcast %broadcast_in_dim3A : vector<2048x1xf32> to vector<2048x8xf32>
    %eq3A_7 = arith.cmpf oeq, %dot_general3A_5, %eq3A : vector<2048x8xf32>
    %jit3A = arith.constant 8 : i32
    %broadcast_in_dim3A_8 = vector.broadcast %jit3A : i32 to vector<2048x8xi32>
    %select_n3A = arith.select %eq3A_7, %iota3A, %broadcast_in_dim3A_8 : vector<2048x8xi1>, vector<2048x8xi32>
    %reduce_min3A = arith.constant dense<2147483647> : vector<2048xi32>
    %reduce_min3A_9 = vector.multi_reduction <minsi>, %select_n3A, %reduce_min3A [1] : vector<2048x8xi32> to vector<2048xi32>
    %broadcast_in_dim3A_10 = vector.shape_cast %reduce_min3A_9 : vector<2048xi32> to vector<2048x1xi32>
    %eq3A_11 = vector.broadcast %broadcast_in_dim3A_10 : vector<2048x1xi32> to vector<2048x8xi32>
    %eq3A_12 = arith.cmpi eq, %iota3A, %eq3A_11 : vector<2048x8xi32>
    %jit3A_13 = arith.constant 0xFF800000 : f32
    %broadcast_in_dim3A_14 = vector.broadcast %jit3A_13 : f32 to vector<2048x8xf32>
    %select_n3A_15 = arith.select %eq3A_12, %broadcast_in_dim3A_14, %dot_general3A_5 : vector<2048x8xi1>, vector<2048x8xf32>
    %reduce_max3A_16 = arith.constant dense<0xFF800000> : vector<2048xf32>
    %reduce_max3A_17 = vector.multi_reduction <maximumf>, %select_n3A_15, %reduce_max3A_16 [1] : vector<2048x8xf32> to vector<2048xf32>
    %broadcast_in_dim3A_18 = vector.shape_cast %reduce_max3A_17 : vector<2048xf32> to vector<2048x1xf32>
    %eq3A_19 = vector.broadcast %broadcast_in_dim3A_18 : vector<2048x1xf32> to vector<2048x8xf32>
    %eq3A_20 = arith.cmpf oeq, %select_n3A_15, %eq3A_19 : vector<2048x8xf32>
    %jit3A_21 = arith.constant 8 : i32
    %broadcast_in_dim3A_22 = vector.broadcast %jit3A_21 : i32 to vector<2048x8xi32>
    %select_n3A_23 = arith.select %eq3A_20, %iota3A, %broadcast_in_dim3A_22 : vector<2048x8xi1>, vector<2048x8xi32>
    %reduce_min3A_24 = arith.constant dense<2147483647> : vector<2048xi32>
    %reduce_min3A_25 = vector.multi_reduction <minsi>, %select_n3A_23, %reduce_min3A_24 [1] : vector<2048x8xi32> to vector<2048xi32>
    %broadcast_in_dim3A_26 = vector.shape_cast %reduce_min3A_25 : vector<2048xi32> to vector<2048x1xi32>
    %sub3A = arith.subf %broadcast_in_dim3A_18, %broadcast_in_dim3A : vector<2048x1xf32>
    %exp3A = math.exp %sub3A : vector<2048x1xf32>
    %add3A = arith.constant 1.000000e+00 : f32
    %add3A_27 = vector.broadcast %add3A : f32 to vector<2048x1xf32>
    %add3A_28 = arith.addf %add3A_27, %exp3A : vector<2048x1xf32>
    %div3A = arith.constant 1.000000e+00 : f32
    %div3A_29 = vector.broadcast %div3A : f32 to vector<2048x1xf32>
    %div3A_30 = arith.divf %div3A_29, %add3A_28 : vector<2048x1xf32>
    %add3A_31 = arith.constant 1.000000e+00 : f32
    %add3A_32 = vector.broadcast %add3A_31 : f32 to vector<2048x1xf32>
    %add3A_33 = arith.addf %add3A_32, %exp3A : vector<2048x1xf32>
    %div3A_34 = arith.divf %exp3A, %add3A_33 : vector<2048x1xf32>
    %broadcast_in_dim3A_35 = vector.shape_cast %div3A_30 : vector<2048x1xf32> to vector<2048x1xf32>
    %broadcast_in_dim3A_36 = vector.broadcast %broadcast_in_dim3A_35 : vector<2048x1xf32> to vector<2048x16xf32>
    %swap3A = arith.constant 0 : index
    %swap3A_37 = arith.constant 0 : index
    %swap3A_38 = vector.load %arg3[%swap3A, %swap3A_37] : memref<2048x16xf32, #tpu.memory_space<vmem>>, vector<2048x16xf32>
    tpu.vector_store %arg3[%swap3A, %swap3A_37], %broadcast_in_dim3A_36 {strides = array<i32>} : memref<2048x16xf32, #tpu.memory_space<vmem>>, vector<2048x16xf32>,
    %broadcast_in_dim3A_39 = vector.shape_cast %div3A_34 : vector<2048x1xf32> to vector<2048x1xf32>
    %broadcast_in_dim3A_40 = vector.broadcast %broadcast_in_dim3A_39 : vector<2048x1xf32> to vector<2048x16xf32>
    %swap3A_41 = arith.constant 0 : index
    %swap3A_42 = arith.constant 0 : index
    %swap3A_43 = vector.load %arg4[%swap3A_41, %swap3A_42] : memref<2048x16xf32, #tpu.memory_space<vmem>>, vector<2048x16xf32>
    tpu.vector_store %arg4[%swap3A_41, %swap3A_42], %broadcast_in_dim3A_40 {strides = array<i32>} : memref<2048x16xf32, #tpu.memory_space<vmem>>, vector<2048x16xf32>,
    %eq3A_44 = vector.broadcast %broadcast_in_dim3A_10 : vector<2048x1xi32> to vector<2048x8xi32>
    %eq3A_45 = arith.cmpi eq, %iota3A, %eq3A_44 : vector<2048x8xi32>
    %eq3A_46 = vector.broadcast %broadcast_in_dim3A_26 : vector<2048x1xi32> to vector<2048x8xi32>
    %eq3A_47 = arith.cmpi eq, %iota3A, %eq3A_46 : vector<2048x8xi32>
    %or3A = arith.ori %eq3A_45, %eq3A_47 : vector<2048x8xi1>
    %jit3A_48 = arith.constant 1.000000e+00 : f32
    %jit3A_49 = arith.constant 0.000000e+00 : f32
    %broadcast_in_dim3A_50 = vector.broadcast %jit3A_48 : f32 to vector<2048x8xf32>
    %broadcast_in_dim3A_51 = vector.broadcast %jit3A_49 : f32 to vector<2048x8xf32>
    %select_n3A_52 = arith.select %or3A, %broadcast_in_dim3A_50, %broadcast_in_dim3A_51 : vector<2048x8xi1>, vector<2048x8xf32>
    %iota3A_53 = tpu.iota {dimensions = array<i32: 0>} : vector<128x128xi32>
    %iota3A_54 = tpu.iota {dimensions = array<i32: 1>} : vector<128x128xi32>
    %gt3A = arith.cmpi sgt, %iota3A_53, %iota3A_54 : vector<128x128xi32>
    %jit3A_55 = arith.constant 1.000000e+00 : f32
    %jit3A_56 = arith.constant 0.000000e+00 : f32
    %broadcast_in_dim3A_57 = vector.broadcast %jit3A_55 : f32 to vector<128x128xf32>
    %broadcast_in_dim3A_58 = vector.broadcast %jit3A_56 : f32 to vector<128x128xf32>
    %select_n3A_59 = arith.select %gt3A, %broadcast_in_dim3A_57, %broadcast_in_dim3A_58 : vector<128x128xi1>, vector<128x128xf32>
    %broadcast_in_dim3A_60 = arith.constant 0.000000e+00 : f32
    %broadcast_in_dim3A_61 = vector.broadcast %broadcast_in_dim3A_60 : f32 to vector<1x8xf32>
    %slice3A = vector.extract_strided_slice %select_n3A_52 {offsets = [0, 0], sizes = [128, 8], strides = [1, 1]} : vector<2048x8xf32> to vector<128x8xf32>
    %dot_general3A_62 = arith.constant dense<0.000000e+00> : vector<128x8xf32>
    %dot_general3A_63 = tpu.matmul %select_n3A_59, %slice3A, %dot_general3A_62 {dimension_numbers = #tpu.dot_dimension_numbers<[1], [0], [0], [1], [0, 0, 1, 1], [], []>, transpose_lhs_hint = false} : vector<128x128xf32>, vector<128x8xf32>, vector<128x8xf32> -> vector<128x8xf32>
    %add3A_64 = vector.broadcast %broadcast_in_dim3A_61 : vector<1x8xf32> to vector<128x8xf32>
    %add3A_65 = arith.addf %dot_general3A_63, %add3A_64 : vector<128x8xf32>
    %reduce_sum3A = arith.constant dense<0.000000e+00> : vector<8xf32>
    %reduce_sum3A_66 = vector.multi_reduction <add>, %slice3A, %reduce_sum3A [0] : vector<128x8xf32> to vector<8xf32>
    %broadcast_in_dim3A_67 = vector.shape_cast %reduce_sum3A_66 : vector<8xf32> to vector<1x8xf32>
    %add3A_68 = arith.addf %broadcast_in_dim3A_61, %broadcast_in_dim3A_67 : vector<1x8xf32>
    %slice3A_69 = vector.extract_strided_slice %select_n3A_52 {offsets = [128, 0], sizes = [128, 8], strides = [1, 1]} : vector<2048x8xf32> to vector<128x8xf32>
    %dot_general3A_70 = arith.constant dense<0.000000e+00> : vector<128x8xf32>
    %dot_general3A_71 = tpu.matmul %select_n3A_59, %slice3A_69, %dot_general3A_70 {dimension_numbers = #tpu.dot_dimension_numbers<[1], [0], [0], [1], [0, 0, 1, 1], [], []>, transpose_lhs_hint = false} : vector<128x128xf32>, vector<128x8xf32>, vector<128x8xf32> -> vector<128x8xf32>
    %add3A_72 = vector.broadcast %add3A_68 : vector<1x8xf32> to vector<128x8xf32>
    %add3A_73 = arith.addf %dot_general3A_71, %add3A_72 : vector<128x8xf32>
    %reduce_sum3A_74 = arith.constant dense<0.000000e+00> : vector<8xf32>
    %reduce_sum3A_75 = vector.multi_reduction <add>, %slice3A_69, %reduce_sum3A_74 [0] : vector<128x8xf32> to vector<8xf32>
    %broadcast_in_dim3A_76 = vector.shape_cast %reduce_sum3A_75 : vector<8xf32> to vector<1x8xf32>
    %add3A_77 = arith.addf %add3A_68, %broadcast_in_dim3A_76 : vector<1x8xf32>
    %slice3A_78 = vector.extract_strided_slice %select_n3A_52 {offsets = [256, 0], sizes = [128, 8], strides = [1, 1]} : vector<2048x8xf32> to vector<128x8xf32>
    %dot_general3A_79 = arith.constant dense<0.000000e+00> : vector<128x8xf32>
    %dot_general3A_80 = tpu.matmul %select_n3A_59, %slice3A_78, %dot_general3A_79 {dimension_numbers = #tpu.dot_dimension_numbers<[1], [0], [0], [1], [0, 0, 1, 1], [], []>, transpose_lhs_hint = false} : vector<128x128xf32>, vector<128x8xf32>, vector<128x8xf32> -> vector<128x8xf32>
    %add3A_81 = vector.broadcast %add3A_77 : vector<1x8xf32> to vector<128x8xf32>
    %add3A_82 = arith.addf %dot_general3A_80, %add3A_81 : vector<128x8xf32>
    %reduce_sum3A_83 = arith.constant dense<0.000000e+00> : vector<8xf32>
    %reduce_sum3A_84 = vector.multi_reduction <add>, %slice3A_78, %reduce_sum3A_83 [0] : vector<128x8xf32> to vector<8xf32>
    %broadcast_in_dim3A_85 = vector.shape_cast %reduce_sum3A_84 : vector<8xf32> to vector<1x8xf32>
    %add3A_86 = arith.addf %add3A_77, %broadcast_in_dim3A_85 : vector<1x8xf32>
    %slice3A_87 = vector.extract_strided_slice %select_n3A_52 {offsets = [384, 0], sizes = [128, 8], strides = [1, 1]} : vector<2048x8xf32> to vector<128x8xf32>
    %dot_general3A_88 = arith.constant dense<0.000000e+00> : vector<128x8xf32>
    %dot_general3A_89 = tpu.matmul %select_n3A_59, %slice3A_87, %dot_general3A_88 {dimension_numbers = #tpu.dot_dimension_numbers<[1], [0], [0], [1], [0, 0, 1, 1], [], []>, transpose_lhs_hint = false} : vector<128x128xf32>, vector<128x8xf32>, vector<128x8xf32> -> vector<128x8xf32>
    %add3A_90 = vector.broadcast %add3A_86 : vector<1x8xf32> to vector<128x8xf32>
    %add3A_91 = arith.addf %dot_general3A_89, %add3A_90 : vector<128x8xf32>
    %reduce_sum3A_92 = arith.constant dense<0.000000e+00> : vector<8xf32>
    %reduce_sum3A_93 = vector.multi_reduction <add>, %slice3A_87, %reduce_sum3A_92 [0] : vector<128x8xf32> to vector<8xf32>
    %broadcast_in_dim3A_94 = vector.shape_cast %reduce_sum3A_93 : vector<8xf32> to vector<1x8xf32>
    %add3A_95 = arith.addf %add3A_86, %broadcast_in_dim3A_94 : vector<1x8xf32>
    %slice3A_96 = vector.extract_strided_slice %select_n3A_52 {offsets = [512, 0], sizes = [128, 8], strides = [1, 1]} : vector<2048x8xf32> to vector<128x8xf32>
    %dot_general3A_97 = arith.constant dense<0.000000e+00> : vector<128x8xf32>
    %dot_general3A_98 = tpu.matmul %select_n3A_59, %slice3A_96, %dot_general3A_97 {dimension_numbers = #tpu.dot_dimension_numbers<[1], [0], [0], [1], [0, 0, 1, 1], [], []>, transpose_lhs_hint = false} : vector<128x128xf32>, vector<128x8xf32>, vector<128x8xf32> -> vector<128x8xf32>
    %add3A_99 = vector.broadcast %add3A_95 : vector<1x8xf32> to vector<128x8xf32>
    %add3A_100 = arith.addf %dot_general3A_98, %add3A_99 : vector<128x8xf32>
    %reduce_sum3A_101 = arith.constant dense<0.000000e+00> : vector<8xf32>
    %reduce_sum3A_102 = vector.multi_reduction <add>, %slice3A_96, %reduce_sum3A_101 [0] : vector<128x8xf32> to vector<8xf32>
    %broadcast_in_dim3A_103 = vector.shape_cast %reduce_sum3A_102 : vector<8xf32> to vector<1x8xf32>
    %add3A_104 = arith.addf %add3A_95, %broadcast_in_dim3A_103 : vector<1x8xf32>
    %slice3A_105 = vector.extract_strided_slice %select_n3A_52 {offsets = [640, 0], sizes = [128, 8], strides = [1, 1]} : vector<2048x8xf32> to vector<128x8xf32>
    %dot_general3A_106 = arith.constant dense<0.000000e+00> : vector<128x8xf32>
    %dot_general3A_107 = tpu.matmul %select_n3A_59, %slice3A_105, %dot_general3A_106 {dimension_numbers = #tpu.dot_dimension_numbers<[1], [0], [0], [1], [0, 0, 1, 1], [], []>, transpose_lhs_hint = false} : vector<128x128xf32>, vector<128x8xf32>, vector<128x8xf32> -> vector<128x8xf32>
    %add3A_108 = vector.broadcast %add3A_104 : vector<1x8xf32> to vector<128x8xf32>
    %add3A_109 = arith.addf %dot_general3A_107, %add3A_108 : vector<128x8xf32>
    %reduce_sum3A_110 = arith.constant dense<0.000000e+00> : vector<8xf32>
    %reduce_sum3A_111 = vector.multi_reduction <add>, %slice3A_105, %reduce_sum3A_110 [0] : vector<128x8xf32> to vector<8xf32>
    %broadcast_in_dim3A_112 = vector.shape_cast %reduce_sum3A_111 : vector<8xf32> to vector<1x8xf32>
    %add3A_113 = arith.addf %add3A_104, %broadcast_in_dim3A_112 : vector<1x8xf32>
    %slice3A_114 = vector.extract_strided_slice %select_n3A_52 {offsets = [768, 0], sizes = [128, 8], strides = [1, 1]} : vector<2048x8xf32> to vector<128x8xf32>
    %dot_general3A_115 = arith.constant dense<0.000000e+00> : vector<128x8xf32>
    %dot_general3A_116 = tpu.matmul %select_n3A_59, %slice3A_114, %dot_general3A_115 {dimension_numbers = #tpu.dot_dimension_numbers<[1], [0], [0], [1], [0, 0, 1, 1], [], []>, transpose_lhs_hint = false} : vector<128x128xf32>, vector<128x8xf32>, vector<128x8xf32> -> vector<128x8xf32>
    %add3A_117 = vector.broadcast %add3A_113 : vector<1x8xf32> to vector<128x8xf32>
    %add3A_118 = arith.addf %dot_general3A_116, %add3A_117 : vector<128x8xf32>
    %reduce_sum3A_119 = arith.constant dense<0.000000e+00> : vector<8xf32>
    %reduce_sum3A_120 = vector.multi_reduction <add>, %slice3A_114, %reduce_sum3A_119 [0] : vector<128x8xf32> to vector<8xf32>
    %broadcast_in_dim3A_121 = vector.shape_cast %reduce_sum3A_120 : vector<8xf32> to vector<1x8xf32>
    %add3A_122 = arith.addf %add3A_113, %broadcast_in_dim3A_121 : vector<1x8xf32>
    %slice3A_123 = vector.extract_strided_slice %select_n3A_52 {offsets = [896, 0], sizes = [128, 8], strides = [1, 1]} : vector<2048x8xf32> to vector<128x8xf32>
    %dot_general3A_124 = arith.constant dense<0.000000e+00> : vector<128x8xf32>
    %dot_general3A_125 = tpu.matmul %select_n3A_59, %slice3A_123, %dot_general3A_124 {dimension_numbers = #tpu.dot_dimension_numbers<[1], [0], [0], [1], [0, 0, 1, 1], [], []>, transpose_lhs_hint = false} : vector<128x128xf32>, vector<128x8xf32>, vector<128x8xf32> -> vector<128x8xf32>
    %add3A_126 = vector.broadcast %add3A_122 : vector<1x8xf32> to vector<128x8xf32>
    %add3A_127 = arith.addf %dot_general3A_125, %add3A_126 : vector<128x8xf32>
    %reduce_sum3A_128 = arith.constant dense<0.000000e+00> : vector<8xf32>
    %reduce_sum3A_129 = vector.multi_reduction <add>, %slice3A_123, %reduce_sum3A_128 [0] : vector<128x8xf32> to vector<8xf32>
    %broadcast_in_dim3A_130 = vector.shape_cast %reduce_sum3A_129 : vector<8xf32> to vector<1x8xf32>
    %add3A_131 = arith.addf %add3A_122, %broadcast_in_dim3A_130 : vector<1x8xf32>
    %slice3A_132 = vector.extract_strided_slice %select_n3A_52 {offsets = [1024, 0], sizes = [128, 8], strides = [1, 1]} : vector<2048x8xf32> to vector<128x8xf32>
    %dot_general3A_133 = arith.constant dense<0.000000e+00> : vector<128x8xf32>
    %dot_general3A_134 = tpu.matmul %select_n3A_59, %slice3A_132, %dot_general3A_133 {dimension_numbers = #tpu.dot_dimension_numbers<[1], [0], [0], [1], [0, 0, 1, 1], [], []>, transpose_lhs_hint = false} : vector<128x128xf32>, vector<128x8xf32>, vector<128x8xf32> -> vector<128x8xf32>
    %add3A_135 = vector.broadcast %add3A_131 : vector<1x8xf32> to vector<128x8xf32>
    %add3A_136 = arith.addf %dot_general3A_134, %add3A_135 : vector<128x8xf32>
    %reduce_sum3A_137 = arith.constant dense<0.000000e+00> : vector<8xf32>
    %reduce_sum3A_138 = vector.multi_reduction <add>, %slice3A_132, %reduce_sum3A_137 [0] : vector<128x8xf32> to vector<8xf32>
    %broadcast_in_dim3A_139 = vector.shape_cast %reduce_sum3A_138 : vector<8xf32> to vector<1x8xf32>
    %add3A_140 = arith.addf %add3A_131, %broadcast_in_dim3A_139 : vector<1x8xf32>
    %slice3A_141 = vector.extract_strided_slice %select_n3A_52 {offsets = [1152, 0], sizes = [128, 8], strides = [1, 1]} : vector<2048x8xf32> to vector<128x8xf32>
    %dot_general3A_142 = arith.constant dense<0.000000e+00> : vector<128x8xf32>
    %dot_general3A_143 = tpu.matmul %select_n3A_59, %slice3A_141, %dot_general3A_142 {dimension_numbers = #tpu.dot_dimension_numbers<[1], [0], [0], [1], [0, 0, 1, 1], [], []>, transpose_lhs_hint = false} : vector<128x128xf32>, vector<128x8xf32>, vector<128x8xf32> -> vector<128x8xf32>
    %add3A_144 = vector.broadcast %add3A_140 : vector<1x8xf32> to vector<128x8xf32>
    %add3A_145 = arith.addf %dot_general3A_143, %add3A_144 : vector<128x8xf32>
    %reduce_sum3A_146 = arith.constant dense<0.000000e+00> : vector<8xf32>
    %reduce_sum3A_147 = vector.multi_reduction <add>, %slice3A_141, %reduce_sum3A_146 [0] : vector<128x8xf32> to vector<8xf32>
    %broadcast_in_dim3A_148 = vector.shape_cast %reduce_sum3A_147 : vector<8xf32> to vector<1x8xf32>
    %add3A_149 = arith.addf %add3A_140, %broadcast_in_dim3A_148 : vector<1x8xf32>
    %slice3A_150 = vector.extract_strided_slice %select_n3A_52 {offsets = [1280, 0], sizes = [128, 8], strides = [1, 1]} : vector<2048x8xf32> to vector<128x8xf32>
    %dot_general3A_151 = arith.constant dense<0.000000e+00> : vector<128x8xf32>
    %dot_general3A_152 = tpu.matmul %select_n3A_59, %slice3A_150, %dot_general3A_151 {dimension_numbers = #tpu.dot_dimension_numbers<[1], [0], [0], [1], [0, 0, 1, 1], [], []>, transpose_lhs_hint = false} : vector<128x128xf32>, vector<128x8xf32>, vector<128x8xf32> -> vector<128x8xf32>
    %add3A_153 = vector.broadcast %add3A_149 : vector<1x8xf32> to vector<128x8xf32>
    %add3A_154 = arith.addf %dot_general3A_152, %add3A_153 : vector<128x8xf32>
    %reduce_sum3A_155 = arith.constant dense<0.000000e+00> : vector<8xf32>
    %reduce_sum3A_156 = vector.multi_reduction <add>, %slice3A_150, %reduce_sum3A_155 [0] : vector<128x8xf32> to vector<8xf32>
    %broadcast_in_dim3A_157 = vector.shape_cast %reduce_sum3A_156 : vector<8xf32> to vector<1x8xf32>
    %add3A_158 = arith.addf %add3A_149, %broadcast_in_dim3A_157 : vector<1x8xf32>
    %slice3A_159 = vector.extract_strided_slice %select_n3A_52 {offsets = [1408, 0], sizes = [128, 8], strides = [1, 1]} : vector<2048x8xf32> to vector<128x8xf32>
    %dot_general3A_160 = arith.constant dense<0.000000e+00> : vector<128x8xf32>
    %dot_general3A_161 = tpu.matmul %select_n3A_59, %slice3A_159, %dot_general3A_160 {dimension_numbers = #tpu.dot_dimension_numbers<[1], [0], [0], [1], [0, 0, 1, 1], [], []>, transpose_lhs_hint = false} : vector<128x128xf32>, vector<128x8xf32>, vector<128x8xf32> -> vector<128x8xf32>
    %add3A_162 = vector.broadcast %add3A_158 : vector<1x8xf32> to vector<128x8xf32>
    %add3A_163 = arith.addf %dot_general3A_161, %add3A_162 : vector<128x8xf32>
    %reduce_sum3A_164 = arith.constant dense<0.000000e+00> : vector<8xf32>
    %reduce_sum3A_165 = vector.multi_reduction <add>, %slice3A_159, %reduce_sum3A_164 [0] : vector<128x8xf32> to vector<8xf32>
    %broadcast_in_dim3A_166 = vector.shape_cast %reduce_sum3A_165 : vector<8xf32> to vector<1x8xf32>
    %add3A_167 = arith.addf %add3A_158, %broadcast_in_dim3A_166 : vector<1x8xf32>
    %slice3A_168 = vector.extract_strided_slice %select_n3A_52 {offsets = [1536, 0], sizes = [128, 8], strides = [1, 1]} : vector<2048x8xf32> to vector<128x8xf32>
    %dot_general3A_169 = arith.constant dense<0.000000e+00> : vector<128x8xf32>
    %dot_general3A_170 = tpu.matmul %select_n3A_59, %slice3A_168, %dot_general3A_169 {dimension_numbers = #tpu.dot_dimension_numbers<[1], [0], [0], [1], [0, 0, 1, 1], [], []>, transpose_lhs_hint = false} : vector<128x128xf32>, vector<128x8xf32>, vector<128x8xf32> -> vector<128x8xf32>
    %add3A_171 = vector.broadcast %add3A_167 : vector<1x8xf32> to vector<128x8xf32>
    %add3A_172 = arith.addf %dot_general3A_170, %add3A_171 : vector<128x8xf32>
    %reduce_sum3A_173 = arith.constant dense<0.000000e+00> : vector<8xf32>
    %reduce_sum3A_174 = vector.multi_reduction <add>, %slice3A_168, %reduce_sum3A_173 [0] : vector<128x8xf32> to vector<8xf32>
    %broadcast_in_dim3A_175 = vector.shape_cast %reduce_sum3A_174 : vector<8xf32> to vector<1x8xf32>
    %add3A_176 = arith.addf %add3A_167, %broadcast_in_dim3A_175 : vector<1x8xf32>
    %slice3A_177 = vector.extract_strided_slice %select_n3A_52 {offsets = [1664, 0], sizes = [128, 8], strides = [1, 1]} : vector<2048x8xf32> to vector<128x8xf32>
    %dot_general3A_178 = arith.constant dense<0.000000e+00> : vector<128x8xf32>
    %dot_general3A_179 = tpu.matmul %select_n3A_59, %slice3A_177, %dot_general3A_178 {dimension_numbers = #tpu.dot_dimension_numbers<[1], [0], [0], [1], [0, 0, 1, 1], [], []>, transpose_lhs_hint = false} : vector<128x128xf32>, vector<128x8xf32>, vector<128x8xf32> -> vector<128x8xf32>
    %add3A_180 = vector.broadcast %add3A_176 : vector<1x8xf32> to vector<128x8xf32>
    %add3A_181 = arith.addf %dot_general3A_179, %add3A_180 : vector<128x8xf32>
    %reduce_sum3A_182 = arith.constant dense<0.000000e+00> : vector<8xf32>
    %reduce_sum3A_183 = vector.multi_reduction <add>, %slice3A_177, %reduce_sum3A_182 [0] : vector<128x8xf32> to vector<8xf32>
    %broadcast_in_dim3A_184 = vector.shape_cast %reduce_sum3A_183 : vector<8xf32> to vector<1x8xf32>
    %add3A_185 = arith.addf %add3A_176, %broadcast_in_dim3A_184 : vector<1x8xf32>
    %slice3A_186 = vector.extract_strided_slice %select_n3A_52 {offsets = [1792, 0], sizes = [128, 8], strides = [1, 1]} : vector<2048x8xf32> to vector<128x8xf32>
    %dot_general3A_187 = arith.constant dense<0.000000e+00> : vector<128x8xf32>
    %dot_general3A_188 = tpu.matmul %select_n3A_59, %slice3A_186, %dot_general3A_187 {dimension_numbers = #tpu.dot_dimension_numbers<[1], [0], [0], [1], [0, 0, 1, 1], [], []>, transpose_lhs_hint = false} : vector<128x128xf32>, vector<128x8xf32>, vector<128x8xf32> -> vector<128x8xf32>
    %add3A_189 = vector.broadcast %add3A_185 : vector<1x8xf32> to vector<128x8xf32>
    %add3A_190 = arith.addf %dot_general3A_188, %add3A_189 : vector<128x8xf32>
    %reduce_sum3A_191 = arith.constant dense<0.000000e+00> : vector<8xf32>
    %reduce_sum3A_192 = vector.multi_reduction <add>, %slice3A_186, %reduce_sum3A_191 [0] : vector<128x8xf32> to vector<8xf32>
    %broadcast_in_dim3A_193 = vector.shape_cast %reduce_sum3A_192 : vector<8xf32> to vector<1x8xf32>
    %add3A_194 = arith.addf %add3A_185, %broadcast_in_dim3A_193 : vector<1x8xf32>
    %slice3A_195 = vector.extract_strided_slice %select_n3A_52 {offsets = [1920, 0], sizes = [128, 8], strides = [1, 1]} : vector<2048x8xf32> to vector<128x8xf32>
    %dot_general3A_196 = arith.constant dense<0.000000e+00> : vector<128x8xf32>
    %dot_general3A_197 = tpu.matmul %select_n3A_59, %slice3A_195, %dot_general3A_196 {dimension_numbers = #tpu.dot_dimension_numbers<[1], [0], [0], [1], [0, 0, 1, 1], [], []>, transpose_lhs_hint = false} : vector<128x128xf32>, vector<128x8xf32>, vector<128x8xf32> -> vector<128x8xf32>
    %add3A_198 = vector.broadcast %add3A_194 : vector<1x8xf32> to vector<128x8xf32>
    %add3A_199 = arith.addf %dot_general3A_197, %add3A_198 : vector<128x8xf32>
    %reduce_sum3A_200 = arith.constant dense<0.000000e+00> : vector<8xf32>
    %reduce_sum3A_201 = vector.multi_reduction <add>, %slice3A_195, %reduce_sum3A_200 [0] : vector<128x8xf32> to vector<8xf32>
    %broadcast_in_dim3A_202 = vector.shape_cast %reduce_sum3A_201 : vector<8xf32> to vector<1x8xf32>
    %add3A_203 = arith.addf %add3A_194, %broadcast_in_dim3A_202 : vector<1x8xf32>
    %concatenate3A = tpu.concatenate %add3A_65, %add3A_73, %add3A_82, %add3A_91, %add3A_100, %add3A_109, %add3A_118, %add3A_127, %add3A_136, %add3A_145, %add3A_154, %add3A_163, %add3A_172, %add3A_181, %add3A_190, %add3A_199 in 0 : vector<128x8xf32>, vector<128x8xf32>, vector<128x8xf32>, vector<128x8xf32>, vector<128x8xf32>, vector<128x8xf32>, vector<128x8xf32>, vector<128x8xf32>, vector<128x8xf32>, vector<128x8xf32>, vector<128x8xf32>, vector<128x8xf32>, vector<128x8xf32>, vector<128x8xf32>, vector<128x8xf32>, vector<128x8xf32> -> vector<2048x8xf32>
    %convert_element_type3A = arith.fptosi %add3A_203 : vector<1x8xf32> to vector<1x8xi32>
    %add3A_204 = arith.constant 512 : i32
    %add3A_205 = vector.broadcast %add3A_204 : i32 to vector<1x8xi32>
    %add3A_206 = arith.addi %convert_element_type3A, %add3A_205 : vector<1x8xi32>
    %sub3A_207 = arith.constant 1 : i32
    %sub3A_208 = vector.broadcast %sub3A_207 : i32 to vector<1x8xi32>
    %sub3A_209 = arith.subi %add3A_206, %sub3A_208 : vector<1x8xi32>
    %jit3A_210 = arith.constant 512 : i32
    %div3A_211 = vector.broadcast %jit3A_210 : i32 to vector<1x8xi32>
    %div3A_212 = arith.divsi %sub3A_209, %div3A_211 : vector<1x8xi32>
    %sign3A = arith.constant 0 : i32
    %sign3A_213 = vector.broadcast %sign3A : i32 to vector<1x8xi32>
    %sign3A_214 = arith.cmpi sgt, %sub3A_209, %sign3A_213 : vector<1x8xi32>
    %sign3A_215 = arith.extui %sign3A_214 : vector<1x8xi1> to vector<1x8xi32>
    %sign3A_216 = arith.constant 0 : i32
    %sign3A_217 = vector.broadcast %sign3A_216 : i32 to vector<1x8xi32>
    %sign3A_218 = arith.cmpi slt, %sub3A_209, %sign3A_217 : vector<1x8xi32>
    %sign3A_219 = arith.extui %sign3A_218 : vector<1x8xi1> to vector<1x8xi32>
    %sign3A_220 = arith.subi %sign3A_215, %sign3A_219 : vector<1x8xi32>
    %sign3A_221 = arith.constant 0 : i32
    %sign3A_222 = arith.cmpi sgt, %jit3A_210, %sign3A_221 : i32
    %sign3A_223 = arith.extui %sign3A_222 : i1 to i32
    %sign3A_224 = arith.constant 0 : i32
    %sign3A_225 = arith.cmpi slt, %jit3A_210, %sign3A_224 : i32
    %sign3A_226 = arith.extui %sign3A_225 : i1 to i32
    %sign3A_227 = arith.subi %sign3A_223, %sign3A_226 : i32
    %ne3A = vector.broadcast %sign3A_227 : i32 to vector<1x8xi32>
    %ne3A_228 = arith.cmpi ne, %sign3A_220, %ne3A : vector<1x8xi32>
    %rem3A = vector.broadcast %jit3A_210 : i32 to vector<1x8xi32>
    %rem3A_229 = arith.remsi %sub3A_209, %rem3A : vector<1x8xi32>
    %ne3A_230 = arith.constant 0 : i32
    %ne3A_231 = vector.broadcast %ne3A_230 : i32 to vector<1x8xi32>
    %ne3A_232 = arith.cmpi ne, %rem3A_229, %ne3A_231 : vector<1x8xi32>
    %and3A = arith.andi %ne3A_228, %ne3A_232 : vector<1x8xi1>
    %sub3A_233 = arith.constant 1 : i32
    %sub3A_234 = vector.broadcast %sub3A_233 : i32 to vector<1x8xi32>
    %sub3A_235 = arith.subi %div3A_212, %sub3A_234 : vector<1x8xi32>
    %select_n3A_236 = arith.select %and3A, %sub3A_235, %div3A_212 : vector<1x8xi1>, vector<1x8xi32>
    %mul3A = arith.constant 512 : i32
    %mul3A_237 = vector.broadcast %mul3A : i32 to vector<1x8xi32>
    %mul3A_238 = arith.muli %select_n3A_236, %mul3A_237 : vector<1x8xi32>
    %broadcast_in_dim3A_239 = arith.constant 0 : i32
    %broadcast_in_dim3A_240 = vector.broadcast %broadcast_in_dim3A_239 : i32 to vector<1x1xi32>
    %slice3A_241 = vector.extract_strided_slice %mul3A_238 {offsets = [0, 0], sizes = [1, 7], strides = [1, 1]} : vector<1x8xi32> to vector<1x7xi32>
    %concatenate3A_242 = tpu.concatenate %broadcast_in_dim3A_240, %slice3A_241 in 1 : vector<1x1xi32>, vector<1x7xi32> -> vector<1x8xi32>
    %add3A_243 = arith.addi %mul3A_238, %concatenate3A_242 : vector<1x8xi32>
    %broadcast_in_dim3A_244 = arith.constant 0 : i32
    %broadcast_in_dim3A_245 = vector.broadcast %broadcast_in_dim3A_244 : i32 to vector<1x2xi32>
    %slice3A_246 = vector.extract_strided_slice %add3A_243 {offsets = [0, 0], sizes = [1, 6], strides = [1, 1]} : vector<1x8xi32> to vector<1x6xi32>
    %concatenate3A_247 = tpu.concatenate %broadcast_in_dim3A_245, %slice3A_246 in 1 : vector<1x2xi32>, vector<1x6xi32> -> vector<1x8xi32>
    %add3A_248 = arith.addi %add3A_243, %concatenate3A_247 : vector<1x8xi32>
    %broadcast_in_dim3A_249 = arith.constant 0 : i32
    %broadcast_in_dim3A_250 = vector.broadcast %broadcast_in_dim3A_249 : i32 to vector<1x4xi32>
    %slice3A_251 = vector.extract_strided_slice %add3A_248 {offsets = [0, 0], sizes = [1, 4], strides = [1, 1]} : vector<1x8xi32> to vector<1x4xi32>
    %concatenate3A_252 = tpu.concatenate %broadcast_in_dim3A_250, %slice3A_251 in 1 : vector<1x4xi32>, vector<1x4xi32> -> vector<1x8xi32>
    %add3A_253 = arith.addi %add3A_248, %concatenate3A_252 : vector<1x8xi32>
    %sub3A_254 = arith.subi %add3A_253, %mul3A_238 : vector<1x8xi32>
    %convert_element_type3A_255 = arith.sitofp %sub3A_254 : vector<1x8xi32> to vector<1x8xf32>
    %add3A_256 = vector.broadcast %convert_element_type3A_255 : vector<1x8xf32> to vector<2048x8xf32>
    %add3A_257 = arith.addf %add3A_256, %concatenate3A : vector<2048x8xf32>
    %jit3A_258 = arith.constant 0.000000e+00 : f32
    %broadcast_in_dim3A_259 = vector.broadcast %jit3A_258 : f32 to vector<2048x8xf32>
    %select_n3A_260 = arith.select %eq3A_45, %add3A_257, %broadcast_in_dim3A_259 : vector<2048x8xi1>, vector<2048x8xf32>
    %reduce_sum3A_261 = arith.constant dense<0.000000e+00> : vector<2048xf32>
    %reduce_sum3A_262 = vector.multi_reduction <add>, %select_n3A_260, %reduce_sum3A_261 [1] : vector<2048x8xf32> to vector<2048xf32>
    %broadcast_in_dim3A_263 = vector.shape_cast %reduce_sum3A_262 : vector<2048xf32> to vector<2048x1xf32>
    %add3A_264 = vector.broadcast %convert_element_type3A_255 : vector<1x8xf32> to vector<2048x8xf32>
    %add3A_265 = arith.addf %add3A_264, %concatenate3A : vector<2048x8xf32>
    %jit3A_266 = arith.constant 0.000000e+00 : f32
    %broadcast_in_dim3A_267 = vector.broadcast %jit3A_266 : f32 to vector<2048x8xf32>
    %select_n3A_268 = arith.select %eq3A_47, %add3A_265, %broadcast_in_dim3A_267 : vector<2048x8xi1>, vector<2048x8xf32>
    %reduce_sum3A_269 = arith.constant dense<0.000000e+00> : vector<2048xf32>
    %reduce_sum3A_270 = vector.multi_reduction <add>, %select_n3A_268, %reduce_sum3A_269 [1] : vector<2048x8xf32> to vector<2048xf32>
    %broadcast_in_dim3A_271 = vector.shape_cast %reduce_sum3A_270 : vector<2048xf32> to vector<2048x1xf32>
    %concatenate3A_272 = tpu.concatenate %broadcast_in_dim3A_263, %broadcast_in_dim3A_271 in 1 : vector<2048x1xf32>, vector<2048x1xf32> -> vector<2048x2xf32>
    %convert_element_type3A_273 = arith.fptosi %concatenate3A_272 : vector<2048x2xf32> to vector<2048x2xi32>
    %swap3A_274 = arith.constant 0 : index
    %swap3A_275 = arith.constant 0 : index
    %swap3A_276 = vector.load %arg2[%swap3A_274, %swap3A_275] : memref<2048x2xi32, #tpu.memory_space<vmem>>, vector<2048x2xi32>
    tpu.vector_store %arg2[%swap3A_274, %swap3A_275], %convert_element_type3A_273 {strides = array<i32>} : memref<2048x2xi32, #tpu.memory_space<vmem>>, vector<2048x2xi32>,
    %iota3A_277 = tpu.iota {dimensions = array<i32: 0>} : vector<16x8xi32>
    %mul3A_278 = arith.constant 512 : i32
    %mul3A_279 = vector.broadcast %mul3A_278 : i32 to vector<16x8xi32>
    %mul3A_280 = arith.muli %iota3A_277, %mul3A_279 : vector<16x8xi32>
    %ge3A = vector.broadcast %add3A_253 : vector<1x8xi32> to vector<16x8xi32>
    %ge3A_281 = arith.cmpi sge, %mul3A_280, %ge3A : vector<16x8xi32>
    %convert_element_type3A_282 = arith.extui %ge3A_281 : vector<16x8xi1> to vector<16x8xi32>
    %reduce_sum3A_283 = arith.constant dense<0> : vector<16xi32>
    %reduce_sum3A_284 = vector.multi_reduction <add>, %convert_element_type3A_282, %reduce_sum3A_283 [1] : vector<16x8xi32> to vector<16xi32>
    %broadcast_in_dim3A_285 = vector.shape_cast %reduce_sum3A_284 : vector<16xi32> to vector<16x1xi32>
    %min3A = arith.constant 7 : i32
    %min3A_286 = vector.broadcast %min3A : i32 to vector<16x1xi32>
    %min3A_287 = arith.minsi %broadcast_in_dim3A_285, %min3A_286 : vector<16x1xi32>
    %slice3A_288 = vector.extract_strided_slice %add3A_253 {offsets = [0, 7], sizes = [1, 1], strides = [1, 1]} : vector<1x8xi32> to vector<1x1xi32>
    %jit3A_289 = arith.constant 512 : i32
    %div3A_290 = vector.broadcast %jit3A_289 : i32 to vector<1x1xi32>
    %div3A_291 = arith.divsi %slice3A_288, %div3A_290 : vector<1x1xi32>
    %sign3A_292 = arith.constant 0 : i32
    %sign3A_293 = vector.broadcast %sign3A_292 : i32 to vector<1x1xi32>
    %sign3A_294 = arith.cmpi sgt, %slice3A_288, %sign3A_293 : vector<1x1xi32>
    %sign3A_295 = arith.extui %sign3A_294 : vector<1x1xi1> to vector<1x1xi32>
    %sign3A_296 = arith.constant 0 : i32
    %sign3A_297 = vector.broadcast %sign3A_296 : i32 to vector<1x1xi32>
    %sign3A_298 = arith.cmpi slt, %slice3A_288, %sign3A_297 : vector<1x1xi32>
    %sign3A_299 = arith.extui %sign3A_298 : vector<1x1xi1> to vector<1x1xi32>
    %sign3A_300 = arith.subi %sign3A_295, %sign3A_299 : vector<1x1xi32>
    %sign3A_301 = arith.constant 0 : i32
    %sign3A_302 = arith.cmpi sgt, %jit3A_289, %sign3A_301 : i32
    %sign3A_303 = arith.extui %sign3A_302 : i1 to i32
    %sign3A_304 = arith.constant 0 : i32
    %sign3A_305 = arith.cmpi slt, %jit3A_289, %sign3A_304 : i32
    %sign3A_306 = arith.extui %sign3A_305 : i1 to i32
    %sign3A_307 = arith.subi %sign3A_303, %sign3A_306 : i32
    %ne3A_308 = vector.broadcast %sign3A_307 : i32 to vector<1x1xi32>
    %ne3A_309 = arith.cmpi ne, %sign3A_300, %ne3A_308 : vector<1x1xi32>
    %rem3A_310 = vector.broadcast %jit3A_289 : i32 to vector<1x1xi32>
    %rem3A_311 = arith.remsi %slice3A_288, %rem3A_310 : vector<1x1xi32>
    %ne3A_312 = arith.constant 0 : i32
    %ne3A_313 = vector.broadcast %ne3A_312 : i32 to vector<1x1xi32>
    %ne3A_314 = arith.cmpi ne, %rem3A_311, %ne3A_313 : vector<1x1xi32>
    %and3A_315 = arith.andi %ne3A_309, %ne3A_314 : vector<1x1xi1>
    %sub3A_316 = arith.constant 1 : i32
    %sub3A_317 = vector.broadcast %sub3A_316 : i32 to vector<1x1xi32>
    %sub3A_318 = arith.subi %div3A_291, %sub3A_317 : vector<1x1xi32>
    %select_n3A_319 = arith.select %and3A_315, %sub3A_318, %div3A_291 : vector<1x1xi1>, vector<1x1xi32>
    %concatenate3A_320 = tpu.concatenate %min3A_287, %select_n3A_319 in 0 : vector<16x1xi32>, vector<1x1xi32> -> vector<17x1xi32>
    %swap3A_321 = arith.constant 0 : index
    %swap3A_322 = arith.constant 0 : index
    %swap3A_323 = vector.load %arg5[%swap3A_321, %swap3A_322] : memref<17x1xi32, #tpu.memory_space<vmem>>, vector<17x1xi32>
    tpu.vector_store %arg5[%swap3A_321, %swap3A_322], %concatenate3A_320 {strides = array<i32>} : memref<17x1xi32, #tpu.memory_space<vmem>>, vector<17x1xi32>,
    %jit3A_324 = arith.constant 0.000000e+00 : f32
    %broadcast_in_dim3A_325 = vector.shape_cast %div3A_30 : vector<2048x1xf32> to vector<2048x1xf32>
    %broadcast_in_dim3A_326 = vector.broadcast %broadcast_in_dim3A_325 : vector<2048x1xf32> to vector<2048x8xf32>
    %broadcast_in_dim3A_327 = vector.broadcast %jit3A_324 : f32 to vector<2048x8xf32>
    %select_n3A_328 = arith.select %eq3A_45, %broadcast_in_dim3A_326, %broadcast_in_dim3A_327 : vector<2048x8xi1>, vector<2048x8xf32>
    %jit3A_329 = arith.constant 0.000000e+00 : f32
    %broadcast_in_dim3A_330 = vector.shape_cast %div3A_34 : vector<2048x1xf32> to vector<2048x1xf32>
    %broadcast_in_dim3A_331 = vector.broadcast %broadcast_in_dim3A_330 : vector<2048x1xf32> to vector<2048x8xf32>
    %broadcast_in_dim3A_332 = vector.broadcast %jit3A_329 : f32 to vector<2048x8xf32>
    %select_n3A_333 = arith.select %eq3A_47, %broadcast_in_dim3A_331, %broadcast_in_dim3A_332 : vector<2048x8xi1>, vector<2048x8xf32>
    %add3A_334 = arith.addf %select_n3A_328, %select_n3A_333 : vector<2048x8xf32>
    %reduce_sum3A_335 = arith.constant dense<0.000000e+00> : vector<8xf32>
    %reduce_sum3A_336 = vector.multi_reduction <add>, %add3A_334, %reduce_sum3A_335 [0] : vector<2048x8xf32> to vector<8xf32>
    %convert_element_type3A_337 = arith.extui %eq3A_45 : vector<2048x8xi1> to vector<2048x8xi32>
    %convert_element_type3A_338 = arith.sitofp %convert_element_type3A_337 : vector<2048x8xi32> to vector<2048x8xf32>
    %gt3A_339 = arith.constant 0.000000e+00 : f32
    %gt3A_340 = vector.broadcast %gt3A_339 : f32 to vector<2048x1xf32>
    %gt3A_341 = arith.cmpf ogt, %div3A_34, %gt3A_340 : vector<2048x1xf32>
    %and3A_342 = vector.broadcast %gt3A_341 : vector<2048x1xi1> to vector<2048x8xi1>
    %and3A_343 = arith.andi %eq3A_47, %and3A_342 : vector<2048x8xi1>
    %jit3A_344 = arith.constant 1.000000e+00 : f32
    %jit3A_345 = arith.constant 0.000000e+00 : f32
    %broadcast_in_dim3A_346 = vector.broadcast %jit3A_344 : f32 to vector<2048x8xf32>
    %broadcast_in_dim3A_347 = vector.broadcast %jit3A_345 : f32 to vector<2048x8xf32>
    %select_n3A_348 = arith.select %and3A_343, %broadcast_in_dim3A_346, %broadcast_in_dim3A_347 : vector<2048x8xi1>, vector<2048x8xf32>
    %add3A_349 = arith.addf %convert_element_type3A_338, %select_n3A_348 : vector<2048x8xf32>
    %reduce_sum3A_350 = arith.constant dense<0.000000e+00> : vector<8xf32>
    %reduce_sum3A_351 = vector.multi_reduction <add>, %add3A_349, %reduce_sum3A_350 [0] : vector<2048x8xf32> to vector<8xf32>
    %reduce_sum3A_352 = vector.shape_cast %reduce_sum3A_336 : vector<8xf32> to vector<1x8xf32>
    %reduce_sum3A_353 = arith.constant dense<0.000000e+00> : vector<1xf32>
    %reduce_sum3A_354 = vector.multi_reduction <add>, %reduce_sum3A_352, %reduce_sum3A_353 [1] : vector<1x8xf32> to vector<1xf32>
    %reduce_sum3A_355 = vector.shape_cast %reduce_sum3A_354 : vector<1xf32> to vector<1x1xf32>
    %reduce_sum3A_356 = vector.extract %reduce_sum3A_355[0, 0] : f32 from vector<1x1xf32>
    %div3A_357 = arith.constant 8.000000e+00 : f32
    %div3A_358 = arith.divf %reduce_sum3A_356, %div3A_357 : f32
    %sub3A_359 = vector.broadcast %div3A_358 : f32 to vector<8xf32>
    %sub3A_360 = arith.subf %reduce_sum3A_336, %sub3A_359 : vector<8xf32>
    %integer_pow3A = arith.mulf %sub3A_360, %sub3A_360 : vector<8xf32>
    %reduce_sum3A_361 = vector.shape_cast %integer_pow3A : vector<8xf32> to vector<1x8xf32>
    %reduce_sum3A_362 = arith.constant dense<0.000000e+00> : vector<1xf32>
    %reduce_sum3A_363 = vector.multi_reduction <add>, %reduce_sum3A_361, %reduce_sum3A_362 [1] : vector<1x8xf32> to vector<1xf32>
    %reduce_sum3A_364 = vector.shape_cast %reduce_sum3A_363 : vector<1xf32> to vector<1x1xf32>
    %reduce_sum3A_365 = vector.extract %reduce_sum3A_364[0, 0] : f32 from vector<1x1xf32>
    %div3A_366 = arith.constant 7.000000e+00 : f32
    %div3A_367 = arith.divf %reduce_sum3A_365, %div3A_366 : f32
    %mul3A_368 = arith.mulf %div3A_358, %div3A_358 : f32
    %add3A_369 = arith.constant 1.000000e-10 : f32
    %add3A_370 = arith.addf %mul3A_368, %add3A_369 : f32
    %div3A_371 = arith.divf %div3A_367, %add3A_370 : f32
    %reduce_sum3A_372 = vector.shape_cast %reduce_sum3A_351 : vector<8xf32> to vector<1x8xf32>
    %reduce_sum3A_373 = arith.constant dense<0.000000e+00> : vector<1xf32>
    %reduce_sum3A_374 = vector.multi_reduction <add>, %reduce_sum3A_372, %reduce_sum3A_373 [1] : vector<1x8xf32> to vector<1xf32>
    %reduce_sum3A_375 = vector.shape_cast %reduce_sum3A_374 : vector<1xf32> to vector<1x1xf32>
    %reduce_sum3A_376 = vector.extract %reduce_sum3A_375[0, 0] : f32 from vector<1x1xf32>
    %div3A_377 = arith.constant 8.000000e+00 : f32
    %div3A_378 = arith.divf %reduce_sum3A_376, %div3A_377 : f32
    %sub3A_379 = vector.broadcast %div3A_378 : f32 to vector<8xf32>
    %sub3A_380 = arith.subf %reduce_sum3A_351, %sub3A_379 : vector<8xf32>
    %integer_pow3A_381 = arith.mulf %sub3A_380, %sub3A_380 : vector<8xf32>
    %reduce_sum3A_382 = vector.shape_cast %integer_pow3A_381 : vector<8xf32> to vector<1x8xf32>
    %reduce_sum3A_383 = arith.constant dense<0.000000e+00> : vector<1xf32>
    %reduce_sum3A_384 = vector.multi_reduction <add>, %reduce_sum3A_382, %reduce_sum3A_383 [1] : vector<1x8xf32> to vector<1xf32>
    %reduce_sum3A_385 = vector.shape_cast %reduce_sum3A_384 : vector<1xf32> to vector<1x1xf32>
    %reduce_sum3A_386 = vector.extract %reduce_sum3A_385[0, 0] : f32 from vector<1x1xf32>
    %div3A_387 = arith.constant 7.000000e+00 : f32
    %div3A_388 = arith.divf %reduce_sum3A_386, %div3A_387 : f32
    %mul3A_389 = arith.mulf %div3A_378, %div3A_378 : f32
    %add3A_390 = arith.constant 1.000000e-10 : f32
    %add3A_391 = arith.addf %mul3A_389, %add3A_390 : f32
    %div3A_392 = arith.divf %div3A_388, %add3A_391 : f32
    %add3A_393 = arith.addf %div3A_371, %div3A_392 : f32
    %mul3A_394 = arith.constant 0.00999999977 : f32
    %mul3A_395 = arith.mulf %add3A_393, %mul3A_394 : f32
    %reshape3A = vector.broadcast %mul3A_395 : f32 to vector<1x1xf32>
    %swap3A_396 = arith.constant 0 : index
    %swap3A_397 = arith.constant 0 : index
    %swap3A_398 = vector.load %arg6[%swap3A_396, %swap3A_397] : memref<1x1xf32, #tpu.memory_space<vmem>>, vector<1x1xf32>
    tpu.vector_store %arg6[%swap3A_396, %swap3A_397], %reshape3A {strides = array<i32>} : memref<1x1xf32, #tpu.memory_space<vmem>>, vector<1x1xf32>,
    return
  }
}

module attributes {stable_mosaic.version = 14 : i64} {
  func.func @_mlp_body(%arg0: i32, %arg1: memref<17x1xi32, #tpu.memory_space<smem>>, %arg2: memref<512x768xf32, #tpu.memory_space<vmem>>, %arg3: memref<1x768x1024xf32, #tpu.memory_space<vmem>>, %arg4: memref<1x1x1024xf32, #tpu.memory_space<vmem>>, %arg5: memref<1x1024x768xf32, #tpu.memory_space<vmem>>, %arg6: memref<1x1x768xf32, #tpu.memory_space<vmem>>, %arg7: memref<512x768xf32, #tpu.memory_space<vmem>>) attributes {dimension_semantics = [#tpu.dimension_semantics<arbitrary>], iteration_bounds = array<i64: 16>, scalar_prefetch = 1 : i64, scratch_operands = 0 : i64, tpu.core_type = #tpu.core_type<tc>, window_params = [{transform_indices = @transform_0, window_bounds = array<i64: 512, 768>}, {transform_indices = @transform_1, window_bounds = array<i64: 1, 768, 1024>}, {transform_indices = @transform_2, window_bounds = array<i64: 1, 1, 1024>}, {transform_indices = @transform_3, window_bounds = array<i64: 1, 1024, 768>}, {transform_indices = @transform_4, window_bounds = array<i64: 1, 1, 768>}, {transform_indices = @transform_5, window_bounds = array<i64: 512, 768>}]} {
    %get3A = arith.constant 16 : index
    %get3A_0 = arith.constant 0 : index
    %get3A_1 = memref.load %arg1[%get3A, %get3A_0] : memref<17x1xi32, #tpu.memory_space<smem>>
    %lt3A = arith.cmpi slt, %arg0, %get3A_1 : i32
    %convert_element_type3A = arith.extui %lt3A : i1 to i32
    %cond3A = arith.constant 0 : i32
    %cond3A_2 = arith.cmpi ne, %convert_element_type3A, %cond3A : i32
    scf.if %cond3A_2 {
      %get3A_3 = arith.constant 0 : index
      %get3A_4 = arith.constant 0 : index
      %get3A_5 = vector.load %arg2[%get3A_3, %get3A_4] : memref<512x768xf32, #tpu.memory_space<vmem>>, vector<512x768xf32>
      %convert_element_type3A_6 = arith.truncf %get3A_5 : vector<512x768xf32> to vector<512x768xbf16>
      %get3A_7 = arith.constant 0 : index
      %get3A_8 = arith.constant 0 : index
      %get3A_9 = arith.constant 0 : index
      %get3A_10 = vector.load %arg3[%get3A_7, %get3A_8, %get3A_9] : memref<1x768x1024xf32, #tpu.memory_space<vmem>>, vector<1x768x1024xf32>
      %get3A_11 = vector.shape_cast %get3A_10 : vector<1x768x1024xf32> to vector<768x1024xf32>
      %convert_element_type3A_12 = arith.truncf %get3A_11 : vector<768x1024xf32> to vector<768x1024xbf16>
      %dot_general3A = arith.constant dense<0.000000e+00> : vector<512x1024xf32>
      %dot_general3A_13 = tpu.matmul %convert_element_type3A_6, %convert_element_type3A_12, %dot_general3A {dimension_numbers = #tpu.dot_dimension_numbers<[1], [0], [0], [1], [0, 0, 1, 1], [], []>, transpose_lhs_hint = false} : vector<512x768xbf16>, vector<768x1024xbf16>, vector<512x1024xf32> -> vector<512x1024xf32>
      %get3A_14 = arith.constant 0 : index
      %get3A_15 = arith.constant 0 : index
      %get3A_16 = arith.constant 0 : index
      %get3A_17 = vector.load %arg4[%get3A_14, %get3A_15, %get3A_16] : memref<1x1x1024xf32, #tpu.memory_space<vmem>>, vector<1x1x1024xf32>
      %get3A_18 = vector.shape_cast %get3A_17 : vector<1x1x1024xf32> to vector<1x1024xf32>
      %add3A = vector.broadcast %get3A_18 : vector<1x1024xf32> to vector<512x1024xf32>
      %add3A_19 = arith.addf %dot_general3A_13, %add3A : vector<512x1024xf32>
      %max3A = arith.constant 0.000000e+00 : f32
      %max3A_20 = vector.broadcast %max3A : f32 to vector<512x1024xf32>
      %max3A_21 = arith.maximumf %add3A_19, %max3A_20 : vector<512x1024xf32>
      %convert_element_type3A_22 = arith.truncf %max3A_21 : vector<512x1024xf32> to vector<512x1024xbf16>
      %get3A_23 = arith.constant 0 : index
      %get3A_24 = arith.constant 0 : index
      %get3A_25 = arith.constant 0 : index
      %get3A_26 = vector.load %arg5[%get3A_23, %get3A_24, %get3A_25] : memref<1x1024x768xf32, #tpu.memory_space<vmem>>, vector<1x1024x768xf32>
      %get3A_27 = vector.shape_cast %get3A_26 : vector<1x1024x768xf32> to vector<1024x768xf32>
      %convert_element_type3A_28 = arith.truncf %get3A_27 : vector<1024x768xf32> to vector<1024x768xbf16>
      %dot_general3A_29 = arith.constant dense<0.000000e+00> : vector<512x768xf32>
      %dot_general3A_30 = tpu.matmul %convert_element_type3A_22, %convert_element_type3A_28, %dot_general3A_29 {dimension_numbers = #tpu.dot_dimension_numbers<[1], [0], [0], [1], [0, 0, 1, 1], [], []>, transpose_lhs_hint = false} : vector<512x1024xbf16>, vector<1024x768xbf16>, vector<512x768xf32> -> vector<512x768xf32>
      %get3A_31 = arith.constant 0 : index
      %get3A_32 = arith.constant 0 : index
      %get3A_33 = arith.constant 0 : index
      %get3A_34 = vector.load %arg6[%get3A_31, %get3A_32, %get3A_33] : memref<1x1x768xf32, #tpu.memory_space<vmem>>, vector<1x1x768xf32>
      %get3A_35 = vector.shape_cast %get3A_34 : vector<1x1x768xf32> to vector<1x768xf32>
      %add3A_36 = vector.broadcast %get3A_35 : vector<1x768xf32> to vector<512x768xf32>
      %add3A_37 = arith.addf %dot_general3A_30, %add3A_36 : vector<512x768xf32>
      %swap3A = arith.constant 0 : index
      %swap3A_38 = arith.constant 0 : index
      %swap3A_39 = vector.load %arg7[%swap3A, %swap3A_38] : memref<512x768xf32, #tpu.memory_space<vmem>>, vector<512x768xf32>
      tpu.vector_store %arg7[%swap3A, %swap3A_38], %add3A_37 {strides = array<i32>} : memref<512x768xf32, #tpu.memory_space<vmem>>, vector<512x768xf32>,
    } else {
    }
    return
  }
  func.func @transform_0(%arg0: i32, %arg1: memref<17x1xi32, #tpu.memory_space<smem>>) -> (i32, i32) {
    %c0_i32 = arith.constant 0 : i32
    %c0_i32_0 = arith.constant 0 : i32
    return %arg0, %c0_i32 : i32, i32
  }
  func.func @transform_1(%arg0: i32, %arg1: memref<17x1xi32, #tpu.memory_space<smem>>) -> (i32, i32, i32) {
    %get3A = arith.index_cast %arg0 : i32 to index
    %get3A_0 = arith.constant 0 : index
    %get3A_1 = memref.load %arg1[%get3A, %get3A_0] : memref<17x1xi32, #tpu.memory_space<smem>>
    %c0_i32 = arith.constant 0 : i32
    %c0_i32_2 = arith.constant 0 : i32
    %c0_i32_3 = arith.constant 0 : i32
    return %get3A_1, %c0_i32, %c0_i32_2 : i32, i32, i32
  }
  func.func @transform_2(%arg0: i32, %arg1: memref<17x1xi32, #tpu.memory_space<smem>>) -> (i32, i32, i32) {
    %get3A = arith.index_cast %arg0 : i32 to index
    %get3A_0 = arith.constant 0 : index
    %get3A_1 = memref.load %arg1[%get3A, %get3A_0] : memref<17x1xi32, #tpu.memory_space<smem>>
    %c0_i32 = arith.constant 0 : i32
    %c0_i32_2 = arith.constant 0 : i32
    %c0_i32_3 = arith.constant 0 : i32
    return %get3A_1, %c0_i32, %c0_i32_2 : i32, i32, i32
  }
  func.func @transform_3(%arg0: i32, %arg1: memref<17x1xi32, #tpu.memory_space<smem>>) -> (i32, i32, i32) {
    %get3A = arith.index_cast %arg0 : i32 to index
    %get3A_0 = arith.constant 0 : index
    %get3A_1 = memref.load %arg1[%get3A, %get3A_0] : memref<17x1xi32, #tpu.memory_space<smem>>
    %c0_i32 = arith.constant 0 : i32
    %c0_i32_2 = arith.constant 0 : i32
    %c0_i32_3 = arith.constant 0 : i32
    return %get3A_1, %c0_i32, %c0_i32_2 : i32, i32, i32
  }
  func.func @transform_4(%arg0: i32, %arg1: memref<17x1xi32, #tpu.memory_space<smem>>) -> (i32, i32, i32) {
    %get3A = arith.index_cast %arg0 : i32 to index
    %get3A_0 = arith.constant 0 : index
    %get3A_1 = memref.load %arg1[%get3A, %get3A_0] : memref<17x1xi32, #tpu.memory_space<smem>>
    %c0_i32 = arith.constant 0 : i32
    %c0_i32_2 = arith.constant 0 : i32
    %c0_i32_3 = arith.constant 0 : i32
    return %get3A_1, %c0_i32, %c0_i32_2 : i32, i32, i32
  }
  func.func @transform_5(%arg0: i32, %arg1: memref<17x1xi32, #tpu.memory_space<smem>>) -> (i32, i32) {
    %c0_i32 = arith.constant 0 : i32
    %c0_i32_0 = arith.constant 0 : i32
    return %arg0, %c0_i32 : i32, i32
  }
}

</mosaic_0001>

<sc_bundles>
// kernel: kernel.6.cloned.1.call-start
scs
__scs_entry_jumppad:
0x0: {  	(pc) =	sbr.rel $0x88, $3  }
0x1: {  	(tag) =	ssettag $0x0;
	lr =	simm.s32 $0x1  }
0x2: {  	[smem:$0x3F9B] =	sst lr;
	_ =	strace $0xD0000000  }
0x3: {  	_ = 	snop  }
0x4: {  	_ = 	snop  }
0x5: {  	_ = 	snop  }
0x6: {  	_ = 	snop  }
0x7: {  	_ = 	snop  }
__scs_overlays_trampoline_lowered:
0x8: {  	[smem:$0x3FAA] =	sst s0  }
0x9: {  	[smem:$0x3FAB] =	sst s1  }
0xa: {  	[smem:$0x3FAC] =	sst s2  }
0xb: {  	[smem:$0x3FAD] =	sst s3  }
0xc: {  	[smem:$0x3FAE] =	sst s4  }
0xd: {  	[smem:$0x3FAF] =	sst s5  }
0xe: {  	[smem:$0x3FB0] =	sst s6  }
0xf: {  	[smem:$0x3FB1] =	sst s7  }
0x10: {  	[smem:$0x3FB2] =	sst s8  }
0x11: {  	[smem:$0x3FB3] =	sst s9;
	s0 =	simm.s32 @!p0 $0x0  }
0x12: {  	s1 =	sld [smem:$0x3F99];
	s0 =	simm.s32 @p0 $0x1  }
0x13: {  	[smem:$0x3FB4] =	sst s0;
	s0 =	simm.s32 @!p1 $0x0  }
0x14: {  	s2 =	sld [smem:$0x3F98];
	s0 =	simm.s32 @p1 $0x1  }
0x15: {  	[smem:$0x3FB5] =	sst s0;
	s0 =	simm.s32 @!p2 $0x0  }
0x16: {  	s3 =	sld [smem:$0x3FDB];
	s0 =	simm.s32 @p2 $0x1  }
0x17: {  	s4 =	simm.s32 $0x1BF5;
	[smem:$0x3FB7] =	sst s0  }
0x18: {  	s0 =	sld [smem:$0x3F9A];
	_ =	swait.ge [sflag:s4], $0x0  }
0x19: {  	s7 =	sld [smem:$0x3F9B]  }
0x1a: {  	s8 =	sadd.s32 $0xFFFFE003, lr  }
0x1b: {  	s9 =	sadd.s32 $0xFFFFFEF7, lr;
	s5 =	simm.s32 $0xFFFFFFFF;
	p2 =	slt.u32 s8, $0xFFFFF086  }
0x1c: {  	p1 =	slt.u32 s9, $0xF7A;
	s5 =	simm.s32 @!p2 $0x0  }
0x1d: {  	s5 =	simm.s32 @p1 $0x1;
	p0 =	seq.s32 s7, s2  }
0x1e: {  	s7 =	smul.u32 @!p0 $0xF7A, s2;
	p2 =	seq.s32 @!p0 s5, $0x0  }
0x1f: {  	s9 =	smul.u32 $0xF7A, s1;
	s8 =	simm.s32 @!p0 $0x1BF5;
	p2 =	por !p2, p0  }
0x20: {  	[sflag:s8] =	ssyncset.s32 @!p0 $0xFFFFF086;
	s6 =	sadd.s32 @!p0 s3, s7;
	s7 =	simm.s32 @!p0 $0x108  }
0x21: {  	s3 =	sadd.s32 s3, s9;
	s6 =	sadd.s32 @!p0 $0x88, s6;
	s7 =	simm.s32 @p2 $0x1082  }
0x22: {  	[simem:s7], [sflag:s8] =	dma.local @!p0 [hbm:s6], $0xF7A  }
0x23: {  	s9 =	sor.u32 $0xD0000000, s2;
	s6 =	simm.s32 $0x108;
	_ =	swait.ge @!p0 [sflag:s8], $0x0  }
0x24: {  	s3 =	sadd.s32 $0x88, s3;
	s6 =	simm.s32 @!p1 $0x1082;
	[sflag:s4] =	ssyncset.s32 $0xFFFFF086  }
0x25: {  	[simem:s6], [sflag:s4] =	dma.local [hbm:s3], $0xF7A  }
0x26: {  	[smem:$0x3F9B] =	sst s1;
	(tag) =	ssettag s2;
	_ =	strace s9  }
0x27: {  	s1 =	sld [smem:$0x3FAB]  }
0x28: {  	s2 =	sld [smem:$0x3FAC]  }
0x29: {  	s4 =	sld [smem:$0x3FAE]  }
0x2a: {  	p0 =	seq.s32 s5, $0x0;
	s5 =	sld [smem:$0x3FAF]  }
0x2b: {  	s6 =	sld [smem:$0x3FB0]  }
0x2c: {  	s7 =	sld [smem:$0x3FB1]  }
0x2d: {  	s3 =	simm.s32 $0x108;
	s8 =	sld [smem:$0x3FB2]  }
0x2e: {  	s3 =	simm.s32 @!p0 $0x1082;
	s9 =	sld [smem:$0x3FB3]  }
0x2f: {  	lr =	sadd.s32 s0, s3;
	s0 =	sld [smem:$0x3FAA]  }
0x30: {  	s3 =	sld [smem:$0x3FAD]  }
0x31: {  	[smem:$0x3FB6] =	sst s10  }
0x32: {  	s10 =	sld [smem:$0x3FB4];
	_ =	sdelay $0x3  }
0x33: {  	p0 =	seq.s32 s10, $0x1;
	s10 =	sld [smem:$0x3FB6];
	_ =	sdelay $0x3  }
0x34: {  	[smem:$0x3FB6] =	sst s10  }
0x35: {  	s10 =	sld [smem:$0x3FB5];
	_ =	sdelay $0x3  }
0x36: {  	p1 =	seq.s32 s10, $0x1;
	s10 =	sld [smem:$0x3FB6];
	_ =	sdelay $0x3  }
0x37: {  	[smem:$0x3FB6] =	sst s10  }
0x38: {  	s10 =	sld [smem:$0x3FB7]  }
0x39: {  	_ = 	snop;
	(pc) =	sbr.ind lr, $3  }
0x3a: {  	_ = 	snop  }
0x3b: {  	_ = 	snop  }
0x3c: {  	p2 =	seq.s32 s10, $0x1;
	s10 =	sld [smem:$0x3FB6]  }
0x3d: {  	_ =	shalt  }
0x3e: {  	_ =	shalt  }
0x3f: {  	_ =	shalt  }
0x40: {  	_ =	shalt  }
0x41: {  	_ =	shalt  }
0x42: {  	_ =	shalt  }
0x43: {  	_ =	shalt  }
0x44: {  	_ =	shalt  }
0x45: {  	_ =	shalt  }
0x46: {  	_ =	shalt  }
0x47: {  	_ =	shalt  }
0x48: {  	_ =	shalt  }
0x49: {  	_ =	shalt  }
0x4a: {  	_ =	shalt  }
0x4b: {  	_ =	shalt  }
0x4c: {  	_ =	shalt  }
0x4d: {  	_ =	shalt  }
0x4e: {  	_ =	shalt  }
0x4f: {  	_ =	shalt  }
0x50: {  	_ =	shalt  }
0x51: {  	_ =	shalt  }
0x52: {  	_ =	shalt  }
0x53: {  	_ =	shalt  }
0x54: {  	_ =	shalt  }
0x55: {  	_ =	shalt  }
0x56: {  	_ =	shalt  }
0x57: {  	_ =	shalt  }
0x58: {  	_ =	shalt  }
0x59: {  	_ =	shalt  }
0x5a: {  	_ =	shalt  }
0x5b: {  	_ =	shalt  }
0x5c: {  	_ =	shalt  }
0x5d: {  	_ =	shalt  }
0x5e: {  	_ =	shalt  }
0x5f: {  	_ =	shalt  }
0x60: {  	_ =	shalt  }
0x61: {  	_ =	shalt  }
0x62: {  	_ =	shalt  }
0x63: {  	_ =	shalt  }
0x64: {  	_ =	shalt  }
0x65: {  	_ =	shalt  }
0x66: {  	_ =	shalt  }
0x67: {  	_ =	shalt  }
0x68: {  	_ =	shalt  }
0x69: {  	_ =	shalt  }
0x6a: {  	_ =	shalt  }
0x6b: {  	_ =	shalt  }
0x6c: {  	_ =	shalt  }
0x6d: {  	_ =	shalt  }
0x6e: {  	_ =	shalt  }
0x6f: {  	_ =	shalt  }
0x70: {  	_ =	shalt  }
0x71: {  	_ =	shalt  }
0x72: {  	_ =	shalt  }
0x73: {  	_ =	shalt  }
0x74: {  	_ =	shalt  }
0x75: {  	_ =	shalt  }
0x76: {  	_ =	shalt  }
0x77: {  	_ =	shalt  }
0x78: {  	_ =	shalt  }
0x79: {  	_ =	shalt  }
0x7a: {  	_ =	shalt  }
0x7b: {  	_ =	shalt  }
0x7c: {  	_ =	shalt  }
0x7d: {  	_ =	shalt  }
0x7e: {  	_ =	shalt  }
0x7f: {  	_ =	shalt  }
0x80: {  	_ =	shalt  }
0x81: {  	_ =	shalt  }
0x82: {  	_ =	shalt  }
0x83: {  	_ =	shalt  }
0x84: {  	_ =	shalt  }
0x85: {  	_ =	shalt  }
0x86: {  	_ =	shalt  }
0x87: {  	_ =	shalt  }
.Lfunc_end0:
.L_simem_size_0:
called_computation_lowered:
.L_overlay_start_0:
0x88: {  	s2 =	sld [smem:$0x3FD9]  }
0x89: {  	s3 =	sld [smem:$0x3FFE];
	_ =	sdelay $0x1  }
0x8a: {  	s1 =	srdreg.scid  }
0x8b: {  	s0 =	sand.u32 $0x1, s1  }
0x8c: {  	s17 =	sshll.u32 s0, $0xA;
	s2 =	sadd.s32 s3, s2  }
0x8d: {  	s2 =	sadd.s32 s2, s17  }
0x8e: {  	[smem:$0x3FC2] =	sst s2  }
0x8f: {  	_ = 	snop  }
0x90: {  	s2 =	sld [smem:$0x3FC9];
	(tm) =	ssettm $0x1  }
0x91: {  	s18 =	sld [smem:$0x3FFB];
	_ =	sdelay $0x3  }
0x92: {  	_ =	strace s18  }
0x93: {  	s3 =	sld [smem:$0x3FFC];
	_ =	sdelay $0x3  }
0x94: {  	_ =	strace s3  }
0x95: {  	s3 =	sld [smem:$0x3FFD];
	_ =	sdelay $0x3  }
0x96: {  	_ =	strace s3  }
0x97: {  	_ =	strace $0x8FFFFFFF  }
0x98: {  	s19 =	sld [smem:$0x3FDB];
	_ =	sdelay $0x1  }
0x99: {  	s4 =	simm.s32 $_scs_section_size  }
0x9a: {  	s5 =	simm.s32 $_size__tile_overlayer_lowered;
	s6 =	simm.s32 $_tile_overlayer_lowered  }
0x9b: {  	s22 =	simm.s32 $0x1BFF;
	s21 =	sshll.u32 s6, $0x1;
	s3 =	sadd.s32 s4, s19  }
0x9c: {  	s7 =	simm.s32 $0x0;
	s20 =	sshll.u32 s5, $0x1;
	s5 =	sadd.s32 s21, s3  }
0x9d: {  	[timem:s7], [sflag:s22] =	dma.local [hbm:s5], s20  }
0x9e: {  	_ =	swait.ge [sflag:s22], s20  }
0x9f: {  	s4 =	ssub.s32 $0x0, s20;
	[sflag:s22] =	ssyncset.done $0x0  }
0xa0: {  	[sflag:s22] =	ssyncadd.s32 s4;
	_ =	sdelay $0x1  }
0xa1: {  	s23 =	simm.s32 $0x1B8B  }
0xa2: {  	_ =	swait.ge [sflag:s23], $0x1  }
0xa3: {  	[sflag:s23] =	ssyncset.done $0x0  }
0xa4: {  	s25 =	simm.s32 $0x1B8E;
	s24 =	sld [smem:$0x3FFE];
	[sflag:s23] =	ssyncadd.s32 $0xFFFFFFFF  }
0xa5: {  	s26 =	simm.s32 $execute0_lowered;
	[smem:$0x3FD2] =	sst s25  }
0xa6: {  	s5 =	sshll.u32 s26, $0x1;
	_ =	strace $0x80000046;
	[dreg:$0x1] =	wrdreg $0xFFFFFFFF  }
0xa7: {  	s28 =	simm.s32 $_size_execute0_lowered;
	s3 =	sadd.s32 s3, s5;
	[dreg:$0x0] =	wrdreg $0x0  }
0xa8: {  	s5 =	sshll.u32 s28, $0x1;
	[dreg:$0x2] =	wrdreg s3  }
0xa9: {  	[dreg:$0x3] =	wrdreg s5  }
0xaa: {  	[dreg:$0x4] =	wrdreg $0xC0  }
0xab: {  	_ =	task [dreg:s7], $0x5FFFF  }
0xac: {  	[dreg:$0x1] =	wrdreg $0xFFFFFFFF  }
0xad: {  	[dreg:$0x0] =	wrdreg $0x60  }
0xae: {  	[dreg:$0x2] =	wrdreg s2  }
0xaf: {  	[dreg:$0x3] =	wrdreg s24  }
0xb0: {  	[dreg:$0x4] =	wrdreg $0x9  }
0xb1: {  	_ =	task.clear_ibuf [dreg:s7], $0x5FFFF;
	_ =	strace $0x90000046  }
0xb2: {  	s29 =	simm.s32 $0x9;
	_ =	strace $0x80000048  }
0xb3: {  	_ =	swait.ge [sflag:s29], $0x1  }
0xb4: {  	[sflag:s29] =	ssyncadd.s32 $0xFFFFFFFF  }
0xb5: {  	_ =	strace $0x90000048  }
0xb6: {  	_ =	sfence  }
0xb7: {  	s30 =	sld [smem:$0x0];
	_ =	sdelay $0x2  }
0xb8: {  	s31 =	sshll.u32 s1, $0xD;
	s1 =	sshrl.u32 s1, $0x2  }
0xb9: {  	s3 =	sand.u32 $0x4000, s31;
	s1 =	sadd.s32 s1, s30  }
0xba: {  	s0 =	sor.u32 s3, s0;
	s1 =	sshll.u32 s1, $0x11  }
0xbb: {  	s0 =	sor.u32 s1, s0  }
0xbc: {  	s0 =	sadd.s32 $0x8F2B, s0  }
0xbd: {  	[sflag:s0] =	ssyncadd.remote.s32 $0x1  }
0xbe: {  	_ =	sfence.sel $0xFFFF  }
0xbf: {  	[dreg:$0x0] =	wrdreg $0xFFFFFFFF;
	(pc) =	sbr.abs _section_cstart, $3  }
0xc0: {  	[dreg:$0x1] =	wrdreg $0xFFFFFFFF  }
0xc1: {  	_ =	task.clear_ibuf [dreg:s7], $0x2FFFF;
	_ =	strace $0x9FFFFFFF  }
0xc2: {  	(tm) =	ssettm $0x7FFFFFFF  }
0xc3: {  	_ =	shalt  }
tec
execute0_lowered:
.L_overlay_start_1:
0x0: {  	(tag) =	ssettag $0x1  }
0x1: {  	s1 =	srdreg.scid  }
0x2: {  	s4 =	rddreg [dreg:$0x0];
	s0 =	stileid.u32  }
0x3: {  	s5 =	rddreg [dreg:$0x1];
	s2 =	simm.s32 $0x0;
	s26 =	simm.s32 $0xC000  }
0x4: {  	s8 =	simm.s32 $0xC080;
	s9 =	simm.s32 $0x1000;
	s10 =	simm.s32 $0x1800  }
0x5: {  	s11 =	simm.s32 $0x2000;
	s12 =	simm.s32 $0x2800;
	s13 =	simm.s32 $0x3000  }
0x6: {  	s14 =	simm.s32 $0x3800;
	s15 =	simm.s32 $0x4000;
	s16 =	simm.s32 $0x4800  }
0x7: {  	s17 =	simm.s32 $0x5000;
	s18 =	simm.s32 $0x5800;
	s19 =	simm.s32 $0x6000  }
0x8: {  	s20 =	simm.s32 $0x6800;
	s21 =	simm.s32 $0x7000;
	s22 =	simm.s32 $0x7800  }
0x9: {  	s28 =	simm.s32 $0xA000;
	s29 =	simm.s32 $0xA800;
	s30 =	simm.s32 $0xB000  }
0xa: {  	s31 =	simm.s32 $0xB800;
	s1 =	sand.u32 $0x1, s1;
	[smem:$0x7FF] =	sst s2  }
0xb: {  	s3 =	sshll.u32 s0, $0x4;
	_ =	strace $0x80000047;
	[dreg:$0x6] =	wrdreg s26  }
0xc: {  	s6 =	sshll.u32 s1, $0x3;
	s1 =	ssub.s32 $0x2, s1;
	[dreg:$0x7] =	wrdreg s8  }
0xd: {  	s26 =	simm.s32 $0x9800;
	s3 =	sor.u32 s6, s3;
	s23 =	sshrl.u32 s1, $0x1  }
0xe: {  	s6 =	smul.u32 $0x300, s3;
	s7 =	sadd.s32 s3, s5;
	s3 =	sadd.s32 $0x11000, s5  }
0xf: {  	s1 =	ssub.s32 s1, s23;
	s23 =	simm.s32 $0x8000;
	s24 =	sadd.s32 $0x10E00, s7  }
0x10: {  	s25 =	sadd.s32 $0x10C00, s7;
	s7 =	simm.s32 $0x2;
	[dreg:$0x4] =	wrdreg s24  }
0x11: {  	v2 =	vlaneseq.u32;
	s4 =	sadd.s32 s4, s6;
	[dreg:$0x5] =	wrdreg s25;
	s6 =	smax.u32 s1, $0x1  }
0x12: {  	vm0 =	vmmov $0xffff;
	v1 =	vshrl.u32 v2, $0x3;
	s24 =	simm.s32 $0x8800;
	s25 =	simm.s32 $0x9000;
	s1 =	simm.s32 $0x1  }
0x13: {  	v0 =	vand.u32 $0x7, v2;
	v2 =	vor.u32 $0x8, v2;
	v1 =	vmul.u32 $0x8, v1;
	[dreg:$0x3] =	wrdreg s4;
	s4 =	sadd.s32 $0x11100, s5;
	s5 =	sadd.s32 $0x11200, s5  }
.LBB2_1:
0x14: {  	s0 =	rddreg [dreg:$0x3]  }
0x15: {  	[tilespmem:s2], [sflag:$0x2] =	stream.linear.gather [hbm4b:s0+s2], $0xC000, $0x38;
	[tilespmem:$0xC100] =	vst v63  }
0x16: {  	_ =	swait.ge [sflag:s7], $0xC000  }
0x17: {  	s0 =	rddreg [dreg:$0x4];
	[sflag:s7] =	ssyncset.done $0x0  }
0x18: {  	s8 =	rddreg [dreg:$0x6];
	[sflag:s7] =	ssyncadd.s32 $0xFFFF4000  }
0x19: {  	[tilespmem:s8], [sflag:$0x2] =	stream.linear.gather [hbm4b:s0+s2], $0x40, $0x38;
	[tilespmem:$0xC100] =	vst v63  }
0x1a: {  	_ =	swait.ge [sflag:s7], $0x40  }
0x1b: {  	s0 =	rddreg [dreg:$0x5];
	[sflag:s7] =	ssyncset.done $0x0  }
0x1c: {  	s8 =	rddreg [dreg:$0x7];
	[sflag:s7] =	ssyncadd.s32 $0xFFFFFFC0  }
0x1d: {  	[tilespmem:s8], [sflag:$0x2] =	stream.linear.gather [hbm4b:s0+s2], $0x40, $0x38;
	[tilespmem:$0xC100] =	vst v63  }
0x1e: {  	_ =	swait.ge [sflag:s7], $0x40  }
0x1f: {  	[sflag:s7] =	ssyncset.done $0x0  }
0x20: {  	[sflag:s7] =	ssyncadd.s32 $0xFFFFFFC0  }
0x21: {  	v3 =	vld [tilespmem:$0xC000];
	_ =	sdelay $0x4  }
0x22: {  	v4 =	vshrl.u32 v3, $0x3  }
0x23: {  	v4 =	vmul.u32 $0x30, v4  }
0x24: {  	v3 =	vand.u32 $0x7, v3  }
0x25: {  	v3 =	vor.u32 v3, v4  }
0x26: {  	v4 =	vperm.xlane v3, v0;
	_ =	sdelay $0x1  }
0x27: {  	v4 =	vadd.s32 v1, v4;
	_ =	sdelay $0x3  }
0x28: {  	v3 =	vperm.xlane v3, v2  }
0x29: {  	[hbm4b:s3+s2] =	stream.indirect_vreg.scatter [tilespmem:s2], [sflag:$0x1], $0x80, v4, vm0, $0xb8;
	[tilespmem:$0xC100] =	vst v63  }
0x2a: {  	s8 =	simm.s32 $0x800;
	v3 =	vadd.s32 v1, v3  }
0x2b: {  	[hbm4b:s4+s2] =	stream.indirect_vreg.scatter [tilespmem:s8], [sflag:$0x1], $0x80, v4, vm0, $0xb8;
	[tilespmem:$0xC100] =	vst v63  }
0x2c: {  	_ = 	snop  }
0x2d: {  	[hbm4b:s5+s2] =	stream.indirect_vreg.scatter [tilespmem:s9], [sflag:$0x1], $0x80, v4, vm0, $0xb8;
	[tilespmem:$0xC100] =	vst v63  }
0x2e: {  	_ = 	snop  }
0x2f: {  	[hbm4b:s3+s2] =	stream.indirect_vreg.scatter [tilespmem:s10], [sflag:$0x1], $0x80, v3, vm0, $0xb8;
	[tilespmem:$0xC100] =	vst v63  }
0x30: {  	_ = 	snop  }
0x31: {  	[hbm4b:s4+s2] =	stream.indirect_vreg.scatter [tilespmem:s11], [sflag:$0x1], $0x80, v3, vm0, $0xb8;
	[tilespmem:$0xC100] =	vst v63  }
0x32: {  	_ = 	snop  }
0x33: {  	[hbm4b:s5+s2] =	stream.indirect_vreg.scatter [tilespmem:s12], [sflag:$0x1], $0x80, v3, vm0, $0xb8;
	[tilespmem:$0xC100] =	vst v63  }
0x34: {  	v3 =	vld [tilespmem:$0xC010];
	_ =	sdelay $0x4  }
0x35: {  	v57 =	vshrl.u32 v3, $0x3  }
0x36: {  	v4 =	vmul.u32 $0x30, v57  }
0x37: {  	v3 =	vand.u32 $0x7, v3  }
0x38: {  	v3 =	vor.u32 v3, v4  }
0x39: {  	v4 =	vperm.xlane v3, v0;
	_ =	sdelay $0x1  }
0x3a: {  	v4 =	vadd.s32 v1, v4;
	_ =	sdelay $0x3  }
0x3b: {  	v3 =	vperm.xlane v3, v2  }
0x3c: {  	[hbm4b:s3+s2] =	stream.indirect_vreg.scatter [tilespmem:s13], [sflag:$0x1], $0x80, v4, vm0, $0xb8;
	[tilespmem:$0xC100] =	vst v63  }
0x3d: {  	v3 =	vadd.s32 v1, v3  }
0x3e: {  	[hbm4b:s4+s2] =	stream.indirect_vreg.scatter [tilespmem:s14], [sflag:$0x1], $0x80, v4, vm0, $0xb8;
	[tilespmem:$0xC100] =	vst v63  }
0x3f: {  	_ = 	snop  }
0x40: {  	[hbm4b:s5+s2] =	stream.indirect_vreg.scatter [tilespmem:s15], [sflag:$0x1], $0x80, v4, vm0, $0xb8;
	[tilespmem:$0xC100] =	vst v63  }
0x41: {  	_ = 	snop  }
0x42: {  	[hbm4b:s3+s2] =	stream.indirect_vreg.scatter [tilespmem:s16], [sflag:$0x1], $0x80, v3, vm0, $0xb8;
	[tilespmem:$0xC100] =	vst v63  }
0x43: {  	_ = 	snop  }
0x44: {  	[hbm4b:s4+s2] =	stream.indirect_vreg.scatter [tilespmem:s17], [sflag:$0x1], $0x80, v3, vm0, $0xb8;
	[tilespmem:$0xC100] =	vst v63  }
0x45: {  	_ = 	snop  }
0x46: {  	[hbm4b:s5+s2] =	stream.indirect_vreg.scatter [tilespmem:s18], [sflag:$0x1], $0x80, v3, vm0, $0xb8;
	[tilespmem:$0xC100] =	vst v63  }
0x47: {  	v3 =	vld [tilespmem:$0xC020];
	_ =	sdelay $0x4  }
0x48: {  	v58 =	vshrl.u32 v3, $0x3  }
0x49: {  	v4 =	vmul.u32 $0x30, v58  }
0x4a: {  	v3 =	vand.u32 $0x7, v3  }
0x4b: {  	v3 =	vor.u32 v3, v4  }
0x4c: {  	v4 =	vperm.xlane v3, v0;
	_ =	sdelay $0x1  }
0x4d: {  	v4 =	vadd.s32 v1, v4;
	_ =	sdelay $0x3  }
0x4e: {  	v3 =	vperm.xlane v3, v2  }
0x4f: {  	[hbm4b:s3+s2] =	stream.indirect_vreg.scatter [tilespmem:s19], [sflag:$0x1], $0x80, v4, vm0, $0xb8;
	[tilespmem:$0xC100] =	vst v63  }
0x50: {  	v3 =	vadd.s32 v1, v3  }
0x51: {  	[hbm4b:s4+s2] =	stream.indirect_vreg.scatter [tilespmem:s20], [sflag:$0x1], $0x80, v4, vm0, $0xb8;
	[tilespmem:$0xC100] =	vst v63  }
0x52: {  	_ = 	snop  }
0x53: {  	[hbm4b:s5+s2] =	stream.indirect_vreg.scatter [tilespmem:s21], [sflag:$0x1], $0x80, v4, vm0, $0xb8;
	[tilespmem:$0xC100] =	vst v63  }
0x54: {  	_ = 	snop  }
0x55: {  	[hbm4b:s3+s2] =	stream.indirect_vreg.scatter [tilespmem:s22], [sflag:$0x1], $0x80, v3, vm0, $0xb8;
	[tilespmem:$0xC100] =	vst v63  }
0x56: {  	_ = 	snop  }
0x57: {  	[hbm4b:s4+s2] =	stream.indirect_vreg.scatter [tilespmem:s23], [sflag:$0x1], $0x80, v3, vm0, $0xb8;
	[tilespmem:$0xC100] =	vst v63  }
0x58: {  	_ = 	snop  }
0x59: {  	[hbm4b:s5+s2] =	stream.indirect_vreg.scatter [tilespmem:s24], [sflag:$0x1], $0x80, v3, vm0, $0xb8;
	[tilespmem:$0xC100] =	vst v63  }
0x5a: {  	v3 =	vld [tilespmem:$0xC030];
	_ =	sdelay $0x4  }
0x5b: {  	v59 =	vshrl.u32 v3, $0x3  }
0x5c: {  	v4 =	vmul.u32 $0x30, v59  }
0x5d: {  	v3 =	vand.u32 $0x7, v3  }
0x5e: {  	v3 =	vor.u32 v3, v4  }
0x5f: {  	v4 =	vperm.xlane v3, v0;
	_ =	sdelay $0x1  }
0x60: {  	v4 =	vadd.s32 v1, v4;
	_ =	sdelay $0x3  }
0x61: {  	v3 =	vperm.xlane v3, v2  }
0x62: {  	[hbm4b:s3+s2] =	stream.indirect_vreg.scatter [tilespmem:s25], [sflag:$0x1], $0x80, v4, vm0, $0xb8;
	[tilespmem:$0xC100] =	vst v63  }
0x63: {  	v3 =	vadd.s32 v1, v3  }
0x64: {  	[hbm4b:s4+s2] =	stream.indirect_vreg.scatter [tilespmem:s26], [sflag:$0x1], $0x80, v4, vm0, $0xb8;
	[tilespmem:$0xC100] =	vst v63  }
0x65: {  	_ = 	snop  }
0x66: {  	[hbm4b:s5+s2] =	stream.indirect_vreg.scatter [tilespmem:s28], [sflag:$0x1], $0x80, v4, vm0, $0xb8;
	[tilespmem:$0xC100] =	vst v63  }
0x67: {  	_ = 	snop  }
0x68: {  	[hbm4b:s3+s2] =	stream.indirect_vreg.scatter [tilespmem:s29], [sflag:$0x1], $0x80, v3, vm0, $0xb8;
	[tilespmem:$0xC100] =	vst v63  }
0x69: {  	_ = 	snop  }
0x6a: {  	[hbm4b:s4+s2] =	stream.indirect_vreg.scatter [tilespmem:s30], [sflag:$0x1], $0x80, v3, vm0, $0xb8;
	[tilespmem:$0xC100] =	vst v63  }
0x6b: {  	_ = 	snop  }
0x6c: {  	[hbm4b:s5+s2] =	stream.indirect_vreg.scatter [tilespmem:s31], [sflag:$0x1], $0x80, v3, vm0, $0xb8;
	[tilespmem:$0xC100] =	vst v63  }
0x6d: {  	v3 =	vld [tilespmem:$0xC080];
	_ =	sdelay $0x4  }
0x6e: {  	v60 =	vshrl.u32 v3, $0x3  }
0x6f: {  	v4 =	vmul.u32 $0x30, v60  }
0x70: {  	v3 =	vand.u32 $0x7, v3  }
0x71: {  	v3 =	vor.u32 v3, v4  }
0x72: {  	v4 =	vperm.xlane v3, v0;
	_ =	sdelay $0x1  }
0x73: {  	v4 =	vadd.s32 v1, v4;
	_ =	sdelay $0x3  }
0x74: {  	v3 =	vperm.xlane v3, v2  }
0x75: {  	[hbm4b:s3+s2] =	stream.indirect_vreg.scatter [tilespmem:s2], [sflag:$0x1], $0x80, v4, vm0, $0xb8;
	[tilespmem:$0xC100] =	vst v63  }
0x76: {  	v3 =	vadd.s32 v1, v3  }
0x77: {  	[hbm4b:s4+s2] =	stream.indirect_vreg.scatter [tilespmem:s8], [sflag:$0x1], $0x80, v4, vm0, $0xb8;
	[tilespmem:$0xC100] =	vst v63  }
0x78: {  	_ = 	snop  }
0x79: {  	[hbm4b:s5+s2] =	stream.indirect_vreg.scatter [tilespmem:s9], [sflag:$0x1], $0x80, v4, vm0, $0xb8;
	[tilespmem:$0xC100] =	vst v63  }
0x7a: {  	_ = 	snop  }
0x7b: {  	[hbm4b:s3+s2] =	stream.indirect_vreg.scatter [tilespmem:s10], [sflag:$0x1], $0x80, v3, vm0, $0xb8;
	[tilespmem:$0xC100] =	vst v63  }
0x7c: {  	_ = 	snop  }
0x7d: {  	[hbm4b:s4+s2] =	stream.indirect_vreg.scatter [tilespmem:s11], [sflag:$0x1], $0x80, v3, vm0, $0xb8;
	[tilespmem:$0xC100] =	vst v63  }
0x7e: {  	_ = 	snop  }
0x7f: {  	[hbm4b:s5+s2] =	stream.indirect_vreg.scatter [tilespmem:s12], [sflag:$0x1], $0x80, v3, vm0, $0xb8;
	[tilespmem:$0xC100] =	vst v63  }
0x80: {  	v3 =	vld [tilespmem:$0xC090];
	_ =	sdelay $0x4  }
0x81: {  	v61 =	vshrl.u32 v3, $0x3  }
0x82: {  	v4 =	vmul.u32 $0x30, v61  }
0x83: {  	v3 =	vand.u32 $0x7, v3  }
0x84: {  	v3 =	vor.u32 v3, v4  }
0x85: {  	v4 =	vperm.xlane v3, v0;
	_ =	sdelay $0x1  }
0x86: {  	v4 =	vadd.s32 v1, v4;
	_ =	sdelay $0x3  }
0x87: {  	v3 =	vperm.xlane v3, v2  }
0x88: {  	[hbm4b:s3+s2] =	stream.indirect_vreg.scatter [tilespmem:s13], [sflag:$0x1], $0x80, v4, vm0, $0xb8;
	[tilespmem:$0xC100] =	vst v63  }
0x89: {  	v3 =	vadd.s32 v1, v3  }
0x8a: {  	[hbm4b:s4+s2] =	stream.indirect_vreg.scatter [tilespmem:s14], [sflag:$0x1], $0x80, v4, vm0, $0xb8;
	[tilespmem:$0xC100] =	vst v63  }
0x8b: {  	_ = 	snop  }
0x8c: {  	[hbm4b:s5+s2] =	stream.indirect_vreg.scatter [tilespmem:s15], [sflag:$0x1], $0x80, v4, vm0, $0xb8;
	[tilespmem:$0xC100] =	vst v63  }
0x8d: {  	_ = 	snop  }
0x8e: {  	[hbm4b:s3+s2] =	stream.indirect_vreg.scatter [tilespmem:s16], [sflag:$0x1], $0x80, v3, vm0, $0xb8;
	[tilespmem:$0xC100] =	vst v63  }
0x8f: {  	_ = 	snop  }
0x90: {  	[hbm4b:s4+s2] =	stream.indirect_vreg.scatter [tilespmem:s17], [sflag:$0x1], $0x80, v3, vm0, $0xb8;
	[tilespmem:$0xC100] =	vst v63  }
0x91: {  	_ = 	snop  }
0x92: {  	[hbm4b:s5+s2] =	stream.indirect_vreg.scatter [tilespmem:s18], [sflag:$0x1], $0x80, v3, vm0, $0xb8;
	[tilespmem:$0xC100] =	vst v63  }
0x93: {  	v3 =	vld [tilespmem:$0xC0A0];
	_ =	sdelay $0x4  }
0x94: {  	v62 =	vshrl.u32 v3, $0x3  }
0x95: {  	v4 =	vmul.u32 $0x30, v62  }
0x96: {  	v3 =	vand.u32 $0x7, v3  }
0x97: {  	v3 =	vor.u32 v3, v4  }
0x98: {  	v4 =	vperm.xlane v3, v0;
	_ =	sdelay $0x1  }
0x99: {  	v4 =	vadd.s32 v1, v4;
	_ =	sdelay $0x3  }
0x9a: {  	v3 =	vperm.xlane v3, v2  }
0x9b: {  	[hbm4b:s3+s2] =	stream.indirect_vreg.scatter [tilespmem:s19], [sflag:$0x1], $0x80, v4, vm0, $0xb8;
	[tilespmem:$0xC100] =	vst v63  }
0x9c: {  	v3 =	vadd.s32 v1, v3  }
0x9d: {  	[hbm4b:s4+s2] =	stream.indirect_vreg.scatter [tilespmem:s20], [sflag:$0x1], $0x80, v4, vm0, $0xb8;
	[tilespmem:$0xC100] =	vst v63  }
0x9e: {  	_ = 	snop  }
0x9f: {  	[hbm4b:s5+s2] =	stream.indirect_vreg.scatter [tilespmem:s21], [sflag:$0x1], $0x80, v4, vm0, $0xb8;
	[tilespmem:$0xC100] =	vst v63  }
0xa0: {  	_ = 	snop  }
0xa1: {  	[hbm4b:s3+s2] =	stream.indirect_vreg.scatter [tilespmem:s22], [sflag:$0x1], $0x80, v3, vm0, $0xb8;
	[tilespmem:$0xC100] =	vst v63  }
0xa2: {  	_ = 	snop  }
0xa3: {  	[hbm4b:s4+s2] =	stream.indirect_vreg.scatter [tilespmem:s23], [sflag:$0x1], $0x80, v3, vm0, $0xb8;
	[tilespmem:$0xC100] =	vst v63  }
0xa4: {  	_ = 	snop  }
0xa5: {  	[hbm4b:s5+s2] =	stream.indirect_vreg.scatter [tilespmem:s24], [sflag:$0x1], $0x80, v3, vm0, $0xb8;
	[tilespmem:$0xC100] =	vst v63  }
0xa6: {  	v3 =	vld [tilespmem:$0xC0B0];
	_ =	sdelay $0x4  }
0xa7: {  	v63 =	vshrl.u32 v3, $0x3  }
0xa8: {  	v4 =	vmul.u32 $0x30, v63  }
0xa9: {  	v3 =	vand.u32 $0x7, v3  }
0xaa: {  	v3 =	vor.u32 v3, v4  }
0xab: {  	v4 =	vperm.xlane v3, v0;
	_ =	sdelay $0x1  }
0xac: {  	v4 =	vadd.s32 v1, v4;
	_ =	sdelay $0x3  }
0xad: {  	v3 =	vperm.xlane v3, v2  }
0xae: {  	[hbm4b:s3+s2] =	stream.indirect_vreg.scatter [tilespmem:s25], [sflag:$0x1], $0x80, v4, vm0, $0xb8;
	[tilespmem:$0xC100] =	vst v63  }
0xaf: {  	v3 =	vadd.s32 v1, v3  }
0xb0: {  	[hbm4b:s4+s2] =	stream.indirect_vreg.scatter [tilespmem:s26], [sflag:$0x1], $0x80, v4, vm0, $0xb8;
	[tilespmem:$0xC100] =	vst v63  }
0xb1: {  	_ = 	snop  }
0xb2: {  	[hbm4b:s5+s2] =	stream.indirect_vreg.scatter [tilespmem:s28], [sflag:$0x1], $0x80, v4, vm0, $0xb8;
	[tilespmem:$0xC100] =	vst v63  }
0xb3: {  	_ = 	snop  }
0xb4: {  	[hbm4b:s3+s2] =	stream.indirect_vreg.scatter [tilespmem:s29], [sflag:$0x1], $0x80, v3, vm0, $0xb8;
	[tilespmem:$0xC100] =	vst v63  }
0xb5: {  	_ = 	snop  }
0xb6: {  	[hbm4b:s4+s2] =	stream.indirect_vreg.scatter [tilespmem:s30], [sflag:$0x1], $0x80, v3, vm0, $0xb8;
	[tilespmem:$0xC100] =	vst v63  }
0xb7: {  	_ = 	snop  }
0xb8: {  	[hbm4b:s5+s2] =	stream.indirect_vreg.scatter [tilespmem:s31], [sflag:$0x1], $0x80, v3, vm0, $0xb8;
	[tilespmem:$0xC100] =	vst v63  }
0xb9: {  	p0 =	sne.s32 s6, $0x1;
	_ =	swait.ge [sflag:s1], $0xC000  }
.Ltmp0:
0xba: {  	[sflag:s1] =	ssyncset.done $0x0;
	(pc) =	sbr.rel @p0 .LBB2_1-.Ltmp0, $4  }
0xbb: {  	[sflag:s1] =	ssyncadd.s32 $0xFFFF4000  }
0xbc: {  	_ =	swait.ge [sflag:s1], $0xC000  }
0xbd: {  	[sflag:s1] =	ssyncset.done $0x0  }
0xbe: {  	s6 =	sadd.s32 $0xFFFFFFFF, s6;
	[sflag:s1] =	ssyncadd.s32 $0xFFFF4000  }
0xbf: {  	_ =	sfence.sel $0x180000  }
0xc0: {  	[bflag:$0x0] =	sbarrier.arrive $0xFFFF  }
0xc1: {  	_ =	strace $0x90000047  }
0xc2: {  	s0 =	stileid.u32;
	[bflag:$0x2] =	sbarrier.arrive $0xFFFF  }
0xc3: {  	p0 =	sne.s32 s0, $0x0;
	s0 =	rddreg [dreg:$0x2]  }
0xc4: {  	s0 =	sadd.s32 @!p0 $0x100000, s0  }
0xc5: {  	[sflag:s0] =	ssyncadd.tile.s32 @!p0 $0x1;
	_ =	shalt  }
.Lfunc_end2:
_tile_overlayer_lowered:
.L_overlay_start_2:
0xc6: {  	(tag) =	ssettag $0x2  }
0xc7: {  	s0 =	rddreg [dreg:$0x0];
	s2 =	stileid.u32  }
0xc8: {  	s1 =	rddreg [dreg:$0x1];
	p0 =	sne.s32 s2, $0x0  }
0xc9: {  	s3 =	rddreg [dreg:$0x2];
	[bflag:$0x3] =	sbarrier.arrive $0xFFFF;
	s2 =	simm.s32 @!p0 $0x1C02  }
0xca: {  	[timem:s3], [sflag:s2] =	dma.local @!p0 [hbm:s0], s1  }
0xcb: {  	s0 =	simm.s32 @!p0 $0x2  }
0xcc: {  	_ =	swait.ge @!p0 [sflag:s0], s1  }
0xcd: {  	s1 =	ssub.s32 @!p0 $0x0, s1;
	[sflag:s0] =	ssyncset.done @!p0 $0x0  }
0xce: {  	[sflag:s0] =	ssyncadd.s32 @!p0 s1  }
0xcf: {  	[bflag:$0x3] =	sbarrier.arrive $0xFFFF  }
0xd0: {  	_ =	shalt  }

// kernel: kernel.9.cloned.1.call-start
scs
__scs_entry_jumppad:
0x0: {  	(pc) =	sbr.rel $0x88, $3  }
0x1: {  	(tag) =	ssettag $0x0;
	lr =	simm.s32 $0x1  }
0x2: {  	[smem:$0x3F9B] =	sst lr;
	_ =	strace $0xD0000000  }
0x3: {  	_ = 	snop  }
0x4: {  	_ = 	snop  }
0x5: {  	_ = 	snop  }
0x6: {  	_ = 	snop  }
0x7: {  	_ = 	snop  }
__scs_overlays_trampoline_lowered:
0x8: {  	[smem:$0x3FAA] =	sst s0  }
0x9: {  	[smem:$0x3FAB] =	sst s1  }
0xa: {  	[smem:$0x3FAC] =	sst s2  }
0xb: {  	[smem:$0x3FAD] =	sst s3  }
0xc: {  	[smem:$0x3FAE] =	sst s4  }
0xd: {  	[smem:$0x3FAF] =	sst s5  }
0xe: {  	[smem:$0x3FB0] =	sst s6  }
0xf: {  	[smem:$0x3FB1] =	sst s7  }
0x10: {  	[smem:$0x3FB2] =	sst s8  }
0x11: {  	[smem:$0x3FB3] =	sst s9;
	s0 =	simm.s32 @!p0 $0x0  }
0x12: {  	s1 =	sld [smem:$0x3F99];
	s0 =	simm.s32 @p0 $0x1  }
0x13: {  	[smem:$0x3FB4] =	sst s0;
	s0 =	simm.s32 @!p1 $0x0  }
0x14: {  	s2 =	sld [smem:$0x3F98];
	s0 =	simm.s32 @p1 $0x1  }
0x15: {  	[smem:$0x3FB5] =	sst s0;
	s0 =	simm.s32 @!p2 $0x0  }
0x16: {  	s3 =	sld [smem:$0x3FDB];
	s0 =	simm.s32 @p2 $0x1  }
0x17: {  	s4 =	simm.s32 $0x1BF5;
	[smem:$0x3FB7] =	sst s0  }
0x18: {  	s0 =	sld [smem:$0x3F9A];
	_ =	swait.ge [sflag:s4], $0x0  }
0x19: {  	s7 =	sld [smem:$0x3F9B]  }
0x1a: {  	s8 =	sadd.s32 $0xFFFFE003, lr  }
0x1b: {  	s9 =	sadd.s32 $0xFFFFFEF7, lr;
	s5 =	simm.s32 $0xFFFFFFFF;
	p2 =	slt.u32 s8, $0xFFFFF086  }
0x1c: {  	p1 =	slt.u32 s9, $0xF7A;
	s5 =	simm.s32 @!p2 $0x0  }
0x1d: {  	s5 =	simm.s32 @p1 $0x1;
	p0 =	seq.s32 s7, s2  }
0x1e: {  	s7 =	smul.u32 @!p0 $0xF7A, s2;
	p2 =	seq.s32 @!p0 s5, $0x0  }
0x1f: {  	s9 =	smul.u32 $0xF7A, s1;
	s8 =	simm.s32 @!p0 $0x1BF5;
	p2 =	por !p2, p0  }
0x20: {  	[sflag:s8] =	ssyncset.s32 @!p0 $0xFFFFF086;
	s6 =	sadd.s32 @!p0 s3, s7;
	s7 =	simm.s32 @!p0 $0x108  }
0x21: {  	s3 =	sadd.s32 s3, s9;
	s6 =	sadd.s32 @!p0 $0x88, s6;
	s7 =	simm.s32 @p2 $0x1082  }
0x22: {  	[simem:s7], [sflag:s8] =	dma.local @!p0 [hbm:s6], $0xF7A  }
0x23: {  	s9 =	sor.u32 $0xD0000000, s2;
	s6 =	simm.s32 $0x108;
	_ =	swait.ge @!p0 [sflag:s8], $0x0  }
0x24: {  	s3 =	sadd.s32 $0x88, s3;
	s6 =	simm.s32 @!p1 $0x1082;
	[sflag:s4] =	ssyncset.s32 $0xFFFFF086  }
0x25: {  	[simem:s6], [sflag:s4] =	dma.local [hbm:s3], $0xF7A  }
0x26: {  	[smem:$0x3F9B] =	sst s1;
	(tag) =	ssettag s2;
	_ =	strace s9  }
0x27: {  	s1 =	sld [smem:$0x3FAB]  }
0x28: {  	s2 =	sld [smem:$0x3FAC]  }
0x29: {  	s4 =	sld [smem:$0x3FAE]  }
0x2a: {  	p0 =	seq.s32 s5, $0x0;
	s5 =	sld [smem:$0x3FAF]  }
0x2b: {  	s6 =	sld [smem:$0x3FB0]  }
0x2c: {  	s7 =	sld [smem:$0x3FB1]  }
0x2d: {  	s3 =	simm.s32 $0x108;
	s8 =	sld [smem:$0x3FB2]  }
0x2e: {  	s3 =	simm.s32 @!p0 $0x1082;
	s9 =	sld [smem:$0x3FB3]  }
0x2f: {  	lr =	sadd.s32 s0, s3;
	s0 =	sld [smem:$0x3FAA]  }
0x30: {  	s3 =	sld [smem:$0x3FAD]  }
0x31: {  	[smem:$0x3FB6] =	sst s10  }
0x32: {  	s10 =	sld [smem:$0x3FB4];
	_ =	sdelay $0x3  }
0x33: {  	p0 =	seq.s32 s10, $0x1;
	s10 =	sld [smem:$0x3FB6];
	_ =	sdelay $0x3  }
0x34: {  	[smem:$0x3FB6] =	sst s10  }
0x35: {  	s10 =	sld [smem:$0x3FB5];
	_ =	sdelay $0x3  }
0x36: {  	p1 =	seq.s32 s10, $0x1;
	s10 =	sld [smem:$0x3FB6];
	_ =	sdelay $0x3  }
0x37: {  	[smem:$0x3FB6] =	sst s10  }
0x38: {  	s10 =	sld [smem:$0x3FB7]  }
0x39: {  	_ = 	snop;
	(pc) =	sbr.ind lr, $3  }
0x3a: {  	_ = 	snop  }
0x3b: {  	_ = 	snop  }
0x3c: {  	p2 =	seq.s32 s10, $0x1;
	s10 =	sld [smem:$0x3FB6]  }
0x3d: {  	_ =	shalt  }
0x3e: {  	_ =	shalt  }
0x3f: {  	_ =	shalt  }
0x40: {  	_ =	shalt  }
0x41: {  	_ =	shalt  }
0x42: {  	_ =	shalt  }
0x43: {  	_ =	shalt  }
0x44: {  	_ =	shalt  }
0x45: {  	_ =	shalt  }
0x46: {  	_ =	shalt  }
0x47: {  	_ =	shalt  }
0x48: {  	_ =	shalt  }
0x49: {  	_ =	shalt  }
0x4a: {  	_ =	shalt  }
0x4b: {  	_ =	shalt  }
0x4c: {  	_ =	shalt  }
0x4d: {  	_ =	shalt  }
0x4e: {  	_ =	shalt  }
0x4f: {  	_ =	shalt  }
0x50: {  	_ =	shalt  }
0x51: {  	_ =	shalt  }
0x52: {  	_ =	shalt  }
0x53: {  	_ =	shalt  }
0x54: {  	_ =	shalt  }
0x55: {  	_ =	shalt  }
0x56: {  	_ =	shalt  }
0x57: {  	_ =	shalt  }
0x58: {  	_ =	shalt  }
0x59: {  	_ =	shalt  }
0x5a: {  	_ =	shalt  }
0x5b: {  	_ =	shalt  }
0x5c: {  	_ =	shalt  }
0x5d: {  	_ =	shalt  }
0x5e: {  	_ =	shalt  }
0x5f: {  	_ =	shalt  }
0x60: {  	_ =	shalt  }
0x61: {  	_ =	shalt  }
0x62: {  	_ =	shalt  }
0x63: {  	_ =	shalt  }
0x64: {  	_ =	shalt  }
0x65: {  	_ =	shalt  }
0x66: {  	_ =	shalt  }
0x67: {  	_ =	shalt  }
0x68: {  	_ =	shalt  }
0x69: {  	_ =	shalt  }
0x6a: {  	_ =	shalt  }
0x6b: {  	_ =	shalt  }
0x6c: {  	_ =	shalt  }
0x6d: {  	_ =	shalt  }
0x6e: {  	_ =	shalt  }
0x6f: {  	_ =	shalt  }
0x70: {  	_ =	shalt  }
0x71: {  	_ =	shalt  }
0x72: {  	_ =	shalt  }
0x73: {  	_ =	shalt  }
0x74: {  	_ =	shalt  }
0x75: {  	_ =	shalt  }
0x76: {  	_ =	shalt  }
0x77: {  	_ =	shalt  }
0x78: {  	_ =	shalt  }
0x79: {  	_ =	shalt  }
0x7a: {  	_ =	shalt  }
0x7b: {  	_ =	shalt  }
0x7c: {  	_ =	shalt  }
0x7d: {  	_ =	shalt  }
0x7e: {  	_ =	shalt  }
0x7f: {  	_ =	shalt  }
0x80: {  	_ =	shalt  }
0x81: {  	_ =	shalt  }
0x82: {  	_ =	shalt  }
0x83: {  	_ =	shalt  }
0x84: {  	_ =	shalt  }
0x85: {  	_ =	shalt  }
0x86: {  	_ =	shalt  }
0x87: {  	_ =	shalt  }
.Lfunc_end0:
.L_simem_size_0:
called_computation.1_lowered:
.L_overlay_start_0:
0x88: {  	s2 =	sld [smem:$0x3FD9]  }
0x89: {  	s3 =	sld [smem:$0x3FFE];
	_ =	sdelay $0x1  }
0x8a: {  	s1 =	srdreg.scid  }
0x8b: {  	s0 =	sand.u32 $0x1, s1  }
0x8c: {  	s14 =	sshll.u32 s0, $0xA;
	s2 =	sadd.s32 s3, s2  }
0x8d: {  	s2 =	sadd.s32 s2, s14  }
0x8e: {  	[smem:$0x3FC2] =	sst s2  }
0x8f: {  	_ = 	snop  }
0x90: {  	s2 =	sld [smem:$0x3FD0];
	_ =	sdelay $0x2  }
0x91: {  	s15 =	simm.s32 $0xA;
	s4 =	simm.s32 $0x10  }
0x92: {  	[smem:s4], [sflag:s15] =	dma.local [hbm:s2], $0x1  }
0x93: {  	_ =	swait.eq [sflag:s15], $0x1  }
0x94: {  	[sflag:s15] =	ssyncset.done $0x0  }
0x95: {  	[sflag:s15] =	ssyncadd.s32 $0xFFFFFFFF  }
0x96: {  	s16 =	sld [smem:$0x10];
	(tm) =	ssettm $0x1  }
0x97: {  	s17 =	sld [smem:$0x3FFB];
	_ =	sdelay $0x3  }
0x98: {  	_ =	strace s17  }
0x99: {  	s3 =	sld [smem:$0x3FFC];
	_ =	sdelay $0x3  }
0x9a: {  	_ =	strace s3  }
0x9b: {  	s3 =	sld [smem:$0x3FFD];
	_ =	sdelay $0x3  }
0x9c: {  	_ =	strace s3  }
0x9d: {  	_ =	strace $0x8FFFFFFF  }
0x9e: {  	s18 =	sld [smem:$0x3FDB];
	_ =	sdelay $0x1  }
0x9f: {  	s19 =	simm.s32 $_scs_section_size  }
0xa0: {  	s5 =	simm.s32 $_size__tile_overlayer_lowered;
	s6 =	simm.s32 $_tile_overlayer_lowered  }
0xa1: {  	s22 =	simm.s32 $0x1BFF;
	s21 =	sshll.u32 s6, $0x1;
	s3 =	sadd.s32 s19, s18  }
0xa2: {  	s7 =	simm.s32 $0x0;
	s20 =	sshll.u32 s5, $0x1;
	s5 =	sadd.s32 s21, s3  }
0xa3: {  	[timem:s7], [sflag:s22] =	dma.local [hbm:s5], s20  }
0xa4: {  	_ =	swait.ge [sflag:s22], s20  }
0xa5: {  	s4 =	ssub.s32 $0x0, s20;
	[sflag:s22] =	ssyncset.done $0x0  }
0xa6: {  	[sflag:s22] =	ssyncadd.s32 s4;
	_ =	sdelay $0x1  }
0xa7: {  	s23 =	simm.s32 $0x1B8B  }
0xa8: {  	_ =	swait.ge [sflag:s23], $0x1  }
0xa9: {  	[sflag:s23] =	ssyncset.done $0x0  }
0xaa: {  	s25 =	simm.s32 $0x1B8E;
	s24 =	sld [smem:$0x3FFE];
	[sflag:s23] =	ssyncadd.s32 $0xFFFFFFFF  }
0xab: {  	s26 =	simm.s32 $execute0_lowered;
	[smem:$0x3FD2] =	sst s25  }
0xac: {  	s5 =	sshll.u32 s26, $0x1;
	_ =	strace $0x80000049;
	[dreg:$0x1] =	wrdreg $0xFFFFFFFF  }
0xad: {  	s28 =	simm.s32 $_size_execute0_lowered;
	s3 =	sadd.s32 s3, s5;
	[dreg:$0x0] =	wrdreg $0x0  }
0xae: {  	s5 =	sshll.u32 s28, $0x1;
	[dreg:$0x2] =	wrdreg s3  }
0xaf: {  	[dreg:$0x3] =	wrdreg s5  }
0xb0: {  	[dreg:$0x4] =	wrdreg $0xC0  }
0xb1: {  	_ =	task [dreg:s7], $0x5FFFF  }
0xb2: {  	[dreg:$0x1] =	wrdreg $0xFFFFFFFF  }
0xb3: {  	[dreg:$0x0] =	wrdreg $0x60  }
0xb4: {  	[dreg:$0x2] =	wrdreg s24  }
0xb5: {  	[dreg:$0x3] =	wrdreg s16  }
0xb6: {  	[dreg:$0x4] =	wrdreg $0x9  }
0xb7: {  	_ =	task.clear_ibuf [dreg:s7], $0x5FFFF;
	_ =	strace $0x90000049  }
0xb8: {  	s29 =	simm.s32 $0x9;
	_ =	strace $0x8000004B  }
0xb9: {  	_ =	swait.ge [sflag:s29], $0x1  }
0xba: {  	[sflag:s29] =	ssyncadd.s32 $0xFFFFFFFF  }
0xbb: {  	_ =	strace $0x9000004B  }
0xbc: {  	_ =	sfence  }
0xbd: {  	s30 =	sld [smem:$0x0];
	_ =	sdelay $0x2  }
0xbe: {  	s31 =	sshll.u32 s1, $0xD;
	s1 =	sshrl.u32 s1, $0x2  }
0xbf: {  	s3 =	sand.u32 $0x4000, s31;
	s1 =	sadd.s32 s1, s30  }
0xc0: {  	s0 =	sor.u32 s3, s0;
	s1 =	sshll.u32 s1, $0x11  }
0xc1: {  	s0 =	sor.u32 s1, s0  }
0xc2: {  	s0 =	sadd.s32 $0x8F2B, s0  }
0xc3: {  	[sflag:s0] =	ssyncadd.remote.s32 $0x1  }
0xc4: {  	_ =	sfence.sel $0xFFFF  }
0xc5: {  	[dreg:$0x0] =	wrdreg $0xFFFFFFFF;
	(pc) =	sbr.abs _section_cstart, $3  }
0xc6: {  	[dreg:$0x1] =	wrdreg $0xFFFFFFFF  }
0xc7: {  	_ =	task.clear_ibuf [dreg:s7], $0x2FFFF;
	_ =	strace $0x9FFFFFFF  }
0xc8: {  	(tm) =	ssettm $0x7FFFFFFF  }
0xc9: {  	_ =	shalt  }
tec
execute0_lowered:
.L_overlay_start_1:
0x0: {  	(tag) =	ssettag $0x1  }
0x1: {  	s0 =	rddreg [dreg:$0x0]  }
0x2: {  	s1 =	rddreg [dreg:$0x1];
	s2 =	simm.s32 $0x0  }
0x3: {  	s3 =	srdreg.scid;
	s5 =	stileid.u32;
	s13 =	simm.s32 $0x2  }
0x4: {  	s22 =	simm.s32 $0x17000;
	s23 =	simm.s32 $0x17800;
	s24 =	simm.s32 $0x1  }
0x5: {  	s25 =	simm.s32 $0x0;
	[smem:$0x7FF] =	sst s2;
	s4 =	sand.u32 $0x1, s3  }
0x6: {  	s5 =	sshll.u32 s5, $0x7;
	s3 =	sadd.s32 $0xD1000, s0;
	s6 =	sshll.u32 s4, $0x6  }
0x7: {  	_ =	strace $0x8000004A;
	s4 =	ssub.s32 $0x2, s4;
	s5 =	sor.u32 s6, s5  }
0x8: {  	s7 =	sshrl.u32 s4, $0x1;
	s6 =	sshrl.u32 s5, $0x3;
	s5 =	sshll.u32 s5, $0x4  }
0x9: {  	s11 =	ssub.s32 s4, s7;
	s8 =	sadd.s32 s6, s0;
	s9 =	sadd.s32 s5, s0  }
0xa: {  	v2 =	vlaneseq.u32;
	s10 =	smul.u32 $0x300, s6;
	s11 =	smax.u32 s11, $0x1;
	s4 =	sadd.s32 $0x10E00, s8  }
0xb: {  	vm0 =	vmmov $0xffff;
	v1 =	vshrl.u32 v2, $0x3;
	s5 =	sadd.s32 $0x10C00, s8;
	s6 =	sadd.s32 $0xC00, s9;
	s7 =	sadd.s32 $0x8C00, s9  }
0xc: {  	v0 =	vand.u32 $0x7, v2;
	v2 =	vor.u32 $0x8, v2;
	v1 =	vmul.u32 $0x8, v1;
	s8 =	sadd.s32 $0xD1100, s0;
	s9 =	sadd.s32 $0xD1200, s0;
	s10 =	sadd.s32 s1, s10  }
.LBB2_1:
0xd: {  	s0 =	simm.s32 $0x18000  }
0xe: {  	[tilespmem:s0], [sflag:$0x2] =	stream.linear.gather [hbm4b:s4+s2], $0x40, $0x38;
	[tilespmem:$0x1C100] =	vst v63  }
0xf: {  	_ =	swait.ge [sflag:s13], $0x40  }
0x10: {  	[sflag:s13] =	ssyncset.done $0x0  }
0x11: {  	s1 =	simm.s32 $0x18080;
	[sflag:s13] =	ssyncadd.s32 $0xFFFFFFC0  }
0x12: {  	[tilespmem:s1], [sflag:$0x2] =	stream.linear.gather [hbm4b:s5+s2], $0x40, $0x38;
	[tilespmem:$0x1C100] =	vst v63  }
0x13: {  	_ =	swait.ge [sflag:s13], $0x40  }
0x14: {  	[sflag:s13] =	ssyncset.done $0x0  }
0x15: {  	s12 =	simm.s32 $0x18100;
	[sflag:s13] =	ssyncadd.s32 $0xFFFFFFC0  }
0x16: {  	[tilespmem:s12], [sflag:$0x2] =	stream.linear.gather [hbm4b:s6+s2], $0x2000, $0x38;
	[tilespmem:$0x1C100] =	vst v63  }
0x17: {  	_ =	swait.ge [sflag:s13], $0x2000  }
0x18: {  	[sflag:s13] =	ssyncset.done $0x0  }
0x19: {  	s14 =	simm.s32 $0x1A100;
	[sflag:s13] =	ssyncadd.s32 $0xFFFFE000  }
0x1a: {  	[tilespmem:s14], [sflag:$0x2] =	stream.linear.gather [hbm4b:s7+s2], $0x2000, $0x38;
	[tilespmem:$0x1C100] =	vst v63  }
0x1b: {  	_ =	swait.ge [sflag:s13], $0x2000  }
0x1c: {  	[sflag:s13] =	ssyncset.done $0x0  }
0x1d: {  	[sflag:s13] =	ssyncadd.s32 $0xFFFFE000  }
0x1e: {  	v3 =	vld [tilespmem:$0x18000];
	_ =	sdelay $0x4  }
0x1f: {  	v4 =	vshrl.u32 v3, $0x3  }
0x20: {  	v4 =	vmul.u32 $0x30, v4  }
0x21: {  	v3 =	vand.u32 $0x7, v3  }
0x22: {  	v3 =	vor.u32 v3, v4  }
0x23: {  	v4 =	vperm.xlane v3, v0;
	_ =	sdelay $0x1  }
0x24: {  	v4 =	vadd.s32 v1, v4;
	_ =	sdelay $0x3  }
0x25: {  	v3 =	vperm.xlane v3, v2  }
0x26: {  	[tilespmem:s2], [sflag:$0x1] =	stream.indirect_vreg.gather [hbm4b:s3+s2], $0x80, v4, vm0, $0xb8;
	[tilespmem:$0x1C100] =	vst v63  }
0x27: {  	s15 =	simm.s32 $0x800;
	v3 =	vadd.s32 v1, v3  }
0x28: {  	[tilespmem:s15], [sflag:$0x1] =	stream.indirect_vreg.gather [hbm4b:s8+s2], $0x80, v4, vm0, $0xb8;
	[tilespmem:$0x1C100] =	vst v63  }
0x29: {  	s16 =	simm.s32 $0x1000  }
0x2a: {  	[tilespmem:s16], [sflag:$0x1] =	stream.indirect_vreg.gather [hbm4b:s9+s2], $0x80, v4, vm0, $0xb8;
	[tilespmem:$0x1C100] =	vst v63  }
0x2b: {  	s17 =	simm.s32 $0x1800  }
0x2c: {  	[tilespmem:s17], [sflag:$0x1] =	stream.indirect_vreg.gather [hbm4b:s3+s2], $0x80, v3, vm0, $0xb8;
	[tilespmem:$0x1C100] =	vst v63  }
0x2d: {  	s18 =	simm.s32 $0x2000  }
0x2e: {  	[tilespmem:s18], [sflag:$0x1] =	stream.indirect_vreg.gather [hbm4b:s8+s2], $0x80, v3, vm0, $0xb8;
	[tilespmem:$0x1C100] =	vst v63  }
0x2f: {  	s19 =	simm.s32 $0x2800  }
0x30: {  	[tilespmem:s19], [sflag:$0x1] =	stream.indirect_vreg.gather [hbm4b:s9+s2], $0x80, v3, vm0, $0xb8;
	[tilespmem:$0x1C100] =	vst v63  }
0x31: {  	v3 =	vld [tilespmem:$0x18010];
	_ =	sdelay $0x4  }
0x32: {  	v57 =	vshrl.u32 v3, $0x3  }
0x33: {  	v4 =	vmul.u32 $0x30, v57  }
0x34: {  	v3 =	vand.u32 $0x7, v3  }
0x35: {  	v3 =	vor.u32 v3, v4  }
0x36: {  	v4 =	vperm.xlane v3, v0;
	_ =	sdelay $0x1  }
0x37: {  	v4 =	vadd.s32 v1, v4;
	_ =	sdelay $0x3  }
0x38: {  	s20 =	simm.s32 $0x3000;
	v3 =	vperm.xlane v3, v2  }
0x39: {  	[tilespmem:s20], [sflag:$0x1] =	stream.indirect_vreg.gather [hbm4b:s3+s2], $0x80, v4, vm0, $0xb8;
	[tilespmem:$0x1C100] =	vst v63  }
0x3a: {  	s21 =	simm.s32 $0x3800;
	v3 =	vadd.s32 v1, v3  }
0x3b: {  	[tilespmem:s21], [sflag:$0x1] =	stream.indirect_vreg.gather [hbm4b:s8+s2], $0x80, v4, vm0, $0xb8;
	[tilespmem:$0x1C100] =	vst v63  }
0x3c: {  	s26 =	simm.s32 $0x4000  }
0x3d: {  	[tilespmem:s26], [sflag:$0x1] =	stream.indirect_vreg.gather [hbm4b:s9+s2], $0x80, v4, vm0, $0xb8;
	[tilespmem:$0x1C100] =	vst v63  }
0x3e: {  	s31 =	simm.s32 $0x4800  }
0x3f: {  	[tilespmem:s31], [sflag:$0x1] =	stream.indirect_vreg.gather [hbm4b:s3+s2], $0x80, v3, vm0, $0xb8;
	[tilespmem:$0x1C100] =	vst v63  }
0x40: {  	s1 =	simm.s32 $0x5000  }
0x41: {  	[tilespmem:s1], [sflag:$0x1] =	stream.indirect_vreg.gather [hbm4b:s8+s2], $0x80, v3, vm0, $0xb8;
	[tilespmem:$0x1C100] =	vst v63  }
0x42: {  	s12 =	simm.s32 $0x5800  }
0x43: {  	[tilespmem:s12], [sflag:$0x1] =	stream.indirect_vreg.gather [hbm4b:s9+s2], $0x80, v3, vm0, $0xb8;
	[tilespmem:$0x1C100] =	vst v63  }
0x44: {  	v3 =	vld [tilespmem:$0x18020];
	_ =	sdelay $0x4  }
0x45: {  	v58 =	vshrl.u32 v3, $0x3  }
0x46: {  	v4 =	vmul.u32 $0x30, v58  }
0x47: {  	v3 =	vand.u32 $0x7, v3  }
0x48: {  	v3 =	vor.u32 v3, v4  }
0x49: {  	v4 =	vperm.xlane v3, v0;
	_ =	sdelay $0x1  }
0x4a: {  	v4 =	vadd.s32 v1, v4;
	_ =	sdelay $0x3  }
0x4b: {  	s14 =	simm.s32 $0x6000;
	v3 =	vperm.xlane v3, v2  }
0x4c: {  	[tilespmem:s14], [sflag:$0x1] =	stream.indirect_vreg.gather [hbm4b:s3+s2], $0x80, v4, vm0, $0xb8;
	[tilespmem:$0x1C100] =	vst v63  }
0x4d: {  	s15 =	simm.s32 $0x6800;
	v3 =	vadd.s32 v1, v3  }
0x4e: {  	[tilespmem:s15], [sflag:$0x1] =	stream.indirect_vreg.gather [hbm4b:s8+s2], $0x80, v4, vm0, $0xb8;
	[tilespmem:$0x1C100] =	vst v63  }
0x4f: {  	s16 =	simm.s32 $0x7000  }
0x50: {  	[tilespmem:s16], [sflag:$0x1] =	stream.indirect_vreg.gather [hbm4b:s9+s2], $0x80, v4, vm0, $0xb8;
	[tilespmem:$0x1C100] =	vst v63  }
0x51: {  	s17 =	simm.s32 $0x7800  }
0x52: {  	[tilespmem:s17], [sflag:$0x1] =	stream.indirect_vreg.gather [hbm4b:s3+s2], $0x80, v3, vm0, $0xb8;
	[tilespmem:$0x1C100] =	vst v63  }
0x53: {  	s18 =	simm.s32 $0x8000  }
0x54: {  	[tilespmem:s18], [sflag:$0x1] =	stream.indirect_vreg.gather [hbm4b:s8+s2], $0x80, v3, vm0, $0xb8;
	[tilespmem:$0x1C100] =	vst v63  }
0x55: {  	s19 =	simm.s32 $0x8800  }
0x56: {  	[tilespmem:s19], [sflag:$0x1] =	stream.indirect_vreg.gather [hbm4b:s9+s2], $0x80, v3, vm0, $0xb8;
	[tilespmem:$0x1C100] =	vst v63  }
0x57: {  	v3 =	vld [tilespmem:$0x18030];
	_ =	sdelay $0x4  }
0x58: {  	v59 =	vshrl.u32 v3, $0x3  }
0x59: {  	v4 =	vmul.u32 $0x30, v59  }
0x5a: {  	v3 =	vand.u32 $0x7, v3  }
0x5b: {  	v3 =	vor.u32 v3, v4  }
0x5c: {  	v4 =	vperm.xlane v3, v0;
	_ =	sdelay $0x1  }
0x5d: {  	v4 =	vadd.s32 v1, v4;
	_ =	sdelay $0x3  }
0x5e: {  	s20 =	simm.s32 $0x9000;
	v3 =	vperm.xlane v3, v2  }
0x5f: {  	[tilespmem:s20], [sflag:$0x1] =	stream.indirect_vreg.gather [hbm4b:s3+s2], $0x80, v4, vm0, $0xb8;
	[tilespmem:$0x1C100] =	vst v63  }
0x60: {  	s21 =	simm.s32 $0x9800;
	v3 =	vadd.s32 v1, v3  }
0x61: {  	[tilespmem:s21], [sflag:$0x1] =	stream.indirect_vreg.gather [hbm4b:s8+s2], $0x80, v4, vm0, $0xb8;
	[tilespmem:$0x1C100] =	vst v63  }
0x62: {  	s26 =	simm.s32 $0xA000  }
0x63: {  	[tilespmem:s26], [sflag:$0x1] =	stream.indirect_vreg.gather [hbm4b:s9+s2], $0x80, v4, vm0, $0xb8;
	[tilespmem:$0x1C100] =	vst v63  }
0x64: {  	s31 =	simm.s32 $0xA800  }
0x65: {  	[tilespmem:s31], [sflag:$0x1] =	stream.indirect_vreg.gather [hbm4b:s3+s2], $0x80, v3, vm0, $0xb8;
	[tilespmem:$0x1C100] =	vst v63  }
0x66: {  	s1 =	simm.s32 $0xB000  }
0x67: {  	[tilespmem:s1], [sflag:$0x1] =	stream.indirect_vreg.gather [hbm4b:s8+s2], $0x80, v3, vm0, $0xb8;
	[tilespmem:$0x1C100] =	vst v63  }
0x68: {  	s12 =	simm.s32 $0xB800  }
0x69: {  	[tilespmem:s12], [sflag:$0x1] =	stream.indirect_vreg.gather [hbm4b:s9+s2], $0x80, v3, vm0, $0xb8;
	[tilespmem:$0x1C100] =	vst v63  }
0x6a: {  	v3 =	vld [tilespmem:$0x18080];
	_ =	sdelay $0x4  }
0x6b: {  	v60 =	vshrl.u32 v3, $0x3  }
0x6c: {  	v4 =	vmul.u32 $0x30, v60  }
0x6d: {  	v3 =	vand.u32 $0x7, v3  }
0x6e: {  	v3 =	vor.u32 v3, v4  }
0x6f: {  	v4 =	vperm.xlane v3, v0;
	_ =	sdelay $0x1  }
0x70: {  	v4 =	vadd.s32 v1, v4;
	_ =	sdelay $0x3  }
0x71: {  	s14 =	simm.s32 $0xC000;
	v3 =	vperm.xlane v3, v2  }
0x72: {  	[tilespmem:s14], [sflag:$0x1] =	stream.indirect_vreg.gather [hbm4b:s3+s2], $0x80, v4, vm0, $0xb8;
	[tilespmem:$0x1C100] =	vst v63  }
0x73: {  	s15 =	simm.s32 $0xC800;
	v3 =	vadd.s32 v1, v3  }
0x74: {  	[tilespmem:s15], [sflag:$0x1] =	stream.indirect_vreg.gather [hbm4b:s8+s2], $0x80, v4, vm0, $0xb8;
	[tilespmem:$0x1C100] =	vst v63  }
0x75: {  	s16 =	simm.s32 $0xD000  }
0x76: {  	[tilespmem:s16], [sflag:$0x1] =	stream.indirect_vreg.gather [hbm4b:s9+s2], $0x80, v4, vm0, $0xb8;
	[tilespmem:$0x1C100] =	vst v63  }
0x77: {  	s17 =	simm.s32 $0xD800  }
0x78: {  	[tilespmem:s17], [sflag:$0x1] =	stream.indirect_vreg.gather [hbm4b:s3+s2], $0x80, v3, vm0, $0xb8;
	[tilespmem:$0x1C100] =	vst v63  }
0x79: {  	s18 =	simm.s32 $0xE000  }
0x7a: {  	[tilespmem:s18], [sflag:$0x1] =	stream.indirect_vreg.gather [hbm4b:s8+s2], $0x80, v3, vm0, $0xb8;
	[tilespmem:$0x1C100] =	vst v63  }
0x7b: {  	s19 =	simm.s32 $0xE800  }
0x7c: {  	[tilespmem:s19], [sflag:$0x1] =	stream.indirect_vreg.gather [hbm4b:s9+s2], $0x80, v3, vm0, $0xb8;
	[tilespmem:$0x1C100] =	vst v63  }
0x7d: {  	v3 =	vld [tilespmem:$0x18090];
	_ =	sdelay $0x4  }
0x7e: {  	v61 =	vshrl.u32 v3, $0x3  }
0x7f: {  	v4 =	vmul.u32 $0x30, v61  }
0x80: {  	v3 =	vand.u32 $0x7, v3  }
0x81: {  	v3 =	vor.u32 v3, v4  }
0x82: {  	v4 =	vperm.xlane v3, v0;
	_ =	sdelay $0x1  }
0x83: {  	v4 =	vadd.s32 v1, v4;
	_ =	sdelay $0x3  }
0x84: {  	s20 =	simm.s32 $0xF000;
	v3 =	vperm.xlane v3, v2  }
0x85: {  	[tilespmem:s20], [sflag:$0x1] =	stream.indirect_vreg.gather [hbm4b:s3+s2], $0x80, v4, vm0, $0xb8;
	[tilespmem:$0x1C100] =	vst v63  }
0x86: {  	s21 =	simm.s32 $0xF800;
	v3 =	vadd.s32 v1, v3  }
0x87: {  	[tilespmem:s21], [sflag:$0x1] =	stream.indirect_vreg.gather [hbm4b:s8+s2], $0x80, v4, vm0, $0xb8;
	[tilespmem:$0x1C100] =	vst v63  }
0x88: {  	s26 =	simm.s32 $0x10000  }
0x89: {  	[tilespmem:s26], [sflag:$0x1] =	stream.indirect_vreg.gather [hbm4b:s9+s2], $0x80, v4, vm0, $0xb8;
	[tilespmem:$0x1C100] =	vst v63  }
0x8a: {  	s31 =	simm.s32 $0x10800  }
0x8b: {  	[tilespmem:s31], [sflag:$0x1] =	stream.indirect_vreg.gather [hbm4b:s3+s2], $0x80, v3, vm0, $0xb8;
	[tilespmem:$0x1C100] =	vst v63  }
0x8c: {  	s1 =	simm.s32 $0x11000  }
0x8d: {  	[tilespmem:s1], [sflag:$0x1] =	stream.indirect_vreg.gather [hbm4b:s8+s2], $0x80, v3, vm0, $0xb8;
	[tilespmem:$0x1C100] =	vst v63  }
0x8e: {  	s12 =	simm.s32 $0x11800  }
0x8f: {  	[tilespmem:s12], [sflag:$0x1] =	stream.indirect_vreg.gather [hbm4b:s9+s2], $0x80, v3, vm0, $0xb8;
	[tilespmem:$0x1C100] =	vst v63  }
0x90: {  	v3 =	vld [tilespmem:$0x180A0];
	_ =	sdelay $0x4  }
0x91: {  	v62 =	vshrl.u32 v3, $0x3  }
0x92: {  	v4 =	vmul.u32 $0x30, v62  }
0x93: {  	v3 =	vand.u32 $0x7, v3  }
0x94: {  	v3 =	vor.u32 v3, v4  }
0x95: {  	v4 =	vperm.xlane v3, v0;
	_ =	sdelay $0x1  }
0x96: {  	v4 =	vadd.s32 v1, v4;
	_ =	sdelay $0x3  }
0x97: {  	s14 =	simm.s32 $0x12000;
	v3 =	vperm.xlane v3, v2  }
0x98: {  	[tilespmem:s14], [sflag:$0x1] =	stream.indirect_vreg.gather [hbm4b:s3+s2], $0x80, v4, vm0, $0xb8;
	[tilespmem:$0x1C100] =	vst v63  }
0x99: {  	s15 =	simm.s32 $0x12800;
	v3 =	vadd.s32 v1, v3  }
0x9a: {  	[tilespmem:s15], [sflag:$0x1] =	stream.indirect_vreg.gather [hbm4b:s8+s2], $0x80, v4, vm0, $0xb8;
	[tilespmem:$0x1C100] =	vst v63  }
0x9b: {  	s16 =	simm.s32 $0x13000  }
0x9c: {  	[tilespmem:s16], [sflag:$0x1] =	stream.indirect_vreg.gather [hbm4b:s9+s2], $0x80, v4, vm0, $0xb8;
	[tilespmem:$0x1C100] =	vst v63  }
0x9d: {  	s17 =	simm.s32 $0x13800  }
0x9e: {  	[tilespmem:s17], [sflag:$0x1] =	stream.indirect_vreg.gather [hbm4b:s3+s2], $0x80, v3, vm0, $0xb8;
	[tilespmem:$0x1C100] =	vst v63  }
0x9f: {  	s18 =	simm.s32 $0x14000  }
0xa0: {  	[tilespmem:s18], [sflag:$0x1] =	stream.indirect_vreg.gather [hbm4b:s8+s2], $0x80, v3, vm0, $0xb8;
	[tilespmem:$0x1C100] =	vst v63  }
0xa1: {  	s19 =	simm.s32 $0x14800  }
0xa2: {  	[tilespmem:s19], [sflag:$0x1] =	stream.indirect_vreg.gather [hbm4b:s9+s2], $0x80, v3, vm0, $0xb8;
	[tilespmem:$0x1C100] =	vst v63  }
0xa3: {  	v3 =	vld [tilespmem:$0x180B0];
	_ =	sdelay $0x4  }
0xa4: {  	v63 =	vshrl.u32 v3, $0x3  }
0xa5: {  	v4 =	vmul.u32 $0x30, v63  }
0xa6: {  	v3 =	vand.u32 $0x7, v3  }
0xa7: {  	v3 =	vor.u32 v3, v4  }
0xa8: {  	v4 =	vperm.xlane v3, v0;
	_ =	sdelay $0x1  }
0xa9: {  	v4 =	vadd.s32 v1, v4;
	_ =	sdelay $0x3  }
0xaa: {  	s20 =	simm.s32 $0x15000;
	v3 =	vperm.xlane v3, v2  }
0xab: {  	[tilespmem:s20], [sflag:$0x1] =	stream.indirect_vreg.gather [hbm4b:s3+s2], $0x80, v4, vm0, $0xb8;
	[tilespmem:$0x1C100] =	vst v63  }
0xac: {  	s21 =	simm.s32 $0x15800;
	v3 =	vadd.s32 v1, v3  }
0xad: {  	[tilespmem:s21], [sflag:$0x1] =	stream.indirect_vreg.gather [hbm4b:s8+s2], $0x80, v4, vm0, $0xb8;
	[tilespmem:$0x1C100] =	vst v63  }
0xae: {  	s26 =	simm.s32 $0x16000  }
0xaf: {  	[tilespmem:s26], [sflag:$0x1] =	stream.indirect_vreg.gather [hbm4b:s9+s2], $0x80, v4, vm0, $0xb8;
	[tilespmem:$0x1C100] =	vst v63  }
0xb0: {  	s31 =	simm.s32 $0x16800  }
0xb1: {  	[tilespmem:s31], [sflag:$0x1] =	stream.indirect_vreg.gather [hbm4b:s3+s2], $0x80, v3, vm0, $0xb8;
	[tilespmem:$0x1C100] =	vst v63  }
0xb2: {  	_ = 	snop  }
0xb3: {  	[tilespmem:s22], [sflag:$0x1] =	stream.indirect_vreg.gather [hbm4b:s8+s2], $0x80, v3, vm0, $0xb8;
	[tilespmem:$0x1C100] =	vst v63  }
0xb4: {  	_ = 	snop  }
0xb5: {  	[tilespmem:s23], [sflag:$0x1] =	stream.indirect_vreg.gather [hbm4b:s9+s2], $0x80, v3, vm0, $0xb8;
	[tilespmem:$0x1C100] =	vst v63  }
0xb6: {  	_ =	swait.ge [sflag:s24], $0xC000  }
0xb7: {  	[sflag:s24] =	ssyncset.done $0x0  }
0xb8: {  	[sflag:s24] =	ssyncadd.s32 $0xFFFF4000  }
0xb9: {  	_ =	swait.ge [sflag:s24], $0xC000  }
0xba: {  	s28 =	simm.s32 $0x1A200;
	s29 =	simm.s32 $0x18200;
	[sflag:s24] =	ssyncset.done $0x0  }
0xbb: {  	s30 =	simm.s32 $0x0;
	s26 =	simm.s32 $0xFFFFFFFC;
	[sflag:s24] =	ssyncadd.s32 $0xFFFF4000  }
.LBB2_2:
0xbc: {  	s26 =	sadd.s32 $0x4, s26  }
0xbd: {  	s0 =	sshrl.u32 s26, $0x3  }
0xbe: {  	s15 =	smul.u32 $0x1800, s0  }
0xbf: {  	v4 =	vld [tilespmem:s29+$0xFFFFFF00];
	s12 =	sand.u32 $0x200, s30  }
0xc0: {  	v3 =	vld [tilespmem:s28+$0xFFFFFF00];
	s0 =	sor.u32 s12, s15  }
0xc1: {  	v5 =	vld [tilespmem:s0+$0x0]  }
0xc2: {  	v6 =	vld [tilespmem:s0+$0xC000]  }
0xc3: {  	v7 =	vld [tilespmem:s0+$0x10]  }
0xc4: {  	v8 =	vld [tilespmem:s0+$0xC010]  }
0xc5: {  	v9 =	vld [tilespmem:s0+$0x20]  }
0xc6: {  	v10 =	vld [tilespmem:s0+$0xC020]  }
0xc7: {  	v11 =	vld [tilespmem:s0+$0x30]  }
0xc8: {  	v12 =	vld [tilespmem:s0+$0xC030]  }
0xc9: {  	v13 =	vld [tilespmem:s0+$0x40]  }
0xca: {  	v14 =	vld [tilespmem:s0+$0xC040]  }
0xcb: {  	v15 =	vld [tilespmem:s0+$0x50]  }
0xcc: {  	v16 =	vld [tilespmem:s0+$0xC050]  }
0xcd: {  	v17 =	vld [tilespmem:s0+$0x60]  }
0xce: {  	v18 =	vld [tilespmem:s0+$0xC060]  }
0xcf: {  	v34 =	vld [tilespmem:s0+$0x70]  }
0xd0: {  	v19 =	vld [tilespmem:s0+$0xC070]  }
0xd1: {  	v35 =	vld [tilespmem:s0+$0x400]  }
0xd2: {  	v38 =	vld [tilespmem:s0+$0xC400];
	v5 =	vmul.f32 v5, v4;
	v6 =	vmul.f32 v6, v3  }
0xd3: {  	v20 =	vld [tilespmem:s0+$0x410];
	v32 =	vmul.f32 v7, v4;
	v33 =	vmul.f32 v8, v3  }
0xd4: {  	v39 =	vld [tilespmem:s0+$0xC410];
	v9 =	vmul.f32 v9, v4;
	v10 =	vmul.f32 v10, v3  }
0xd5: {  	v21 =	vld [tilespmem:s0+$0xC420];
	v36 =	vmul.f32 v11, v4;
	v37 =	vmul.f32 v12, v3  }
0xd6: {  	v22 =	vld [tilespmem:s0+$0x430];
	v13 =	vmul.f32 v13, v4;
	v14 =	vmul.f32 v14, v3  }
0xd7: {  	v41 =	vld [tilespmem:s0+$0xC430];
	v15 =	vmul.f32 v15, v4;
	v16 =	vmul.f32 v16, v3  }
0xd8: {  	v43 =	vld [tilespmem:s0+$0x440];
	v17 =	vmul.f32 v17, v4;
	v18 =	vmul.f32 v18, v3  }
0xd9: {  	v23 =	vld [tilespmem:s0+$0xC440];
	v8 =	vmul.f32 v34, v4;
	v42 =	vmul.f32 v19, v3  }
0xda: {  	v44 =	vld [tilespmem:s0+$0x450];
	v7 =	vmul.f32 v35, v4;
	v12 =	vmul.f32 v38, v3  }
0xdb: {  	v50 =	vld [tilespmem:s0+$0x460];
	v46 =	vmul.f32 v20, v4;
	v11 =	vmul.f32 v39, v3  }
0xdc: {  	v49 =	vmul.f32 v21, v3;
	v53 =	vmul.f32 v22, v4  }
0xdd: {  	v54 =	vmul.f32 v41, v3;
	v58 =	vmul.f32 v43, v4  }
0xde: {  	v40 =	vld [tilespmem:s0+$0x420];
	v59 =	vmul.f32 v23, v3;
	v5 =	vadd.f32 v6, v5;
	v6 =	vadd.f32 v33, v32  }
0xdf: {  	v60 =	vmul.f32 v44, v4;
	v9 =	vadd.f32 v10, v9;
	v10 =	vadd.f32 v37, v36  }
0xe0: {  	v62 =	vmul.f32 v50, v4;
	v13 =	vadd.f32 v14, v13;
	v15 =	vadd.f32 v16, v15  }
0xe1: {  	v47 =	vld [tilespmem:s0+$0xC450];
	v17 =	vadd.f32 v18, v17;
	v8 =	vadd.f32 v42, v8;
	vm1 =	veq.f32 v5, $0.0e+00  }
0xe2: {  	v45 =	vadd.f32 v12, v7;
	vm2 =	veq.f32 v9, $0.0e+00;
	v5 =	vsel vm1, $0x25800000, v5  }
0xe3: {  	v55 =	vld [tilespmem:s0+$0x470];
	v14 =	vmul.f32 v40, v4;
	vm1 =	veq.f32 v6, $0.0e+00;
	v9 =	vsel vm2, $0x25800000, v9;
	[tilespmem:s0+$0x0] =	vst v5  }
0xe4: {  	v7 =	vadd.f32 v11, v46;
	vm2 =	veq.f32 v13, $0.0e+00;
	v6 =	vsel vm1, $0x25800000, v6;
	[tilespmem:s0+$0x20] =	vst v9  }
0xe5: {  	v11 =	vadd.f32 v54, v53;
	vm1 =	veq.f32 v10, $0.0e+00;
	v13 =	vsel vm2, $0x25800000, v13;
	[tilespmem:s0+$0x10] =	vst v6  }
0xe6: {  	v51 =	vld [tilespmem:s0+$0xC460];
	v12 =	vmul.f32 v47, v3;
	vm2 =	veq.f32 v45, $0.0e+00;
	v10 =	vsel vm1, $0x25800000, v10;
	[tilespmem:s0+$0x40] =	vst v13  }
0xe7: {  	v56 =	vld [tilespmem:s0+$0xC470];
	v61 =	vadd.f32 v59, v58;
	vm1 =	veq.f32 v15, $0.0e+00;
	v5 =	vsel vm2, $0x25800000, v45;
	[tilespmem:s0+$0x30] =	vst v10  }
0xe8: {  	v16 =	vmul.f32 v55, v4;
	v15 =	vsel vm1, $0x25800000, v15;
	vm1 =	veq.f32 v17, $0.0e+00;
	[tilespmem:s0+$0x400] =	vst v5  }
0xe9: {  	v52 =	vadd.f32 v49, v14;
	v48 =	vsel vm1, $0x25800000, v17;
	vm1 =	veq.f32 v8, $0.0e+00;
	[tilespmem:s0+$0x50] =	vst v15  }
0xea: {  	v63 =	vadd.f32 v12, v60;
	v8 =	vsel vm1, $0x25800000, v8;
	vm1 =	veq.f32 v7, $0.0e+00;
	[tilespmem:s0+$0x60] =	vst v48  }
0xeb: {  	v9 =	vmul.f32 v51, v3;
	v7 =	vsel vm1, $0x25800000, v7;
	vm1 =	veq.f32 v52, $0.0e+00;
	[tilespmem:s0+$0x70] =	vst v8  }
0xec: {  	v17 =	vmul.f32 v56, v3;
	v57 =	vsel vm1, $0x25800000, v52;
	vm1 =	veq.f32 v11, $0.0e+00;
	[tilespmem:s0+$0x410] =	vst v7  }
0xed: {  	s1 =	sadd.s32 $0x800, s15;
	v9 =	vadd.f32 v9, v62;
	[tilespmem:s0+$0x420] =	vst v57;
	v18 =	vsel vm1, $0x25800000, v11;
	vm1 =	veq.f32 v61, $0.0e+00  }
0xee: {  	s14 =	sor.u32 s12, s1;
	v19 =	vadd.f32 v17, v16;
	[tilespmem:s0+$0x430] =	vst v18;
	v5 =	vsel vm1, $0x25800000, v61;
	vm1 =	veq.f32 v63, $0.0e+00  }
0xef: {  	[tilespmem:s0+$0x440] =	vst v5;
	v20 =	vsel vm1, $0x25800000, v63;
	vm1 =	veq.f32 v9, $0.0e+00;
	v23 =	vld [tilespmem:s14+$0x0]  }
0xf0: {  	[tilespmem:s0+$0x450] =	vst v20;
	v21 =	vsel vm1, $0x25800000, v9;
	vm1 =	veq.f32 v19, $0.0e+00;
	v25 =	vld [tilespmem:s14+$0x10]  }
0xf1: {  	[tilespmem:s0+$0x460] =	vst v21;
	v22 =	vsel vm1, $0x25800000, v19;
	v27 =	vld [tilespmem:s14+$0x20]  }
0xf2: {  	[tilespmem:s0+$0x470] =	vst v22;
	v29 =	vld [tilespmem:s14+$0x30]  }
0xf3: {  	v24 =	vld [tilespmem:s14+$0xC000]  }
0xf4: {  	v26 =	vld [tilespmem:s14+$0xC010]  }
0xf5: {  	v28 =	vld [tilespmem:s14+$0xC020]  }
0xf6: {  	v30 =	vld [tilespmem:s14+$0xC030]  }
0xf7: {  	v31 =	vld [tilespmem:s14+$0x40]  }
0xf8: {  	v32 =	vld [tilespmem:s14+$0xC040]  }
0xf9: {  	v15 =	vld [tilespmem:s14+$0x50]  }
0xfa: {  	v35 =	vld [tilespmem:s14+$0xC050]  }
0xfb: {  	v36 =	vld [tilespmem:s14+$0x60];
	v5 =	vmul.f32 v23, v4  }
0xfc: {  	v37 =	vld [tilespmem:s14+$0xC060];
	v33 =	vmul.f32 v25, v4;
	v9 =	vmul.f32 v27, v4  }
0xfd: {  	v40 =	vld [tilespmem:s14+$0x70];
	v38 =	vmul.f32 v29, v4;
	v6 =	vmul.f32 v24, v3  }
0xfe: {  	v41 =	vld [tilespmem:s14+$0xC070];
	v34 =	vmul.f32 v26, v3;
	v10 =	vmul.f32 v28, v3  }
0xff: {  	v39 =	vmul.f32 v30, v3;
	v42 =	vmul.f32 v31, v4  }
0x100: {  	v43 =	vmul.f32 v32, v3;
	v44 =	vmul.f32 v15, v4  }
0x101: {  	v8 =	vmul.f32 v35, v3;
	v46 =	vmul.f32 v36, v4;
	v5 =	vadd.f32 v6, v5  }
0x102: {  	v7 =	vmul.f32 v37, v3;
	v48 =	vmul.f32 v40, v4;
	v6 =	vadd.f32 v34, v33  }
0x103: {  	v49 =	vmul.f32 v41, v3;
	v9 =	vadd.f32 v10, v9;
	vm1 =	veq.f32 v5, $0.0e+00  }
0x104: {  	v10 =	vadd.f32 v39, v38;
	v5 =	vsel vm1, $0x25800000, v5;
	vm1 =	veq.f32 v6, $0.0e+00  }
0x105: {  	v45 =	vadd.f32 v43, v42;
	v6 =	vsel vm1, $0x25800000, v6;
	vm1 =	veq.f32 v9, $0.0e+00;
	[tilespmem:s14+$0x0] =	vst v5  }
0x106: {  	v47 =	vadd.f32 v8, v44;
	v9 =	vsel vm1, $0x25800000, v9;
	vm1 =	veq.f32 v10, $0.0e+00;
	[tilespmem:s14+$0x10] =	vst v6  }
0x107: {  	v7 =	vadd.f32 v7, v46;
	[tilespmem:s14+$0x20] =	vst v9;
	v50 =	vsel vm1, $0x25800000, v10;
	vm1 =	veq.f32 v45, $0.0e+00  }
0x108: {  	s0 =	sadd.s32 $0xC00, s15;
	v8 =	vadd.f32 v49, v48;
	[tilespmem:s14+$0x30] =	vst v50;
	v5 =	vsel vm1, $0x25800000, v45;
	vm1 =	veq.f32 v47, $0.0e+00  }
0x109: {  	s16 =	sor.u32 s12, s0;
	[tilespmem:s14+$0x40] =	vst v5;
	v51 =	vsel vm1, $0x25800000, v47;
	vm1 =	veq.f32 v7, $0.0e+00  }
0x10a: {  	v54 =	vld [tilespmem:s16+$0x0];
	[tilespmem:s14+$0x50] =	vst v51;
	v52 =	vsel vm1, $0x25800000, v7;
	vm1 =	veq.f32 v8, $0.0e+00  }
0x10b: {  	v56 =	vld [tilespmem:s16+$0x10];
	[tilespmem:s14+$0x60] =	vst v52;
	v53 =	vsel vm1, $0x25800000, v8  }
0x10c: {  	v9 =	vld [tilespmem:s16+$0x20];
	[tilespmem:s14+$0x70] =	vst v53  }
0x10d: {  	v55 =	vld [tilespmem:s16+$0xC000]  }
0x10e: {  	v57 =	vld [tilespmem:s16+$0xC010]  }
0x10f: {  	v58 =	vld [tilespmem:s16+$0xC020];
	_ =	sdelay $0x2  }
0x110: {  	v5 =	vmul.f32 v54, v4;
	v6 =	vmul.f32 v55, v3  }
0x111: {  	v7 =	vmul.f32 v56, v4;
	v8 =	vmul.f32 v57, v3  }
0x112: {  	v59 =	vmul.f32 v9, v4;
	v60 =	vmul.f32 v58, v3;
	v5 =	vadd.f32 v6, v5  }
0x113: {  	v7 =	vadd.f32 v8, v7  }
0x114: {  	v6 =	vadd.f32 v60, v59;
	vm1 =	veq.f32 v5, $0.0e+00  }
0x115: {  	v5 =	vsel vm1, $0x25800000, v5;
	vm1 =	veq.f32 v7, $0.0e+00  }
0x116: {  	[tilespmem:s16+$0x0] =	vst v5;
	v61 =	vsel vm1, $0x25800000, v7;
	vm1 =	veq.f32 v6, $0.0e+00  }
0x117: {  	[tilespmem:s16+$0x10] =	vst v61;
	v62 =	vsel vm1, $0x25800000, v6  }
0x118: {  	v63 =	vld [tilespmem:s16+$0x30];
	[tilespmem:s16+$0x20] =	vst v62  }
0x119: {  	v16 =	vld [tilespmem:s16+$0xC030]  }
0x11a: {  	v17 =	vld [tilespmem:s16+$0x40]  }
0x11b: {  	v18 =	vld [tilespmem:s16+$0xC040]  }
0x11c: {  	v19 =	vld [tilespmem:s16+$0x50]  }
0x11d: {  	v20 =	vld [tilespmem:s16+$0xC050]  }
0x11e: {  	v21 =	vld [tilespmem:s16+$0x60]  }
0x11f: {  	v22 =	vld [tilespmem:s16+$0xC060]  }
0x120: {  	v23 =	vld [tilespmem:s16+$0x70]  }
0x121: {  	v5 =	vmul.f32 v63, v4;
	v24 =	vld [tilespmem:s16+$0xC070]  }
0x122: {  	v6 =	vmul.f32 v16, v3;
	v25 =	vmul.f32 v17, v4  }
0x123: {  	v26 =	vmul.f32 v18, v3;
	v27 =	vmul.f32 v19, v4  }
0x124: {  	v28 =	vmul.f32 v20, v3;
	v29 =	vmul.f32 v21, v4;
	v5 =	vadd.f32 v6, v5  }
0x125: {  	v30 =	vmul.f32 v22, v3;
	v31 =	vmul.f32 v23, v4;
	v6 =	vadd.f32 v26, v25  }
0x126: {  	v32 =	vmul.f32 v24, v3;
	v8 =	vadd.f32 v28, v27;
	vm1 =	veq.f32 v5, $0.0e+00  }
0x127: {  	v7 =	vadd.f32 v30, v29;
	v5 =	vsel vm1, $0x25800000, v5;
	vm1 =	veq.f32 v6, $0.0e+00  }
0x128: {  	v34 =	vadd.f32 v32, v31;
	[tilespmem:s16+$0x30] =	vst v5;
	v33 =	vsel vm1, $0x25800000, v6;
	vm1 =	veq.f32 v8, $0.0e+00  }
0x129: {  	[tilespmem:s16+$0x40] =	vst v33;
	v35 =	vsel vm1, $0x25800000, v8;
	vm1 =	veq.f32 v7, $0.0e+00  }
0x12a: {  	s31 =	sadd.s32 $0x1000, s15;
	v5 =	vld [tilespmem:s29+$0xFFFFFF80];
	[tilespmem:s16+$0x50] =	vst v35;
	v36 =	vsel vm1, $0x25800000, v7;
	vm1 =	veq.f32 v34, $0.0e+00  }
0x12b: {  	s18 =	sadd.s32 $0x80, s30;
	s21 =	sor.u32 s12, s31;
	v6 =	vld [tilespmem:s28+$0xFFFFFF80];
	[tilespmem:s16+$0x60] =	vst v36;
	v37 =	vsel vm1, $0x25800000, v34  }
0x12c: {  	s17 =	sand.u32 $0x280, s18;
	v38 =	vld [tilespmem:s21+$0x0];
	[tilespmem:s16+$0x70] =	vst v37  }
0x12d: {  	s16 =	sor.u32 s15, s17;
	v39 =	vld [tilespmem:s21+$0xC000]  }
0x12e: {  	v40 =	vld [tilespmem:s16+$0x0]  }
0x12f: {  	v41 =	vld [tilespmem:s16+$0xC000]  }
0x130: {  	v42 =	vld [tilespmem:s16+$0x10]  }
0x131: {  	v43 =	vld [tilespmem:s16+$0xC010]  }
0x132: {  	v44 =	vld [tilespmem:s16+$0x20]  }
0x133: {  	v45 =	vld [tilespmem:s16+$0xC020]  }
0x134: {  	v46 =	vld [tilespmem:s16+$0x30]  }
0x135: {  	v47 =	vld [tilespmem:s16+$0xC030]  }
0x136: {  	v48 =	vld [tilespmem:s16+$0x40]  }
0x137: {  	v49 =	vld [tilespmem:s16+$0xC040]  }
0x138: {  	v50 =	vld [tilespmem:s16+$0x50]  }
0x139: {  	v24 =	vld [tilespmem:s16+$0xC050]  }
0x13a: {  	v25 =	vld [tilespmem:s16+$0x60]  }
0x13b: {  	v26 =	vld [tilespmem:s16+$0xC060]  }
0x13c: {  	v53 =	vld [tilespmem:s16+$0x70];
	v11 =	vmul.f32 v38, v4  }
0x13d: {  	v27 =	vld [tilespmem:s16+$0xC070];
	v13 =	vmul.f32 v40, v5;
	v14 =	vmul.f32 v41, v6  }
0x13e: {  	v59 =	vld [tilespmem:s16+$0xC400];
	v12 =	vmul.f32 v39, v3;
	v51 =	vmul.f32 v42, v5  }
0x13f: {  	v62 =	vld [tilespmem:s16+$0x410];
	v52 =	vmul.f32 v43, v6;
	v17 =	vmul.f32 v44, v5  }
0x140: {  	v33 =	vld [tilespmem:s16+$0x420];
	v18 =	vmul.f32 v45, v6;
	v57 =	vmul.f32 v46, v5  }
0x141: {  	v28 =	vld [tilespmem:s16+$0xC420];
	v58 =	vmul.f32 v47, v6;
	v60 =	vmul.f32 v48, v5  }
0x142: {  	v29 =	vld [tilespmem:s16+$0x430];
	v61 =	vmul.f32 v49, v6;
	v23 =	vmul.f32 v50, v5  }
0x143: {  	v34 =	vld [tilespmem:s16+$0xC430];
	v24 =	vmul.f32 v24, v6;
	v25 =	vmul.f32 v25, v5  }
0x144: {  	v30 =	vld [tilespmem:s16+$0x450];
	v26 =	vmul.f32 v26, v6;
	v16 =	vmul.f32 v53, v5  }
0x145: {  	v36 =	vld [tilespmem:s16+$0x440];
	v35 =	vmul.f32 v27, v6;
	v19 =	vmul.f32 v59, v6  }
0x146: {  	v55 =	vld [tilespmem:s16+$0x400];
	v39 =	vmul.f32 v62, v5;
	v21 =	vmul.f32 v33, v5  }
0x147: {  	v63 =	vld [tilespmem:s16+$0xC410];
	v42 =	vmul.f32 v28, v6;
	v46 =	vmul.f32 v29, v5;
	v13 =	vadd.f32 v14, v13  }
0x148: {  	v47 =	vmul.f32 v34, v6;
	v11 =	vadd.f32 v12, v11;
	v54 =	vadd.f32 v52, v51  }
0x149: {  	v10 =	vld [tilespmem:s21+$0x10];
	v53 =	vmul.f32 v30, v5;
	v56 =	vadd.f32 v18, v17;
	v17 =	vadd.f32 v58, v57  }
0x14a: {  	v7 =	vld [tilespmem:s21+$0x20];
	v62 =	vmul.f32 v36, v5;
	v20 =	vadd.f32 v61, v60;
	v23 =	vadd.f32 v24, v23  }
0x14b: {  	v40 =	vld [tilespmem:s16+$0x460];
	v25 =	vadd.f32 v26, v25;
	v14 =	vmul.f32 v55, v5;
	v16 =	vadd.f32 v35, v16  }
0x14c: {  	v43 =	vld [tilespmem:s16+$0xC460];
	v18 =	vmul.f32 v63, v6;
	v45 =	vadd.f32 v42, v21;
	vm1 =	veq.f32 v13, $0.0e+00  }
0x14d: {  	v48 =	vld [tilespmem:s16+$0xC470];
	vm2 =	veq.f32 v56, $0.0e+00;
	v38 =	vadd.f32 v19, v14;
	v13 =	vsel vm1, $0x25800000, v13  }
0x14e: {  	v49 =	vld [tilespmem:s16+$0xC440];
	v14 =	vadd.f32 v18, v39;
	vm1 =	veq.f32 v54, $0.0e+00;
	v15 =	vsel vm2, $0x25800000, v56;
	[tilespmem:s16+$0x0] =	vst v13  }
0x14f: {  	v37 =	vld [tilespmem:s16+$0xC450];
	v18 =	vadd.f32 v47, v46;
	vm2 =	veq.f32 v20, $0.0e+00;
	v12 =	vsel vm1, $0x25800000, v54;
	[tilespmem:s16+$0x20] =	vst v15  }
0x150: {  	v9 =	vld [tilespmem:s21+$0xC010];
	v56 =	vmul.f32 v40, v5;
	vm1 =	veq.f32 v17, $0.0e+00;
	v20 =	vsel vm2, $0x25800000, v20;
	[tilespmem:s16+$0x10] =	vst v12  }
0x151: {  	v44 =	vld [tilespmem:s16+$0x470];
	v57 =	vmul.f32 v43, v6;
	vm2 =	veq.f32 v38, $0.0e+00;
	v17 =	vsel vm1, $0x25800000, v17;
	[tilespmem:s16+$0x40] =	vst v20  }
0x152: {  	v8 =	vld [tilespmem:s21+$0xC020];
	v60 =	vmul.f32 v48, v6;
	vm1 =	veq.f32 v23, $0.0e+00;
	v13 =	vsel vm2, $0x25800000, v38;
	[tilespmem:s16+$0x30] =	vst v17  }
0x153: {  	v31 =	vld [tilespmem:s21+$0x70];
	v20 =	vmul.f32 v49, v6;
	v23 =	vsel vm1, $0x25800000, v23;
	vm1 =	veq.f32 v25, $0.0e+00;
	[tilespmem:s16+$0x400] =	vst v13  }
0x154: {  	v50 =	vld [tilespmem:s21+$0x30];
	v54 =	vmul.f32 v37, v6;
	v41 =	vsel vm1, $0x25800000, v25;
	vm1 =	veq.f32 v16, $0.0e+00;
	[tilespmem:s16+$0x50] =	vst v23  }
0x155: {  	v27 =	vld [tilespmem:s21+$0x60];
	v28 =	vadd.f32 v20, v62;
	v16 =	vsel vm1, $0x25800000, v16;
	vm1 =	veq.f32 v14, $0.0e+00;
	[tilespmem:s16+$0x60] =	vst v41  }
0x156: {  	v29 =	vld [tilespmem:s21+$0xC060];
	v15 =	vmul.f32 v44, v5;
	v14 =	vsel vm1, $0x25800000, v14;
	vm1 =	veq.f32 v45, $0.0e+00;
	[tilespmem:s16+$0x70] =	vst v16  }
0x157: {  	v33 =	vld [tilespmem:s21+$0xC070];
	v59 =	vadd.f32 v54, v53;
	vm2 =	veq.f32 v28, $0.0e+00;
	v52 =	vsel vm1, $0x25800000, v45;
	[tilespmem:s16+$0x410] =	vst v14  }
0x158: {  	v51 =	vld [tilespmem:s21+$0xC030];
	v16 =	vadd.f32 v57, v56;
	vm1 =	veq.f32 v18, $0.0e+00;
	v12 =	vsel vm2, $0x25800000, v28;
	[tilespmem:s16+$0x420] =	vst v52  }
0x159: {  	v55 =	vld [tilespmem:s21+$0x40];
	v15 =	vadd.f32 v60, v15;
	v23 =	vsel vm1, $0x25800000, v18;
	vm1 =	veq.f32 v59, $0.0e+00;
	[tilespmem:s16+$0x440] =	vst v12  }
0x15a: {  	v58 =	vld [tilespmem:s21+$0xC040];
	[tilespmem:s16+$0x430] =	vst v23;
	v13 =	vsel vm1, $0x25800000, v59;
	vm1 =	veq.f32 v16, $0.0e+00  }
0x15b: {  	v61 =	vld [tilespmem:s21+$0x50];
	[tilespmem:s16+$0x450] =	vst v13;
	v30 =	vsel vm1, $0x25800000, v16;
	vm1 =	veq.f32 v15, $0.0e+00  }
0x15c: {  	s18 =	sor.u32 s17, s1;
	v63 =	vld [tilespmem:s21+$0xC050];
	[tilespmem:s16+$0x460] =	vst v30;
	v32 =	vsel vm1, $0x25800000, v15  }
0x15d: {  	[tilespmem:s16+$0x470] =	vst v32;
	v43 =	vld [tilespmem:s18+$0x30]  }
0x15e: {  	v10 =	vmul.f32 v10, v4;
	v7 =	vmul.f32 v7, v4;
	v34 =	vld [tilespmem:s18+$0x0]  }
0x15f: {  	v9 =	vmul.f32 v9, v3;
	v8 =	vmul.f32 v8, v3;
	v13 =	vld [tilespmem:s18+$0xC000]  }
0x160: {  	v35 =	vmul.f32 v50, v4;
	v36 =	vmul.f32 v51, v3;
	v39 =	vld [tilespmem:s18+$0x10]  }
0x161: {  	v9 =	vadd.f32 v9, v10;
	v37 =	vmul.f32 v55, v4;
	v38 =	vmul.f32 v58, v3;
	v40 =	vld [tilespmem:s18+$0xC010]  }
0x162: {  	v7 =	vadd.f32 v8, v7;
	v22 =	vmul.f32 v61, v4;
	v19 =	vmul.f32 v63, v3;
	v41 =	vld [tilespmem:s18+$0x20]  }
0x163: {  	v17 =	vmul.f32 v27, v4;
	v14 =	vmul.f32 v29, v3;
	v18 =	vadd.f32 v38, v37;
	v42 =	vld [tilespmem:s18+$0xC020]  }
0x164: {  	v8 =	vadd.f32 v36, v35;
	v19 =	vadd.f32 v19, v22;
	vm2 =	veq.f32 v7, $0.0e+00;
	v44 =	vld [tilespmem:s18+$0xC030]  }
0x165: {  	v7 =	vsel vm2, $0x25800000, v7;
	v14 =	vadd.f32 v14, v17;
	vm2 =	veq.f32 v18, $0.0e+00;
	v45 =	vld [tilespmem:s18+$0x40]  }
0x166: {  	v16 =	vmul.f32 v31, v4;
	vm1 =	veq.f32 v11, $0.0e+00;
	v15 =	vmul.f32 v33, v3;
	v46 =	vld [tilespmem:s18+$0x50]  }
0x167: {  	v18 =	vsel vm2, $0x25800000, v18;
	v11 =	vsel vm1, $0x25800000, v11;
	vm1 =	veq.f32 v9, $0.0e+00;
	v47 =	vld [tilespmem:s18+$0xC050]  }
0x168: {  	v9 =	vsel vm1, $0x25800000, v9;
	vm1 =	veq.f32 v8, $0.0e+00;
	v15 =	vadd.f32 v15, v16;
	v53 =	vld [tilespmem:s18+$0xC060]  }
0x169: {  	v55 =	vld [tilespmem:s18+$0x70];
	v8 =	vsel vm1, $0x25800000, v8;
	vm1 =	veq.f32 v19, $0.0e+00;
	v57 =	vmul.f32 v43, v5  }
0x16a: {  	v59 =	vld [tilespmem:s18+$0xC070];
	v19 =	vsel vm1, $0x25800000, v19;
	v10 =	vmul.f32 v34, v5;
	v13 =	vmul.f32 v13, v6  }
0x16b: {  	v60 =	vld [tilespmem:s18+$0xC040];
	vm1 =	veq.f32 v14, $0.0e+00;
	v48 =	vmul.f32 v39, v5;
	v12 =	vmul.f32 v40, v6  }
0x16c: {  	v50 =	vsel vm1, $0x25800000, v14;
	v51 =	vmul.f32 v41, v5;
	v52 =	vmul.f32 v42, v6  }
0x16d: {  	v49 =	vld [tilespmem:s18+$0x60];
	vm1 =	veq.f32 v15, $0.0e+00;
	v58 =	vmul.f32 v44, v6;
	v61 =	vmul.f32 v46, v5  }
0x16e: {  	v15 =	vsel vm1, $0x25800000, v15;
	v62 =	vmul.f32 v47, v6;
	v63 =	vmul.f32 v53, v6  }
0x16f: {  	[tilespmem:s21+$0x50] =	vst v19;
	v19 =	vmul.f32 v55, v5;
	v20 =	vmul.f32 v59, v6;
	v10 =	vadd.f32 v13, v10  }
0x170: {  	[tilespmem:s21+$0x20] =	vst v7;
	v21 =	vmul.f32 v45, v5;
	v22 =	vmul.f32 v60, v6;
	v54 =	vadd.f32 v12, v48  }
0x171: {  	[tilespmem:s21+$0x10] =	vst v9;
	v56 =	vadd.f32 v52, v51;
	v12 =	vadd.f32 v58, v57;
	vm2 =	veq.f32 v10, $0.0e+00  }
0x172: {  	[tilespmem:s21+$0x30] =	vst v8;
	v13 =	vmul.f32 v49, v5;
	vm1 =	veq.f32 v54, $0.0e+00;
	v10 =	vsel vm2, $0x25800000, v10  }
0x173: {  	v9 =	vadd.f32 v62, v61;
	v7 =	vsel vm1, $0x25800000, v54;
	vm1 =	veq.f32 v56, $0.0e+00;
	[tilespmem:s18+$0x0] =	vst v10  }
0x174: {  	v13 =	vadd.f32 v63, v13;
	v8 =	vsel vm1, $0x25800000, v56;
	vm1 =	veq.f32 v12, $0.0e+00;
	[tilespmem:s18+$0x10] =	vst v7  }
0x175: {  	v7 =	vadd.f32 v22, v21;
	[tilespmem:s18+$0x20] =	vst v8;
	v23 =	vsel vm1, $0x25800000, v12;
	vm1 =	veq.f32 v9, $0.0e+00  }
0x176: {  	v10 =	vadd.f32 v20, v19;
	[tilespmem:s18+$0x30] =	vst v23;
	v24 =	vsel vm1, $0x25800000, v9;
	vm1 =	veq.f32 v13, $0.0e+00  }
0x177: {  	vm2 =	veq.f32 v7, $0.0e+00;
	[tilespmem:s18+$0x50] =	vst v24;
	v25 =	vsel vm1, $0x25800000, v13  }
0x178: {  	vm1 =	veq.f32 v10, $0.0e+00;
	v7 =	vsel vm2, $0x25800000, v7;
	[tilespmem:s18+$0x60] =	vst v25  }
0x179: {  	s19 =	sor.u32 s17, s0;
	v26 =	vsel vm1, $0x25800000, v10;
	[tilespmem:s18+$0x40] =	vst v7  }
0x17a: {  	[tilespmem:s18+$0x70] =	vst v26;
	v34 =	vld [tilespmem:s19+$0x30]  }
0x17b: {  	v27 =	vld [tilespmem:s19+$0x0]  }
0x17c: {  	v8 =	vld [tilespmem:s19+$0xC000]  }
0x17d: {  	v28 =	vld [tilespmem:s19+$0x10]  }
0x17e: {  	v29 =	vld [tilespmem:s19+$0xC010]  }
0x17f: {  	v30 =	vld [tilespmem:s19+$0x20]  }
0x180: {  	v31 =	vld [tilespmem:s19+$0xC020]  }
0x181: {  	v35 =	vld [tilespmem:s19+$0xC030]  }
0x182: {  	v36 =	vld [tilespmem:s19+$0x40]  }
0x183: {  	v37 =	vld [tilespmem:s19+$0x50]  }
0x184: {  	v38 =	vld [tilespmem:s19+$0xC050]  }
0x185: {  	v41 =	vld [tilespmem:s19+$0x60]  }
0x186: {  	[tilespmem:s21+$0x70] =	vst v15;
	v42 =	vld [tilespmem:s19+$0xC060];
	v15 =	vmul.f32 v34, v5  }
0x187: {  	v43 =	vld [tilespmem:s19+$0x70];
	v7 =	vmul.f32 v27, v5;
	v8 =	vmul.f32 v8, v6  }
0x188: {  	s14 =	sadd.s32 $0x1400, s15;
	[tilespmem:s21+$0x40] =	vst v18;
	v44 =	vld [tilespmem:s19+$0xC070];
	v39 =	vmul.f32 v28, v5;
	v40 =	vmul.f32 v29, v6  }
0x189: {  	s12 =	sor.u32 s12, s14;
	[tilespmem:s21+$0x0] =	vst v11;
	v45 =	vld [tilespmem:s19+$0xC040];
	v13 =	vmul.f32 v30, v5;
	v14 =	vmul.f32 v31, v6  }
0x18a: {  	v32 =	vld [tilespmem:s12+$0x0];
	[tilespmem:s21+$0x60] =	vst v50;
	v16 =	vmul.f32 v35, v6;
	v17 =	vmul.f32 v37, v5  }
0x18b: {  	v33 =	vld [tilespmem:s12+$0xC000];
	v20 =	vmul.f32 v38, v6;
	v10 =	vmul.f32 v41, v5  }
0x18c: {  	v11 =	vld [tilespmem:s12+$0xC010];
	v21 =	vmul.f32 v42, v6;
	v9 =	vmul.f32 v43, v5;
	v7 =	vadd.f32 v8, v7  }
0x18d: {  	v18 =	vld [tilespmem:s12+$0xC020];
	v48 =	vmul.f32 v44, v6;
	v49 =	vmul.f32 v36, v5;
	v8 =	vadd.f32 v40, v39  }
0x18e: {  	v19 =	vld [tilespmem:s12+$0x50];
	v50 =	vmul.f32 v45, v6;
	v13 =	vadd.f32 v14, v13;
	vm1 =	veq.f32 v7, $0.0e+00  }
0x18f: {  	v22 =	vld [tilespmem:s12+$0xC050];
	v16 =	vadd.f32 v16, v15;
	v7 =	vsel vm1, $0x25800000, v7;
	vm1 =	veq.f32 v8, $0.0e+00  }
0x190: {  	v12 =	vld [tilespmem:s12+$0x10];
	v47 =	vadd.f32 v20, v17;
	v8 =	vsel vm1, $0x25800000, v8;
	vm1 =	veq.f32 v13, $0.0e+00;
	[tilespmem:s19+$0x0] =	vst v7  }
0x191: {  	v14 =	vld [tilespmem:s12+$0x20];
	v10 =	vadd.f32 v21, v10;
	v46 =	vsel vm1, $0x25800000, v13;
	vm1 =	veq.f32 v16, $0.0e+00;
	[tilespmem:s19+$0x10] =	vst v8  }
0x192: {  	v15 =	vld [tilespmem:s12+$0xC030];
	v8 =	vadd.f32 v50, v49;
	[tilespmem:s19+$0x20] =	vst v46;
	v16 =	vsel vm1, $0x25800000, v16;
	vm1 =	veq.f32 v47, $0.0e+00  }
0x193: {  	v17 =	vld [tilespmem:s12+$0x40];
	v9 =	vadd.f32 v48, v9;
	[tilespmem:s19+$0x30] =	vst v16;
	v7 =	vsel vm1, $0x25800000, v47;
	vm1 =	veq.f32 v10, $0.0e+00  }
0x194: {  	v21 =	vld [tilespmem:s12+$0xC040];
	vm2 =	veq.f32 v8, $0.0e+00;
	[tilespmem:s19+$0x50] =	vst v7;
	v51 =	vsel vm1, $0x25800000, v10  }
0x195: {  	v20 =	vld [tilespmem:s12+$0xC060];
	vm1 =	veq.f32 v9, $0.0e+00;
	v8 =	vsel vm2, $0x25800000, v8;
	[tilespmem:s19+$0x60] =	vst v51  }
0x196: {  	v7 =	vld [tilespmem:s28+$0x0];
	v52 =	vsel vm1, $0x25800000, v9;
	[tilespmem:s19+$0x40] =	vst v8  }
0x197: {  	s18 =	sor.u32 s17, s31;
	v8 =	vld [tilespmem:s29+$0x0];
	[tilespmem:s19+$0x70] =	vst v52  }
0x198: {  	v53 =	vld [tilespmem:s18+$0x0]  }
0x199: {  	v54 =	vld [tilespmem:s18+$0xC000]  }
0x19a: {  	s20 =	sadd.s32 $0x100, s30;
	v24 =	vld [tilespmem:s18+$0x10]  }
0x19b: {  	s16 =	sand.u32 $0x300, s20;
	v23 =	vld [tilespmem:s18+$0xC010]  }
0x19c: {  	s19 =	sor.u32 s15, s16;
	v9 =	vld [tilespmem:s18+$0x20]  }
0x19d: {  	v55 =	vld [tilespmem:s19+$0x0]  }
0x19e: {  	v56 =	vld [tilespmem:s19+$0xC000]  }
0x19f: {  	v57 =	vld [tilespmem:s19+$0x10]  }
0x1a0: {  	v58 =	vld [tilespmem:s19+$0xC010]  }
0x1a1: {  	v31 =	vld [tilespmem:s19+$0x20]  }
0x1a2: {  	v34 =	vld [tilespmem:s19+$0xC020]  }
0x1a3: {  	v35 =	vld [tilespmem:s19+$0x30]  }
0x1a4: {  	v36 =	vld [tilespmem:s19+$0xC030]  }
0x1a5: {  	v37 =	vld [tilespmem:s19+$0x40]  }
0x1a6: {  	v38 =	vld [tilespmem:s19+$0xC040]  }
0x1a7: {  	v39 =	vld [tilespmem:s19+$0x50]  }
0x1a8: {  	v40 =	vld [tilespmem:s19+$0xC050]  }
0x1a9: {  	v41 =	vld [tilespmem:s19+$0x60];
	v27 =	vmul.f32 v55, v8  }
0x1aa: {  	v42 =	vld [tilespmem:s19+$0xC060];
	v28 =	vmul.f32 v56, v7;
	v25 =	vmul.f32 v53, v5  }
0x1ab: {  	v61 =	vld [tilespmem:s19+$0x70];
	v26 =	vmul.f32 v54, v6;
	v59 =	vmul.f32 v57, v8  }
0x1ac: {  	v43 =	vld [tilespmem:s19+$0xC070];
	v60 =	vmul.f32 v58, v7;
	v31 =	vmul.f32 v31, v8  }
0x1ad: {  	v48 =	vld [tilespmem:s19+$0xC400];
	v34 =	vmul.f32 v34, v7;
	v46 =	vmul.f32 v35, v8  }
0x1ae: {  	v10 =	vld [tilespmem:s18+$0xC020];
	v47 =	vmul.f32 v36, v7;
	v49 =	vmul.f32 v37, v8  }
0x1af: {  	v63 =	vld [tilespmem:s19+$0x400];
	v50 =	vmul.f32 v38, v7;
	v39 =	vmul.f32 v39, v8  }
0x1b0: {  	v51 =	vld [tilespmem:s19+$0x410];
	v40 =	vmul.f32 v40, v7;
	v41 =	vmul.f32 v41, v8  }
0x1b1: {  	v52 =	vld [tilespmem:s19+$0xC410];
	v42 =	vmul.f32 v42, v7;
	v30 =	vmul.f32 v61, v8  }
0x1b2: {  	v44 =	vld [tilespmem:s19+$0xC420];
	v55 =	vmul.f32 v43, v7;
	v35 =	vmul.f32 v48, v7  }
0x1b3: {  	v53 =	vld [tilespmem:s19+$0x420];
	v24 =	vmul.f32 v24, v5;
	v23 =	vmul.f32 v23, v6;
	v27 =	vadd.f32 v28, v27  }
0x1b4: {  	v54 =	vld [tilespmem:s19+$0xC430];
	v9 =	vmul.f32 v9, v5;
	v25 =	vadd.f32 v26, v25;
	v62 =	vadd.f32 v60, v59  }
0x1b5: {  	v56 =	vld [tilespmem:s19+$0x440];
	v10 =	vmul.f32 v10, v6;
	v45 =	vadd.f32 v34, v31;
	v31 =	vadd.f32 v47, v46  }
0x1b6: {  	v57 =	vld [tilespmem:s19+$0x450];
	v36 =	vadd.f32 v50, v49;
	v39 =	vadd.f32 v40, v39;
	v28 =	vmul.f32 v63, v8  }
0x1b7: {  	v41 =	vadd.f32 v42, v41;
	v46 =	vld [tilespmem:s19+$0xC440];
	v59 =	vmul.f32 v51, v8;
	v34 =	vmul.f32 v52, v7  }
0x1b8: {  	v30 =	vadd.f32 v55, v30;
	v60 =	vld [tilespmem:s19+$0xC450];
	vm1 =	veq.f32 v27, $0.0e+00;
	vm2 =	veq.f32 v45, $0.0e+00  }
0x1b9: {  	v63 =	vld [tilespmem:s19+$0x460];
	v58 =	vadd.f32 v35, v28;
	v28 =	vadd.f32 v34, v59;
	v27 =	vsel vm1, $0x25800000, v27  }
0x1ba: {  	v47 =	vld [tilespmem:s19+$0xC460];
	vm1 =	veq.f32 v62, $0.0e+00;
	v29 =	vsel vm2, $0x25800000, v45;
	v37 =	vmul.f32 v53, v8  }
0x1bb: {  	v51 =	vld [tilespmem:s19+$0x470];
	vm2 =	veq.f32 v36, $0.0e+00;
	v50 =	vmul.f32 v54, v7;
	v54 =	vmul.f32 v56, v8  }
0x1bc: {  	v45 =	vld [tilespmem:s19+$0x430];
	v56 =	vmul.f32 v57, v8;
	v26 =	vsel vm1, $0x25800000, v62;
	vm1 =	veq.f32 v31, $0.0e+00;
	[tilespmem:s19+$0x0] =	vst v27  }
0x1bd: {  	v43 =	vld [tilespmem:s18+$0x40];
	v36 =	vsel vm2, $0x25800000, v36;
	v62 =	vmul.f32 v44, v7;
	[tilespmem:s19+$0x20] =	vst v29;
	vm2 =	veq.f32 v58, $0.0e+00  }
0x1be: {  	v52 =	vld [tilespmem:s19+$0xC470];
	v31 =	vsel vm1, $0x25800000, v31;
	vm1 =	veq.f32 v39, $0.0e+00;
	[tilespmem:s19+$0x10] =	vst v26;
	v55 =	vmul.f32 v46, v7  }
0x1bf: {  	v40 =	vld [tilespmem:s18+$0x30];
	[tilespmem:s19+$0x40] =	vst v36;
	v27 =	vsel vm2, $0x25800000, v58;
	v35 =	vmul.f32 v60, v7;
	v58 =	vmul.f32 v63, v8  }
0x1c0: {  	v42 =	vld [tilespmem:s18+$0xC040];
	v29 =	vmul.f32 v47, v7;
	v60 =	vmul.f32 v51, v8;
	v39 =	vsel vm1, $0x25800000, v39;
	[tilespmem:s19+$0x30] =	vst v31  }
0x1c1: {  	v63 =	vld [tilespmem:s18+$0x60];
	vm1 =	veq.f32 v41, $0.0e+00;
	v48 =	vadd.f32 v62, v37;
	[tilespmem:s19+$0x400] =	vst v27;
	v49 =	vmul.f32 v45, v8  }
0x1c2: {  	v46 =	vld [tilespmem:s18+$0xC060];
	v61 =	vsel vm1, $0x25800000, v41;
	vm1 =	veq.f32 v30, $0.0e+00;
	[tilespmem:s19+$0x50] =	vst v39;
	v57 =	vadd.f32 v55, v54  }
0x1c3: {  	v37 =	vld [tilespmem:s18+$0xC030];
	v30 =	vsel vm1, $0x25800000, v30;
	vm1 =	veq.f32 v28, $0.0e+00;
	[tilespmem:s19+$0x60] =	vst v61;
	v34 =	vadd.f32 v50, v49  }
0x1c4: {  	v39 =	vld [tilespmem:s18+$0x50];
	v59 =	vadd.f32 v35, v56;
	v28 =	vsel vm1, $0x25800000, v28;
	vm1 =	veq.f32 v48, $0.0e+00;
	[tilespmem:s19+$0x70] =	vst v30  }
0x1c5: {  	v41 =	vld [tilespmem:s18+$0xC050];
	v61 =	vmul.f32 v52, v7;
	v53 =	vsel vm1, $0x25800000, v48;
	[tilespmem:s19+$0x410] =	vst v28;
	vm1 =	veq.f32 v34, $0.0e+00  }
0x1c6: {  	v29 =	vadd.f32 v29, v58;
	v48 =	vld [tilespmem:s18+$0x70];
	[tilespmem:s19+$0x420] =	vst v53;
	v62 =	vsel vm1, $0x25800000, v34;
	vm1 =	veq.f32 v57, $0.0e+00  }
0x1c7: {  	s21 =	sor.u32 s16, s1;
	v45 =	vadd.f32 v61, v60;
	v50 =	vld [tilespmem:s18+$0xC070];
	[tilespmem:s19+$0x430] =	vst v62;
	v44 =	vsel vm1, $0x25800000, v57;
	vm1 =	veq.f32 v59, $0.0e+00  }
0x1c8: {  	v56 =	vmul.f32 v43, v5;
	[tilespmem:s19+$0x440] =	vst v44;
	v47 =	vsel vm1, $0x25800000, v59;
	vm1 =	veq.f32 v29, $0.0e+00;
	v52 =	vld [tilespmem:s21+$0x0]  }
0x1c9: {  	v31 =	vmul.f32 v63, v5;
	[tilespmem:s19+$0x450] =	vst v47;
	v49 =	vsel vm1, $0x25800000, v29;
	vm1 =	veq.f32 v45, $0.0e+00;
	v58 =	vld [tilespmem:s21+$0x10]  }
0x1ca: {  	v30 =	vmul.f32 v46, v6;
	v53 =	vmul.f32 v40, v5;
	[tilespmem:s19+$0x460] =	vst v49;
	v51 =	vsel vm1, $0x25800000, v45;
	v60 =	vld [tilespmem:s21+$0x20]  }
0x1cb: {  	v9 =	vadd.f32 v10, v9;
	v54 =	vmul.f32 v37, v6;
	v61 =	vmul.f32 v39, v5;
	[tilespmem:s19+$0x470] =	vst v51;
	v63 =	vld [tilespmem:s21+$0x30]  }
0x1cc: {  	v23 =	vadd.f32 v23, v24;
	v36 =	vmul.f32 v41, v6;
	v57 =	vmul.f32 v42, v6;
	v55 =	vld [tilespmem:s21+$0xC000]  }
0x1cd: {  	vm2 =	veq.f32 v9, $0.0e+00;
	v30 =	vadd.f32 v30, v31;
	v10 =	vadd.f32 v54, v53;
	v59 =	vld [tilespmem:s21+$0xC010]  }
0x1ce: {  	v9 =	vsel vm2, $0x25800000, v9;
	v46 =	vadd.f32 v36, v61;
	v34 =	vadd.f32 v57, v56;
	v62 =	vld [tilespmem:s21+$0xC020]  }
0x1cf: {  	v28 =	vmul.f32 v48, v5;
	v29 =	vmul.f32 v50, v6;
	vm1 =	veq.f32 v25, $0.0e+00;
	v47 =	vld [tilespmem:s21+$0xC030]  }
0x1d0: {  	v25 =	vsel vm1, $0x25800000, v25;
	vm1 =	veq.f32 v23, $0.0e+00;
	vm2 =	veq.f32 v34, $0.0e+00;
	v48 =	vld [tilespmem:s21+$0x40]  }
0x1d1: {  	v28 =	vadd.f32 v29, v28;
	v23 =	vsel vm1, $0x25800000, v23;
	vm1 =	veq.f32 v10, $0.0e+00;
	v49 =	vld [tilespmem:s21+$0xC040]  }
0x1d2: {  	v45 =	vsel vm2, $0x25800000, v34;
	v51 =	vld [tilespmem:s21+$0x50];
	v10 =	vsel vm1, $0x25800000, v10;
	vm1 =	veq.f32 v46, $0.0e+00  }
0x1d3: {  	v57 =	vld [tilespmem:s21+$0x60];
	v24 =	vmul.f32 v52, v8;
	v50 =	vsel vm1, $0x25800000, v46;
	v52 =	vmul.f32 v58, v8  }
0x1d4: {  	[tilespmem:s18+$0x20] =	vst v9;
	v40 =	vld [tilespmem:s21+$0xC070];
	vm1 =	veq.f32 v30, $0.0e+00;
	v61 =	vmul.f32 v63, v8;
	v27 =	vmul.f32 v55, v7  }
0x1d5: {  	[tilespmem:s18+$0x0] =	vst v25;
	v53 =	vld [tilespmem:s21+$0xC050];
	v54 =	vsel vm1, $0x25800000, v30;
	v26 =	vmul.f32 v59, v7;
	v55 =	vmul.f32 v60, v8  }
0x1d6: {  	v13 =	vld [tilespmem:s12+$0x30];
	[tilespmem:s18+$0x10] =	vst v23;
	vm1 =	veq.f32 v28, $0.0e+00;
	v56 =	vmul.f32 v62, v7;
	v62 =	vmul.f32 v47, v7  }
0x1d7: {  	v16 =	vld [tilespmem:s12+$0x60];
	[tilespmem:s18+$0x40] =	vst v45;
	v28 =	vsel vm1, $0x25800000, v28;
	v43 =	vmul.f32 v48, v8;
	v44 =	vmul.f32 v49, v7  }
0x1d8: {  	[tilespmem:s18+$0x30] =	vst v10;
	v59 =	vld [tilespmem:s21+$0xC060];
	v29 =	vmul.f32 v51, v8;
	v35 =	vmul.f32 v57, v8;
	v24 =	vadd.f32 v27, v24  }
0x1d9: {  	[tilespmem:s18+$0x50] =	vst v50;
	v63 =	vld [tilespmem:s21+$0x70];
	v47 =	vmul.f32 v40, v7;
	v58 =	vadd.f32 v26, v52;
	v60 =	vadd.f32 v56, v55  }
0x1da: {  	v31 =	vld [tilespmem:s12+$0xC070];
	[tilespmem:s18+$0x60] =	vst v54;
	v26 =	vadd.f32 v62, v61;
	v27 =	vmul.f32 v53, v7;
	vm2 =	veq.f32 v24, $0.0e+00  }
0x1db: {  	s17 =	sor.u32 s17, s14;
	v34 =	vld [tilespmem:s12+$0x70];
	[tilespmem:s18+$0x70] =	vst v28;
	v38 =	vadd.f32 v44, v43;
	vm1 =	veq.f32 v58, $0.0e+00;
	v24 =	vsel vm2, $0x25800000, v24  }
0x1dc: {  	v30 =	vld [tilespmem:s17+$0x0];
	v45 =	vadd.f32 v27, v29;
	v9 =	vsel vm1, $0x25800000, v58;
	vm1 =	veq.f32 v60, $0.0e+00;
	[tilespmem:s21+$0x0] =	vst v24  }
0x1dd: {  	v28 =	vld [tilespmem:s17+$0xC000];
	v25 =	vmul.f32 v59, v7;
	v10 =	vsel vm1, $0x25800000, v60;
	vm1 =	veq.f32 v26, $0.0e+00;
	[tilespmem:s21+$0x10] =	vst v9  }
0x1de: {  	v23 =	vld [tilespmem:s17+$0x10];
	v46 =	vmul.f32 v63, v8;
	[tilespmem:s21+$0x20] =	vst v10;
	v48 =	vsel vm1, $0x25800000, v26;
	vm1 =	veq.f32 v38, $0.0e+00  }
0x1df: {  	v27 =	vld [tilespmem:s17+$0x30];
	v35 =	vadd.f32 v25, v35;
	[tilespmem:s21+$0x30] =	vst v48;
	v49 =	vsel vm1, $0x25800000, v38;
	vm1 =	veq.f32 v45, $0.0e+00  }
0x1e0: {  	s20 =	sor.u32 s16, s0;
	v36 =	vadd.f32 v47, v46;
	v10 =	vld [tilespmem:s29+$0x80];
	[tilespmem:s21+$0x40] =	vst v49;
	v9 =	vsel vm1, $0x25800000, v45  }
0x1e1: {  	vm1 =	veq.f32 v35, $0.0e+00;
	[tilespmem:s21+$0x50] =	vst v9;
	v9 =	vld [tilespmem:s20+$0x0]  }
0x1e2: {  	v50 =	vsel vm1, $0x25800000, v35;
	vm1 =	veq.f32 v36, $0.0e+00;
	v53 =	vld [tilespmem:s20+$0x10]  }
0x1e3: {  	[tilespmem:s21+$0x60] =	vst v50;
	v51 =	vsel vm1, $0x25800000, v36;
	v55 =	vld [tilespmem:s20+$0x20]  }
0x1e4: {  	[tilespmem:s21+$0x70] =	vst v51;
	v57 =	vld [tilespmem:s20+$0x30]  }
0x1e5: {  	v52 =	vld [tilespmem:s20+$0xC000]  }
0x1e6: {  	v54 =	vld [tilespmem:s20+$0xC010]  }
0x1e7: {  	v56 =	vld [tilespmem:s20+$0xC020]  }
0x1e8: {  	v58 =	vld [tilespmem:s20+$0xC030]  }
0x1e9: {  	v59 =	vld [tilespmem:s20+$0x40]  }
0x1ea: {  	v60 =	vld [tilespmem:s20+$0xC040]  }
0x1eb: {  	v61 =	vld [tilespmem:s20+$0x50]  }
0x1ec: {  	v62 =	vld [tilespmem:s20+$0xC050]  }
0x1ed: {  	v63 =	vld [tilespmem:s20+$0x60]  }
0x1ee: {  	v47 =	vld [tilespmem:s20+$0xC060]  }
0x1ef: {  	s21 =	sadd.s32 $0x180, s30;
	v48 =	vld [tilespmem:s20+$0x70]  }
0x1f0: {  	v32 =	vmul.f32 v32, v4;
	v49 =	vld [tilespmem:s20+$0xC070];
	s18 =	sand.u32 $0x380, s21  }
0x1f1: {  	v33 =	vmul.f32 v33, v3;
	s15 =	sor.u32 s15, s18;
	v50 =	vmul.f32 v9, v8;
	v9 =	vld [tilespmem:s28+$0x80]  }
0x1f2: {  	v36 =	vmul.f32 v53, v8;
	v51 =	vld [tilespmem:s15+$0x0];
	v38 =	vmul.f32 v55, v8  }
0x1f3: {  	v40 =	vld [tilespmem:s15+$0xC010];
	v55 =	vmul.f32 v57, v8;
	v35 =	vmul.f32 v52, v7  }
0x1f4: {  	v43 =	vld [tilespmem:s15+$0x30];
	v37 =	vmul.f32 v54, v7;
	v39 =	vmul.f32 v56, v7  }
0x1f5: {  	v53 =	vld [tilespmem:s15+$0xC030];
	v56 =	vmul.f32 v58, v7;
	v59 =	vmul.f32 v59, v8  }
0x1f6: {  	v42 =	vld [tilespmem:s15+$0x40];
	v60 =	vmul.f32 v60, v7;
	v44 =	vmul.f32 v61, v8  }
0x1f7: {  	v57 =	vld [tilespmem:s15+$0x20];
	v45 =	vmul.f32 v62, v7;
	v61 =	vmul.f32 v63, v8;
	v35 =	vadd.f32 v35, v50  }
0x1f8: {  	v52 =	vld [tilespmem:s15+$0x10];
	v62 =	vmul.f32 v47, v7;
	v36 =	vadd.f32 v37, v36;
	v37 =	vadd.f32 v33, v32  }
0x1f9: {  	v58 =	vld [tilespmem:s15+$0xC020];
	v48 =	vmul.f32 v48, v8;
	v38 =	vadd.f32 v39, v38;
	v32 =	vadd.f32 v56, v55  }
0x1fa: {  	v63 =	vld [tilespmem:s15+$0xC040];
	v49 =	vmul.f32 v49, v7;
	v41 =	vadd.f32 v60, v59;
	v44 =	vadd.f32 v45, v44  }
0x1fb: {  	v54 =	vld [tilespmem:s15+$0x50];
	v45 =	vadd.f32 v62, v61;
	v61 =	vmul.f32 v51, v10;
	v40 =	vmul.f32 v40, v9  }
0x1fc: {  	v47 =	vld [tilespmem:s15+$0xC410];
	v48 =	vadd.f32 v49, v48;
	v43 =	vmul.f32 v43, v10;
	v53 =	vmul.f32 v53, v9  }
0x1fd: {  	v29 =	vld [tilespmem:s17+$0xC030];
	v42 =	vmul.f32 v42, v10;
	vm1 =	veq.f32 v35, $0.0e+00;
	vm2 =	veq.f32 v36, $0.0e+00  }
0x1fe: {  	v50 =	vld [tilespmem:s15+$0xC000];
	v39 =	vmul.f32 v57, v10;
	v35 =	vsel vm1, $0x25800000, v35;
	v36 =	vsel vm2, $0x25800000, v36  }
0x1ff: {  	v60 =	vld [tilespmem:s15+$0xC050];
	vm1 =	veq.f32 v38, $0.0e+00;
	v52 =	vmul.f32 v52, v10;
	v33 =	vmul.f32 v58, v9  }
0x200: {  	v56 =	vld [tilespmem:s15+$0x400];
	vm2 =	veq.f32 v32, $0.0e+00;
	v63 =	vmul.f32 v63, v9;
	v58 =	vmul.f32 v54, v10  }
0x201: {  	v62 =	vld [tilespmem:s15+$0x60];
	v47 =	vmul.f32 v47, v9;
	v38 =	vsel vm1, $0x25800000, v38;
	v32 =	vsel vm2, $0x25800000, v32  }
0x202: {  	v55 =	vld [tilespmem:s15+$0xC060];
	vm1 =	veq.f32 v41, $0.0e+00;
	vm2 =	veq.f32 v48, $0.0e+00;
	[tilespmem:s20+$0x0] =	vst v35;
	v35 =	vadd.f32 v53, v43  }
0x203: {  	v57 =	vld [tilespmem:s15+$0xC400];
	v41 =	vsel vm1, $0x25800000, v41;
	vm1 =	veq.f32 v44, $0.0e+00;
	v50 =	vmul.f32 v50, v9  }
0x204: {  	v53 =	vld [tilespmem:s15+$0x420];
	v48 =	vsel vm2, $0x25800000, v48;
	v40 =	vadd.f32 v40, v52;
	v33 =	vadd.f32 v33, v39  }
0x205: {  	v52 =	vld [tilespmem:s15+$0xC070];
	v46 =	vmul.f32 v60, v9;
	v59 =	vadd.f32 v63, v42;
	v56 =	vmul.f32 v56, v10  }
0x206: {  	v39 =	vld [tilespmem:s15+$0x410];
	v44 =	vsel vm1, $0x25800000, v44;
	vm1 =	veq.f32 v45, $0.0e+00;
	v49 =	vadd.f32 v50, v61  }
0x207: {  	[tilespmem:s20+$0x10] =	vst v36;
	v42 =	vld [tilespmem:s15+$0xC420];
	v45 =	vsel vm1, $0x25800000, v45;
	v60 =	vadd.f32 v46, v58;
	v61 =	vmul.f32 v62, v10  }
0x208: {  	[tilespmem:s20+$0x20] =	vst v38;
	v50 =	vld [tilespmem:s15+$0x70];
	vm2 =	veq.f32 v40, $0.0e+00;
	v62 =	vmul.f32 v55, v9;
	v57 =	vmul.f32 v57, v9  }
0x209: {  	[tilespmem:s20+$0x30] =	vst v32;
	v55 =	vld [tilespmem:s15+$0xC430];
	v40 =	vsel vm2, $0x25800000, v40;
	vm1 =	veq.f32 v49, $0.0e+00;
	vm2 =	veq.f32 v60, $0.0e+00  }
0x20a: {  	[tilespmem:s20+$0x50] =	vst v44;
	v44 =	vld [tilespmem:s15+$0x450];
	v36 =	vadd.f32 v62, v61;
	v61 =	vmul.f32 v53, v10;
	v49 =	vsel vm1, $0x25800000, v49  }
0x20b: {  	[tilespmem:s20+$0x40] =	vst v41;
	v58 =	vld [tilespmem:s15+$0xC450];
	vm1 =	veq.f32 v33, $0.0e+00;
	v54 =	vmul.f32 v52, v9;
	v32 =	vsel vm2, $0x25800000, v60  }
0x20c: {  	[tilespmem:s20+$0x70] =	vst v48;
	v46 =	vld [tilespmem:s15+$0x430];
	v39 =	vmul.f32 v39, v10;
	v33 =	vsel vm1, $0x25800000, v33;
	vm1 =	veq.f32 v35, $0.0e+00  }
0x20d: {  	[tilespmem:s20+$0x60] =	vst v45;
	v62 =	vld [tilespmem:s15+$0xC460];
	v60 =	vadd.f32 v57, v56;
	v42 =	vmul.f32 v42, v9;
	v35 =	vsel vm1, $0x25800000, v35  }
0x20e: {  	v43 =	vld [tilespmem:s15+$0x440];
	[tilespmem:s15+$0x10] =	vst v40;
	v63 =	vmul.f32 v50, v10;
	vm1 =	veq.f32 v59, $0.0e+00;
	v39 =	vadd.f32 v47, v39  }
0x20f: {  	v52 =	vld [tilespmem:s15+$0x470];
	[tilespmem:s15+$0x0] =	vst v49;
	v51 =	vmul.f32 v55, v9;
	v42 =	vadd.f32 v42, v61;
	v44 =	vmul.f32 v44, v10  }
0x210: {  	[tilespmem:s15+$0x50] =	vst v32;
	v50 =	vmul.f32 v58, v9;
	v38 =	vsel vm1, $0x25800000, v59;
	vm1 =	veq.f32 v36, $0.0e+00;
	v59 =	vld [tilespmem:s15+$0x460]  }
0x211: {  	v56 =	vld [tilespmem:s15+$0xC440];
	[tilespmem:s15+$0x20] =	vst v33;
	v41 =	vadd.f32 v54, v63;
	v63 =	vmul.f32 v46, v10;
	v53 =	vsel vm1, $0x25800000, v36  }
0x212: {  	[tilespmem:s15+$0x30] =	vst v35;
	v54 =	vld [tilespmem:s15+$0xC470];
	vm1 =	veq.f32 v60, $0.0e+00;
	v48 =	vmul.f32 v62, v9;
	v58 =	vadd.f32 v50, v44  }
0x213: {  	v24 =	vld [tilespmem:s17+$0xC010];
	[tilespmem:s15+$0x40] =	vst v38;
	v40 =	vsel vm1, $0x25800000, v60;
	vm1 =	veq.f32 v42, $0.0e+00;
	v60 =	vmul.f32 v43, v10  }
0x214: {  	v25 =	vld [tilespmem:s17+$0x20];
	[tilespmem:s15+$0x60] =	vst v53;
	vm2 =	veq.f32 v41, $0.0e+00;
	v55 =	vadd.f32 v51, v63;
	v42 =	vsel vm1, $0x25800000, v42  }
0x215: {  	v26 =	vld [tilespmem:s17+$0xC020];
	[tilespmem:s15+$0x400] =	vst v40;
	v41 =	vsel vm2, $0x25800000, v41;
	vm2 =	veq.f32 v39, $0.0e+00;
	v57 =	vmul.f32 v59, v10  }
0x216: {  	v32 =	vld [tilespmem:s17+$0x50];
	v61 =	vmul.f32 v56, v9;
	[tilespmem:s15+$0x420] =	vst v42;
	v39 =	vsel vm2, $0x25800000, v39;
	vm1 =	veq.f32 v55, $0.0e+00  }
0x217: {  	s21 =	sor.u32 s16, s31;
	v33 =	vld [tilespmem:s17+$0x40];
	[tilespmem:s15+$0x70] =	vst v41;
	v59 =	vmul.f32 v52, v10;
	v45 =	vmul.f32 v54, v9;
	v41 =	vadd.f32 v48, v57  }
0x218: {  	v47 =	vld [tilespmem:s21+$0x0];
	[tilespmem:s15+$0x410] =	vst v39;
	v38 =	vsel vm1, $0x25800000, v55;
	vm1 =	veq.f32 v58, $0.0e+00;
	v48 =	vadd.f32 v61, v60  }
0x219: {  	v46 =	vld [tilespmem:s21+$0xC000];
	[tilespmem:s15+$0x430] =	vst v38;
	v49 =	vsel vm1, $0x25800000, v58;
	v62 =	vadd.f32 v45, v59;
	vm1 =	veq.f32 v41, $0.0e+00  }
0x21a: {  	v63 =	vld [tilespmem:s21+$0x10];
	[tilespmem:s15+$0x450] =	vst v49;
	vm2 =	veq.f32 v48, $0.0e+00;
	v50 =	vsel vm1, $0x25800000, v41  }
0x21b: {  	v40 =	vld [tilespmem:s21+$0xC010];
	vm1 =	veq.f32 v62, $0.0e+00;
	v38 =	vsel vm2, $0x25800000, v48;
	[tilespmem:s15+$0x460] =	vst v50  }
0x21c: {  	v11 =	vmul.f32 v11, v3;
	v18 =	vmul.f32 v18, v3;
	s1 =	sor.u32 s18, s1;
	v42 =	vld [tilespmem:s21+$0xC020];
	v51 =	vsel vm1, $0x25800000, v62;
	[tilespmem:s15+$0x440] =	vst v38  }
0x21d: {  	v19 =	vmul.f32 v19, v4;
	v22 =	vmul.f32 v22, v3;
	[tilespmem:s15+$0x470] =	vst v51;
	v59 =	vld [tilespmem:s1+$0x30]  }
0x21e: {  	v12 =	vmul.f32 v12, v4;
	v14 =	vmul.f32 v14, v4;
	v38 =	vld [tilespmem:s1+$0x0]  }
0x21f: {  	v17 =	vmul.f32 v17, v4;
	v21 =	vmul.f32 v21, v3;
	v54 =	vld [tilespmem:s1+$0xC000]  }
0x220: {  	v11 =	vadd.f32 v11, v12;
	v15 =	vmul.f32 v15, v3;
	v53 =	vmul.f32 v13, v4;
	v55 =	vld [tilespmem:s1+$0x10]  }
0x221: {  	v20 =	vmul.f32 v20, v3;
	v21 =	vadd.f32 v21, v17;
	v16 =	vmul.f32 v16, v4;
	v39 =	vld [tilespmem:s1+$0xC010]  }
0x222: {  	v34 =	vmul.f32 v34, v4;
	v52 =	vadd.f32 v18, v14;
	v14 =	vadd.f32 v15, v53;
	v56 =	vld [tilespmem:s1+$0x20]  }
0x223: {  	v46 =	vmul.f32 v46, v7;
	v58 =	vadd.f32 v22, v19;
	vm1 =	veq.f32 v37, $0.0e+00;
	v57 =	vld [tilespmem:s1+$0xC020]  }
0x224: {  	v61 =	vmul.f32 v47, v8;
	v13 =	vsel vm1, $0x25800000, v37;
	vm1 =	veq.f32 v11, $0.0e+00;
	v60 =	vld [tilespmem:s1+$0xC030]  }
0x225: {  	v44 =	vmul.f32 v63, v8;
	v17 =	vsel vm1, $0x25800000, v11;
	vm1 =	veq.f32 v14, $0.0e+00;
	v62 =	vld [tilespmem:s1+$0x50]  }
0x226: {  	vm2 =	veq.f32 v52, $0.0e+00;
	v63 =	vld [tilespmem:s1+$0xC050];
	v14 =	vsel vm1, $0x25800000, v14;
	vm1 =	veq.f32 v21, $0.0e+00  }
0x227: {  	v22 =	vadd.f32 v46, v61;
	v15 =	vsel vm2, $0x25800000, v52;
	v46 =	vld [tilespmem:s1+$0x60];
	v11 =	vsel vm1, $0x25800000, v21  }
0x228: {  	v61 =	vld [tilespmem:s1+$0xC040];
	vm1 =	veq.f32 v58, $0.0e+00;
	v19 =	vmul.f32 v59, v10;
	v38 =	vmul.f32 v38, v10  }
0x229: {  	v12 =	vsel vm1, $0x25800000, v58;
	v58 =	vld [tilespmem:s1+$0x70];
	v18 =	vmul.f32 v54, v9;
	v52 =	vmul.f32 v55, v10  }
0x22a: {  	v53 =	vmul.f32 v39, v9;
	v54 =	vld [tilespmem:s1+$0xC060];
	v55 =	vmul.f32 v56, v10  }
0x22b: {  	v4 =	vadd.f32 v20, v16;
	v56 =	vmul.f32 v57, v9;
	v21 =	vmul.f32 v60, v9;
	v60 =	vld [tilespmem:s1+$0xC070]  }
0x22c: {  	v57 =	vld [tilespmem:s1+$0x40];
	v62 =	vmul.f32 v62, v10;
	v63 =	vmul.f32 v63, v9;
	v18 =	vadd.f32 v18, v38  }
0x22d: {  	v41 =	vld [tilespmem:s21+$0x20];
	v46 =	vmul.f32 v46, v10;
	v16 =	vadd.f32 v53, v52;
	v59 =	vadd.f32 v56, v55  }
0x22e: {  	v48 =	vld [tilespmem:s21+$0x30];
	v19 =	vadd.f32 v21, v19;
	v43 =	vadd.f32 v63, v62;
	v21 =	vmul.f32 v61, v9  }
0x22f: {  	v52 =	vld [tilespmem:s21+$0xC030];
	v38 =	vmul.f32 v58, v10;
	vm2 =	veq.f32 v18, $0.0e+00;
	v37 =	vmul.f32 v54, v9  }
0x230: {  	v53 =	vld [tilespmem:s21+$0x40];
	v18 =	vsel vm2, $0x25800000, v18;
	vm2 =	veq.f32 v16, $0.0e+00;
	v39 =	vmul.f32 v60, v9  }
0x231: {  	v56 =	vld [tilespmem:s21+$0xC050];
	v45 =	vmul.f32 v57, v10;
	v16 =	vsel vm2, $0x25800000, v16;
	vm2 =	veq.f32 v59, $0.0e+00;
	[tilespmem:s1+$0x0] =	vst v18  }
0x232: {  	v61 =	vld [tilespmem:s21+$0x70];
	v37 =	vadd.f32 v37, v46;
	v20 =	vsel vm2, $0x25800000, v59;
	[tilespmem:s1+$0x10] =	vst v16;
	vm2 =	veq.f32 v19, $0.0e+00  }
0x233: {  	v62 =	vld [tilespmem:s21+$0xC070];
	v55 =	vadd.f32 v39, v38;
	[tilespmem:s1+$0x20] =	vst v20;
	v19 =	vsel vm2, $0x25800000, v19;
	vm2 =	veq.f32 v43, $0.0e+00  }
0x234: {  	v58 =	vld [tilespmem:s21+$0x60];
	v57 =	vadd.f32 v21, v45;
	[tilespmem:s1+$0x30] =	vst v19;
	v59 =	vsel vm2, $0x25800000, v43;
	vm2 =	veq.f32 v37, $0.0e+00  }
0x235: {  	v54 =	vld [tilespmem:s21+$0xC040];
	[tilespmem:s1+$0x50] =	vst v59;
	v37 =	vsel vm2, $0x25800000, v37;
	vm2 =	veq.f32 v55, $0.0e+00  }
0x236: {  	v3 =	vmul.f32 v31, v3;
	v60 =	vld [tilespmem:s21+$0xC060];
	[tilespmem:s1+$0x60] =	vst v37;
	v20 =	vsel vm2, $0x25800000, v55;
	vm2 =	veq.f32 v57, $0.0e+00  }
0x237: {  	s19 =	sor.u32 s18, s0;
	v40 =	vmul.f32 v40, v7;
	v16 =	vld [tilespmem:s21+$0x50];
	v19 =	vsel vm2, $0x25800000, v57;
	[tilespmem:s1+$0x70] =	vst v20  }
0x238: {  	v34 =	vadd.f32 v3, v34;
	v42 =	vmul.f32 v42, v7;
	v41 =	vmul.f32 v41, v8;
	[tilespmem:s1+$0x40] =	vst v19;
	v51 =	vld [tilespmem:s19+$0x0]  }
0x239: {  	v40 =	vadd.f32 v40, v44;
	v50 =	vmul.f32 v52, v7;
	v52 =	vmul.f32 v53, v8;
	v53 =	vld [tilespmem:s19+$0xC000]  }
0x23a: {  	v49 =	vmul.f32 v48, v8;
	vm1 =	veq.f32 v22, $0.0e+00;
	v18 =	vmul.f32 v54, v7;
	v54 =	vld [tilespmem:s19+$0x10]  }
0x23b: {  	v22 =	vsel vm1, $0x25800000, v22;
	vm1 =	veq.f32 v40, $0.0e+00;
	v63 =	vadd.f32 v42, v41;
	v55 =	vld [tilespmem:s19+$0xC010]  }
0x23c: {  	v40 =	vsel vm1, $0x25800000, v40;
	v38 =	vmul.f32 v56, v7;
	v21 =	vmul.f32 v58, v8;
	v56 =	vld [tilespmem:s19+$0x20]  }
0x23d: {  	vm1 =	veq.f32 v63, $0.0e+00;
	v58 =	vmul.f32 v62, v7;
	v39 =	vmul.f32 v60, v7;
	v57 =	vld [tilespmem:s19+$0xC020]  }
0x23e: {  	v20 =	vadd.f32 v50, v49;
	v18 =	vadd.f32 v18, v52;
	v16 =	vmul.f32 v16, v8;
	v59 =	vld [tilespmem:s19+$0x30]  }
0x23f: {  	v37 =	vmul.f32 v61, v8;
	v21 =	vadd.f32 v39, v21;
	v19 =	vsel vm1, $0x25800000, v63;
	v60 =	vld [tilespmem:s19+$0xC030]  }
0x240: {  	vm1 =	veq.f32 v20, $0.0e+00;
	vm2 =	veq.f32 v18, $0.0e+00;
	v16 =	vadd.f32 v38, v16;
	v61 =	vld [tilespmem:s19+$0x50]  }
0x241: {  	v37 =	vadd.f32 v58, v37;
	v62 =	vld [tilespmem:s19+$0xC050];
	v20 =	vsel vm1, $0x25800000, v20;
	v18 =	vsel vm2, $0x25800000, v18  }
0x242: {  	v63 =	vld [tilespmem:s19+$0x60];
	vm2 =	veq.f32 v21, $0.0e+00;
	vm1 =	veq.f32 v16, $0.0e+00;
	v42 =	vmul.f32 v51, v10  }
0x243: {  	v50 =	vld [tilespmem:s19+$0xC060];
	v3 =	vsel vm1, $0x25800000, v16;
	v45 =	vmul.f32 v53, v9;
	v48 =	vmul.f32 v54, v10  }
0x244: {  	v35 =	vld [tilespmem:s17+$0xC050];
	[tilespmem:s21+$0x0] =	vst v22;
	v16 =	vsel vm2, $0x25800000, v21;
	v49 =	vmul.f32 v55, v9;
	v52 =	vmul.f32 v56, v10  }
0x245: {  	[tilespmem:s21+$0x10] =	vst v40;
	v58 =	vld [tilespmem:s19+$0xC070];
	vm1 =	veq.f32 v37, $0.0e+00;
	v38 =	vmul.f32 v57, v9;
	v55 =	vmul.f32 v59, v10  }
0x246: {  	[tilespmem:s21+$0x20] =	vst v19;
	v22 =	vsel vm1, $0x25800000, v37;
	v31 =	vmul.f32 v60, v9;
	v56 =	vld [tilespmem:s19+$0x70];
	v61 =	vmul.f32 v61, v10  }
0x247: {  	[tilespmem:s21+$0x50] =	vst v3;
	v53 =	vld [tilespmem:s19+$0x40];
	v21 =	vmul.f32 v62, v9;
	v3 =	vmul.f32 v63, v10;
	v51 =	vadd.f32 v45, v42  }
0x248: {  	[tilespmem:s21+$0x30] =	vst v20;
	v60 =	vld [tilespmem:s19+$0xC040];
	v62 =	vmul.f32 v50, v9;
	v54 =	vadd.f32 v49, v48;
	v57 =	vadd.f32 v38, v52  }
0x249: {  	v36 =	vld [tilespmem:s17+$0xC040];
	[tilespmem:s21+$0x40] =	vst v18;
	vm1 =	veq.f32 v4, $0.0e+00;
	v59 =	vadd.f32 v31, v55;
	v21 =	vadd.f32 v21, v61  }
0x24a: {  	v40 =	vld [tilespmem:s17+$0x70];
	[tilespmem:s21+$0x60] =	vst v16;
	v3 =	vadd.f32 v62, v3;
	v38 =	vmul.f32 v58, v9;
	vm2 =	veq.f32 v51, $0.0e+00  }
0x24b: {  	s20 =	sor.u32 s16, s14;
	v39 =	vld [tilespmem:s17+$0x60];
	[tilespmem:s21+$0x70] =	vst v22;
	v44 =	vsel vm2, $0x25800000, v51;
	vm2 =	veq.f32 v54, $0.0e+00;
	v46 =	vmul.f32 v56, v10  }
0x24c: {  	v16 =	vld [tilespmem:s20+$0x0];
	v47 =	vmul.f32 v53, v10;
	v19 =	vsel vm2, $0x25800000, v54;
	vm2 =	veq.f32 v57, $0.0e+00;
	[tilespmem:s19+$0x0] =	vst v44  }
0x24d: {  	v63 =	vld [tilespmem:s17+$0xC060];
	v31 =	vmul.f32 v60, v9;
	v20 =	vsel vm2, $0x25800000, v57;
	[tilespmem:s19+$0x10] =	vst v19;
	vm2 =	veq.f32 v59, $0.0e+00  }
0x24e: {  	v41 =	vld [tilespmem:s20+$0xC050];
	v22 =	vadd.f32 v38, v46;
	[tilespmem:s19+$0x20] =	vst v20;
	v18 =	vsel vm2, $0x25800000, v59;
	vm2 =	veq.f32 v21, $0.0e+00  }
0x24f: {  	v43 =	vld [tilespmem:s20+$0x60];
	v31 =	vadd.f32 v31, v47;
	[tilespmem:s19+$0x30] =	vst v18;
	v21 =	vsel vm2, $0x25800000, v21;
	vm2 =	veq.f32 v3, $0.0e+00  }
0x250: {  	v42 =	vld [tilespmem:s17+$0xC070];
	v62 =	vmul.f32 v39, v5;
	[tilespmem:s19+$0x50] =	vst v21;
	v48 =	vsel vm2, $0x25800000, v3;
	vm2 =	veq.f32 v22, $0.0e+00  }
0x251: {  	v39 =	vld [tilespmem:s20+$0x50];
	v3 =	vsel vm1, $0x25800000, v4;
	vm1 =	veq.f32 v31, $0.0e+00;
	[tilespmem:s19+$0x60] =	vst v48;
	v49 =	vsel vm2, $0x25800000, v22  }
0x252: {  	v30 =	vmul.f32 v30, v5;
	v28 =	vmul.f32 v28, v6;
	s21 =	sor.u32 s18, s31;
	v19 =	vld [tilespmem:s20+$0xC000];
	v50 =	vsel vm1, $0x25800000, v31;
	[tilespmem:s19+$0x70] =	vst v49  }
0x253: {  	v23 =	vmul.f32 v23, v5;
	v24 =	vmul.f32 v24, v6;
	[tilespmem:s19+$0x40] =	vst v50;
	v51 =	vld [tilespmem:s21+$0x0]  }
0x254: {  	v25 =	vmul.f32 v25, v5;
	v26 =	vmul.f32 v26, v6;
	v52 =	vld [tilespmem:s21+$0xC000]  }
0x255: {  	v28 =	vadd.f32 v28, v30;
	v32 =	vmul.f32 v32, v5;
	v35 =	vmul.f32 v35, v6;
	v55 =	vld [tilespmem:s21+$0x10]  }
0x256: {  	v23 =	vadd.f32 v24, v23;
	v53 =	vmul.f32 v27, v5;
	v56 =	vmul.f32 v33, v5;
	v58 =	vld [tilespmem:s21+$0xC010]  }
0x257: {  	v25 =	vadd.f32 v26, v25;
	v37 =	vmul.f32 v63, v6;
	v54 =	vmul.f32 v29, v6;
	v59 =	vld [tilespmem:s21+$0x20]  }
0x258: {  	v32 =	vadd.f32 v35, v32;
	v5 =	vmul.f32 v40, v5;
	v57 =	vmul.f32 v36, v6;
	v60 =	vld [tilespmem:s21+$0xC020]  }
0x259: {  	v6 =	vmul.f32 v42, v6;
	v35 =	vadd.f32 v37, v62;
	v24 =	vadd.f32 v54, v53;
	v61 =	vld [tilespmem:s21+$0x30]  }
0x25a: {  	v26 =	vadd.f32 v57, v56;
	vm2 =	veq.f32 v34, $0.0e+00;
	vm1 =	veq.f32 v28, $0.0e+00;
	v38 =	vld [tilespmem:s21+$0xC030]  }
0x25b: {  	v4 =	vsel vm2, $0x25800000, v34;
	v28 =	vsel vm1, $0x25800000, v28;
	vm1 =	veq.f32 v23, $0.0e+00;
	v63 =	vld [tilespmem:s21+$0x50]  }
0x25c: {  	vm2 =	veq.f32 v24, $0.0e+00;
	v23 =	vsel vm1, $0x25800000, v23;
	vm1 =	veq.f32 v25, $0.0e+00;
	v44 =	vld [tilespmem:s21+$0xC050]  }
0x25d: {  	v24 =	vsel vm2, $0x25800000, v24;
	v45 =	vld [tilespmem:s21+$0x60];
	v25 =	vsel vm1, $0x25800000, v25;
	v30 =	vmul.f32 v51, v10  }
0x25e: {  	v46 =	vld [tilespmem:s21+$0xC060];
	vm1 =	veq.f32 v26, $0.0e+00;
	v31 =	vmul.f32 v52, v9;
	v29 =	vmul.f32 v55, v10  }
0x25f: {  	v48 =	vld [tilespmem:s21+$0x40];
	v26 =	vsel vm1, $0x25800000, v26;
	v34 =	vmul.f32 v58, v9;
	v27 =	vmul.f32 v59, v10  }
0x260: {  	v62 =	vld [tilespmem:s20+$0x40];
	vm1 =	veq.f32 v32, $0.0e+00;
	v47 =	vmul.f32 v60, v9;
	v49 =	vmul.f32 v61, v10  }
0x261: {  	v32 =	vsel vm1, $0x25800000, v32;
	v50 =	vmul.f32 v38, v9;
	v51 =	vld [tilespmem:s21+$0x70];
	v55 =	vmul.f32 v63, v10  }
0x262: {  	vm1 =	veq.f32 v35, $0.0e+00;
	v52 =	vld [tilespmem:s21+$0xC070];
	v56 =	vmul.f32 v44, v9;
	v58 =	vmul.f32 v45, v10  }
0x263: {  	v54 =	vld [tilespmem:s21+$0xC040];
	v37 =	vmul.f32 v46, v9;
	v30 =	vadd.f32 v31, v30;
	v29 =	vadd.f32 v34, v29  }
0x264: {  	[tilespmem:s12+$0x20] =	vst v15;
	v20 =	vld [tilespmem:s20+$0xC010];
	v33 =	vmul.f32 v48, v10;
	v27 =	vadd.f32 v47, v27;
	v53 =	vadd.f32 v50, v49  }
0x265: {  	[tilespmem:s12+$0x0] =	vst v13;
	v18 =	vld [tilespmem:s20+$0x10];
	v59 =	vadd.f32 v56, v55;
	v61 =	vadd.f32 v37, v58;
	vm2 =	veq.f32 v30, $0.0e+00  }
0x266: {  	[tilespmem:s12+$0x30] =	vst v14;
	v57 =	vld [tilespmem:s20+$0x30];
	v30 =	vsel vm2, $0x25800000, v30;
	vm2 =	veq.f32 v29, $0.0e+00;
	v38 =	vmul.f32 v51, v10  }
0x267: {  	v21 =	vld [tilespmem:s20+$0x20];
	v31 =	vmul.f32 v52, v9;
	v29 =	vsel vm2, $0x25800000, v29;
	vm2 =	veq.f32 v27, $0.0e+00;
	[tilespmem:s21+$0x0] =	vst v30  }
0x268: {  	v22 =	vld [tilespmem:s20+$0xC020];
	v34 =	vmul.f32 v54, v9;
	v27 =	vsel vm2, $0x25800000, v27;
	[tilespmem:s21+$0x10] =	vst v29;
	vm2 =	veq.f32 v53, $0.0e+00  }
0x269: {  	v60 =	vld [tilespmem:s20+$0xC030];
	v40 =	vadd.f32 v31, v38;
	[tilespmem:s21+$0x20] =	vst v27;
	v13 =	vsel vm2, $0x25800000, v53;
	vm2 =	veq.f32 v59, $0.0e+00  }
0x26a: {  	v63 =	vld [tilespmem:s20+$0xC040];
	v42 =	vadd.f32 v34, v33;
	[tilespmem:s21+$0x30] =	vst v13;
	v15 =	vsel vm2, $0x25800000, v59;
	vm2 =	veq.f32 v61, $0.0e+00  }
0x26b: {  	v44 =	vsel vm1, $0x25800000, v35;
	v45 =	vld [tilespmem:s20+$0xC060];
	vm1 =	veq.f32 v40, $0.0e+00;
	[tilespmem:s21+$0x50] =	vst v15;
	v14 =	vsel vm2, $0x25800000, v61  }
0x26c: {  	v46 =	vld [tilespmem:s20+$0x70];
	v47 =	vsel vm1, $0x25800000, v40;
	vm1 =	veq.f32 v42, $0.0e+00;
	[tilespmem:s21+$0x60] =	vst v14  }
0x26d: {  	s31 =	sor.u32 s18, s14;
	v48 =	vld [tilespmem:s20+$0xC070];
	[tilespmem:s21+$0x70] =	vst v47;
	v13 =	vsel vm1, $0x25800000, v42  }
0x26e: {  	v16 =	vmul.f32 v16, v8;
	v19 =	vmul.f32 v19, v7;
	[tilespmem:s21+$0x40] =	vst v13;
	v49 =	vld [tilespmem:s31+$0x0]  }
0x26f: {  	v20 =	vmul.f32 v20, v7;
	v18 =	vmul.f32 v18, v8;
	v53 =	vld [tilespmem:s31+$0xC000]  }
0x270: {  	[tilespmem:s12+$0x10] =	vst v17;
	v17 =	vmul.f32 v57, v8;
	v57 =	vmul.f32 v62, v8;
	v56 =	vld [tilespmem:s31+$0x10]  }
0x271: {  	[tilespmem:s12+$0x40] =	vst v11;
	v5 =	vadd.f32 v6, v5;
	v51 =	vmul.f32 v21, v8;
	v52 =	vmul.f32 v22, v7;
	v59 =	vld [tilespmem:s31+$0xC010]  }
0x272: {  	[tilespmem:s12+$0x60] =	vst v3;
	v50 =	vadd.f32 v19, v16;
	v55 =	vmul.f32 v60, v7;
	v58 =	vmul.f32 v63, v7;
	v63 =	vld [tilespmem:s31+$0x20]  }
0x273: {  	[tilespmem:s17+$0x0] =	vst v28;
	v62 =	vmul.f32 v41, v7;
	v54 =	vadd.f32 v20, v18;
	v3 =	vadd.f32 v52, v51;
	v28 =	vld [tilespmem:s31+$0xC020]  }
0x274: {  	[tilespmem:s12+$0x50] =	vst v12;
	v6 =	vmul.f32 v46, v8;
	v60 =	vadd.f32 v55, v17;
	v16 =	vadd.f32 v58, v57;
	v30 =	vld [tilespmem:s31+$0x30]  }
0x275: {  	[tilespmem:s12+$0x70] =	vst v4;
	v29 =	vmul.f32 v43, v8;
	v61 =	vmul.f32 v39, v8;
	vm1 =	veq.f32 v5, $0.0e+00;
	v31 =	vld [tilespmem:s31+$0xC030]  }
0x276: {  	[tilespmem:s17+$0x10] =	vst v23;
	v15 =	vmul.f32 v45, v7;
	v5 =	vsel vm1, $0x25800000, v5;
	vm1 =	veq.f32 v50, $0.0e+00;
	v33 =	vld [tilespmem:s31+$0x40]  }
0x277: {  	[tilespmem:s17+$0x30] =	vst v24;
	v7 =	vmul.f32 v48, v7;
	v11 =	vsel vm1, $0x25800000, v50;
	vm1 =	veq.f32 v54, $0.0e+00;
	v36 =	vld [tilespmem:s31+$0xC040]  }
0x278: {  	[tilespmem:s17+$0x20] =	vst v25;
	v17 =	vadd.f32 v62, v61;
	v37 =	vld [tilespmem:s31+$0x50];
	v12 =	vsel vm1, $0x25800000, v54;
	vm1 =	veq.f32 v3, $0.0e+00  }
0x279: {  	[tilespmem:s17+$0x40] =	vst v26;
	v15 =	vadd.f32 v15, v29;
	v6 =	vadd.f32 v7, v6;
	v38 =	vld [tilespmem:s31+$0xC050];
	v3 =	vsel vm1, $0x25800000, v3  }
0x27a: {  	[tilespmem:s17+$0x50] =	vst v32;
	v45 =	vld [tilespmem:s31+$0x60];
	vm1 =	veq.f32 v60, $0.0e+00;
	v13 =	vmul.f32 v49, v10;
	v35 =	vmul.f32 v53, v9  }
0x27b: {  	[tilespmem:s17+$0x60] =	vst v44;
	v48 =	vld [tilespmem:s31+$0x70];
	v4 =	vsel vm1, $0x25800000, v60;
	v40 =	vmul.f32 v56, v10;
	v41 =	vmul.f32 v59, v9  }
0x27c: {  	[tilespmem:s17+$0x70] =	vst v5;
	v51 =	vld [tilespmem:s31+$0xC060];
	vm1 =	veq.f32 v16, $0.0e+00;
	v42 =	vmul.f32 v63, v10;
	v19 =	vmul.f32 v28, v9  }
0x27d: {  	[tilespmem:s20+$0x0] =	vst v11;
	v39 =	vsel vm1, $0x25800000, v16;
	v44 =	vmul.f32 v30, v10;
	v8 =	vmul.f32 v31, v9  }
0x27e: {  	[tilespmem:s20+$0x10] =	vst v12;
	vm1 =	veq.f32 v17, $0.0e+00;
	v46 =	vmul.f32 v33, v10;
	v47 =	vmul.f32 v36, v9  }
0x27f: {  	[tilespmem:s20+$0x20] =	vst v3;
	v7 =	vmul.f32 v37, v10;
	v50 =	vmul.f32 v38, v9;
	v52 =	vsel vm1, $0x25800000, v17  }
0x280: {  	[tilespmem:s20+$0x30] =	vst v4;
	vm1 =	veq.f32 v15, $0.0e+00;
	v56 =	vmul.f32 v45, v10;
	v57 =	vmul.f32 v48, v10  }
0x281: {  	[tilespmem:s20+$0x40] =	vst v39;
	v53 =	vld [tilespmem:s31+$0xC070];
	v60 =	vmul.f32 v51, v9;
	v55 =	vsel vm1, $0x25800000, v15;
	v13 =	vadd.f32 v35, v13  }
0x282: {  	[tilespmem:s20+$0x50] =	vst v52;
	vm1 =	veq.f32 v6, $0.0e+00;
	v43 =	vadd.f32 v41, v40;
	v3 =	vadd.f32 v19, v42  }
0x283: {  	v49 =	vadd.f32 v8, v44;
	[tilespmem:s20+$0x60] =	vst v55;
	v6 =	vsel vm1, $0x25800000, v6;
	vm1 =	veq.f32 v13, $0.0e+00  }
0x284: {  	v11 =	vadd.f32 v47, v46;
	[tilespmem:s20+$0x70] =	vst v6;
	v58 =	vsel vm1, $0x25800000, v13;
	vm1 =	veq.f32 v43, $0.0e+00  }
0x285: {  	v54 =	vadd.f32 v50, v7;
	[tilespmem:s31+$0x0] =	vst v58;
	v59 =	vsel vm1, $0x25800000, v43;
	vm1 =	veq.f32 v3, $0.0e+00  }
0x286: {  	v61 =	vmul.f32 v53, v9;
	[tilespmem:s31+$0x10] =	vst v59;
	v3 =	vsel vm1, $0x25800000, v3;
	vm1 =	veq.f32 v49, $0.0e+00  }
0x287: {  	p0 =	slt.u32 s26, $0x3C;
	[tilespmem:s31+$0x20] =	vst v3;
	v3 =	vadd.f32 v60, v56;
	v4 =	vsel vm1, $0x25800000, v49;
	vm1 =	veq.f32 v11, $0.0e+00  }
.Ltmp0:
0x288: {  	v62 =	vadd.f32 v61, v57;
	[tilespmem:s31+$0x30] =	vst v4;
	v63 =	vsel vm1, $0x25800000, v11;
	vm1 =	veq.f32 v54, $0.0e+00;
	(pc) =	sbr.rel @p0 .LBB2_2-.Ltmp0, $4  }
0x289: {  	[tilespmem:s31+$0x40] =	vst v63;
	v5 =	vsel vm1, $0x25800000, v54;
	vm1 =	veq.f32 v3, $0.0e+00  }
0x28a: {  	[tilespmem:s31+$0x50] =	vst v5;
	v3 =	vsel vm1, $0x25800000, v3;
	vm1 =	veq.f32 v62, $0.0e+00  }
0x28b: {  	[tilespmem:s31+$0x60] =	vst v3;
	v3 =	vsel vm1, $0x25800000, v62  }
0x28c: {  	s29 =	sadd.s32 $0x200, s29;
	s30 =	sadd.s32 $0x200, s30;
	s28 =	sadd.s32 $0x200, s28;
	[tilespmem:s31+$0x70] =	vst v3  }
0x28d: {  	s25 =	sadd.s32 $0x1, s25  }
0x28e: {  	p0 =	sne.s32 s25, s11  }
.Ltmp1:
0x28f: {  	_ = 	snop;
	(pc) =	sbr.rel @p0 .LBB2_1-.Ltmp1, $4  }
0x290: {  	[hbm4b:s10+s2] =	stream.linear.scatter [tilespmem:s2], [sflag:$0x2], $0xC000, $0x38;
	[tilespmem:$0x1C100] =	vst v63  }
0x291: {  	_ =	swait.ge [sflag:s13], $0xC000  }
0x292: {  	[sflag:s13] =	ssyncset.done $0x0  }
0x293: {  	[sflag:s13] =	ssyncadd.s32 $0xFFFF4000  }
0x294: {  	_ =	sfence.sel $0x180000  }
0x295: {  	[bflag:$0x0] =	sbarrier.arrive $0xFFFF  }
0x296: {  	_ =	strace $0x9000004A  }
0x297: {  	s0 =	stileid.u32;
	[bflag:$0x2] =	sbarrier.arrive $0xFFFF  }
0x298: {  	p0 =	sne.s32 s0, $0x0;
	s0 =	rddreg [dreg:$0x2]  }
0x299: {  	s0 =	sadd.s32 @!p0 $0x100000, s0  }
0x29a: {  	[sflag:s0] =	ssyncadd.tile.s32 @!p0 $0x1;
	_ =	shalt  }
.Lfunc_end2:
_tile_overlayer_lowered:
.L_overlay_start_2:
0x29b: {  	(tag) =	ssettag $0x2  }
0x29c: {  	s0 =	rddreg [dreg:$0x0];
	s2 =	stileid.u32  }
0x29d: {  	s1 =	rddreg [dreg:$0x1];
	p0 =	sne.s32 s2, $0x0  }
0x29e: {  	s3 =	rddreg [dreg:$0x2];
	[bflag:$0x3] =	sbarrier.arrive $0xFFFF;
	s2 =	simm.s32 @!p0 $0x1C02  }
0x29f: {  	[timem:s3], [sflag:s2] =	dma.local @!p0 [hbm:s0], s1  }
0x2a0: {  	s0 =	simm.s32 @!p0 $0x2  }
0x2a1: {  	_ =	swait.ge @!p0 [sflag:s0], s1  }
0x2a2: {  	s1 =	ssub.s32 @!p0 $0x0, s1;
	[sflag:s0] =	ssyncset.done @!p0 $0x0  }
0x2a3: {  	[sflag:s0] =	ssyncadd.s32 @!p0 s1  }
0x2a4: {  	[bflag:$0x3] =	sbarrier.arrive $0xFFFF  }
0x2a5: {  	_ =	shalt  }

</sc_bundles>
